<compile_context>
chip_gen: v7x
topology: tpu7x:2x2x1
jax: 0.10.2.dev20260603
libtpu: 0.0.44.dev20260713+nightly
codegen_flags: <defaults>
</compile_context>

<pallas_src>
import jax
import jax.numpy as jnp
from jax import lax
from jax.experimental import pallas as pl
from jax.experimental.pallas import tpu as pltpu
from jax.experimental.pallas import tpu_sc as plsc

VOCAB = 1000000
D = 128
SEQ = 200
BATCH = 4096
NC, NS = 2, 16
NW = NC * NS
ROWS = BATCH * SEQ
SPW = BATCH // NW
NBUF = 4
LEAD = 2


def _embed_body(tok_hbm, table_hbm, pos_hbm, rtab_hbm, out_hbm,
                idx_v, pos_v, rtab_v, rows_v, oidx_v,
                g0, g1, g2, g3, s0, s1, s2, s3):
    gsems = (g0, g1, g2, g3)
    ssems = (s0, s1, s2, s3)
    wid = lax.axis_index("s") * NC + lax.axis_index("c")
    wbase = wid * SPW * SEQ
    pltpu.sync_copy(tok_hbm.at[wid], idx_v)

    for b in range(LEAD):
        pltpu.async_copy(table_hbm.at[idx_v.at[b]], rows_v.at[b], gsems[b])

    pltpu.sync_copy(pos_hbm, pos_v)
    pltpu.sync_copy(rtab_hbm, rtab_v)

    def process(i, carry):
        for b in range(NBUF):
            l = i * NBUF + b
            pltpu.make_async_copy(
                table_hbm.at[idx_v.at[l]], rows_v.at[b], gsems[b]).wait()
            off = wbase + l
            for v in range(SPW // 16):
                sl = pl.ds(v * 16, 16)
                oidx_v[b, sl] = rtab_v[sl] + off
            rb = rows_v.at[b]
            pv = [pos_v[pl.ds(l * D + v * 16, 16)] for v in range(D // 16)]

            @plsc.parallel_loop(0, SPW, unroll=4)
            def row_body(r):
                for v in range(D // 16):
                    sl = pl.ds(v * 16, 16)
                    rb[r, sl] = rb[r, sl] + pv[v]

            pltpu.async_copy(rows_v.at[b], out_hbm.at[oidx_v.at[b]], ssems[b])
            nb = (b + LEAD) % NBUF
            ln = l + LEAD

            @pl.when(ln < SEQ)
            def _():
                @pl.when(ln >= NBUF)
                def _():
                    pltpu.make_async_copy(
                        rows_v.at[nb], out_hbm.at[oidx_v.at[nb]],
                        ssems[nb]).wait()
                pltpu.async_copy(table_hbm.at[idx_v.at[ln]], rows_v.at[nb],
                                 gsems[nb])
        return carry

    lax.fori_loop(0, SEQ // NBUF, process, 0)

    for b in range(NBUF):
        pltpu.make_async_copy(
            rows_v.at[b], out_hbm.at[oidx_v.at[b]], ssems[b]).wait()


@jax.jit
def _embed(tok_r, table, pos_flat, rtab):
    mesh = plsc.VectorSubcoreMesh(core_axis_name="c", subcore_axis_name="s")
    f = pl.kernel(
        _embed_body,
        out_type=jax.ShapeDtypeStruct((ROWS, D), jnp.float32),
        mesh=mesh,
        scratch_types=[
            pltpu.VMEM((SEQ, SPW), jnp.int32),
            pltpu.VMEM((SEQ * D,), jnp.float32),
            pltpu.VMEM((SPW,), jnp.int32),
            pltpu.VMEM((NBUF, SPW, D), jnp.float32),
            pltpu.VMEM((NBUF, SPW), jnp.int32),
        ] + [pltpu.SemaphoreType.DMA] * (2 * NBUF),
    )
    return f(tok_r, table, pos_flat, rtab)


def kernel(token_ids, table, pos_encoding):
    tok_r = (token_ids.reshape(NW, SPW, SEQ).transpose(0, 2, 1)
             .astype(jnp.int32))
    pos_flat = pos_encoding.reshape(SEQ * D).astype(jnp.float32)
    rtab = jnp.arange(SPW, dtype=jnp.int32) * SEQ
    out = _embed(tok_r, table, pos_flat, rtab)
    return out.reshape(BATCH, SEQ, D)

# --- scband reference (transcript-rebuilt; emitter-appended) ---
"""Pipeline reference for scband-text-embedder-33122787787525 (READ-ONLY COPY).

The authoritative reference and input builder live on the scoring server;
editing this copy changes nothing except your own understanding.
"""

import jax, jax.numpy as jnp
import numpy as np

VOCAB = 1000000
EMBED_LEN = 128
MAX_LEN = 200
BATCH = 4096

def _positional_encoding(max_len, embed_len):
    position = np.arange(0, max_len, dtype=np.float32)[:, None]
    div_term = np.exp(np.arange(0, embed_len, 2, dtype=np.float32) * (-np.log(10000.0) / embed_len))
    pe = np.zeros((max_len, embed_len), dtype=np.float32)
    pe[:, 0::2] = np.sin(position * div_term)
    pe[:, 1::2] = np.cos(position * div_term)
    return jnp.asarray(pe)[None, :, :]

def setup_inputs(seed: int = 0) -> dict:
    key = jax.random.key(seed)
    k1, k2 = jax.random.split(key)
    token_ids = jax.random.randint(k1, (BATCH, MAX_LEN), 0, VOCAB)
    table = jax.random.normal(k2, (VOCAB, EMBED_LEN), dtype=jnp.float32)
    pos_encoding = _positional_encoding(MAX_LEN, EMBED_LEN)
    return {"token_ids": token_ids, "table": table, "pos_encoding": pos_encoding}

def reference(token_ids, table, pos_encoding):
    # embed_and_encode: embedding lookup then add positional encoding
    embedded = jnp.take(table, token_ids, axis=0)  # [B, L, D]
    pos = pos_encoding[:, :embedded.shape[1], :]
    return embedded + pos

if __name__ == "__main__":
    import jax
    _d = setup_inputs()
    print(jax.jit(kernel)(*tuple(_d.values())))

</pallas_src>

<mosaic_0001>
#map = affine_map<(d0, d1) -> (0, 0, 0)>
#map1 = affine_map<(d0, d1) -> (0, 0)>
#map2 = affine_map<(d0, d1) -> (0)>
module attributes {stable_mosaic.version = 14 : i64} {
  func.func @_embed_body(%arg0: i32, %arg1: i32, %arg2: memref<32x200x128xi32, #tpu.memory_space<hbm>>, %arg3: memref<1000000x128xf32, #tpu.memory_space<hbm>>, %arg4: memref<25600xf32, #tpu.memory_space<hbm>>, %arg5: memref<128xi32, #tpu.memory_space<hbm>>, %arg6: memref<819200x128xf32, #tpu.memory_space<hbm>>, %arg7: memref<200x128xi32, #tpu.memory_space<vmem>>, %arg8: memref<25600xf32, #tpu.memory_space<vmem>>, %arg9: memref<128xi32, #tpu.memory_space<vmem>>, %arg10: memref<4x128x128xf32, #tpu.memory_space<vmem>>, %arg11: memref<4x128xi32, #tpu.memory_space<vmem>>, %arg12: memref<!tpu.dma_semaphore, #tpu.memory_space<semaphore_mem>>, %arg13: memref<!tpu.dma_semaphore, #tpu.memory_space<semaphore_mem>>, %arg14: memref<!tpu.dma_semaphore, #tpu.memory_space<semaphore_mem>>, %arg15: memref<!tpu.dma_semaphore, #tpu.memory_space<semaphore_mem>>, %arg16: memref<!tpu.dma_semaphore, #tpu.memory_space<semaphore_mem>>, %arg17: memref<!tpu.dma_semaphore, #tpu.memory_space<semaphore_mem>>, %arg18: memref<!tpu.dma_semaphore, #tpu.memory_space<semaphore_mem>>, %arg19: memref<!tpu.dma_semaphore, #tpu.memory_space<semaphore_mem>>) attributes {dimension_semantics = [#tpu.dimension_semantics<core_parallel>, #tpu.dimension_semantics<subcore_parallel>], iteration_bounds = array<i64: 2, 16>, scalar_prefetch = 0 : i64, scratch_operands = 13 : i64, tpu.core_type = #tpu.core_type<sc_vector_subcore>, window_params = [{transform_indices = #map}, {transform_indices = #map1}, {transform_indices = #map2}, {transform_indices = #map2}, {transform_indices = #map1}]} {
    %mul3A = arith.constant 2 : i32
    %mul3A_0 = arith.muli %arg1, %mul3A : i32
    %add3A = arith.addi %mul3A_0, %arg0 : i32
    %mul3A_1 = arith.constant 128 : i32
    %mul3A_2 = arith.muli %add3A, %mul3A_1 : i32
    %mul3A_3 = arith.constant 200 : i32
    %mul3A_4 = arith.muli %mul3A_2, %mul3A_3 : i32
    "tpu.region"() ({
      %run_scoped3A = tpu.sem_alloc : memref<!tpu.dma_semaphore, #tpu.memory_space<semaphore_mem>>
      %dma_start3A_80 = arith.constant 0 : i32
      %dma_start3A_81 = arith.constant 0 : i32
      %dma_start3A_82 = tpu.memref_slice %arg2[%add3A, %dma_start3A_80, %dma_start3A_81] : memref<32x200x128xi32, #tpu.memory_space<hbm>> -> memref<1x200x128xi32, #tpu.memory_space<hbm>>
      %dma_start3A_83 = tpu.memref_squeeze %dma_start3A_82 : memref<1x200x128xi32, #tpu.memory_space<hbm>> -> memref<200x128xi32, #tpu.memory_space<hbm>>
      %dma_start3A_84 = arith.constant 0 : i32
      %dma_start3A_85 = arith.constant 0 : i32
      %dma_start3A_86 = tpu.memref_slice %arg2[%add3A, %dma_start3A_84, %dma_start3A_85] : memref<32x200x128xi32, #tpu.memory_space<hbm>> -> memref<1x200x128xi32, #tpu.memory_space<hbm>>
      %dma_start3A_87 = tpu.memref_squeeze %dma_start3A_86 : memref<1x200x128xi32, #tpu.memory_space<hbm>> -> memref<200x128xi32, #tpu.memory_space<hbm>>
      tpu.enqueue_dma source(%dma_start3A_87 : memref<200x128xi32, #tpu.memory_space<hbm>>) target(%arg7 : memref<200x128xi32, #tpu.memory_space<vmem>>) target_semaphore(%run_scoped3A : memref<!tpu.dma_semaphore, #tpu.memory_space<semaphore_mem>>)
      %dma_wait3A_88 = arith.constant 0 : i32
      %dma_wait3A_89 = arith.constant 0 : i32
      %dma_wait3A_90 = tpu.memref_slice %arg2[%add3A, %dma_wait3A_88, %dma_wait3A_89] : memref<32x200x128xi32, #tpu.memory_space<hbm>> -> memref<1x200x128xi32, #tpu.memory_space<hbm>>
      %dma_wait3A_91 = tpu.memref_squeeze %dma_wait3A_90 : memref<1x200x128xi32, #tpu.memory_space<hbm>> -> memref<200x128xi32, #tpu.memory_space<hbm>>
      %dma_wait3A_92 = arith.constant 0 : i32
      %dma_wait3A_93 = arith.constant 0 : i32
      %dma_wait3A_94 = tpu.memref_slice %arg2[%add3A, %dma_wait3A_92, %dma_wait3A_93] : memref<32x200x128xi32, #tpu.memory_space<hbm>> -> memref<1x200x128xi32, #tpu.memory_space<hbm>>
      %dma_wait3A_95 = tpu.memref_squeeze %dma_wait3A_94 : memref<1x200x128xi32, #tpu.memory_space<hbm>> -> memref<200x128xi32, #tpu.memory_space<hbm>>
      tpu.wait_dma2 semaphore(%run_scoped3A : memref<!tpu.dma_semaphore, #tpu.memory_space<semaphore_mem>>) src(%dma_wait3A_95 : memref<200x128xi32, #tpu.memory_space<hbm>>) dst(%arg7 : memref<200x128xi32, #tpu.memory_space<vmem>>)
      tpu.yield
    }) : () -> ()
    %dma_start3A = arith.constant 0 : i32
    %dma_start3A_5 = arith.constant 0 : i32
    %dma_start3A_6 = arith.constant 0 : i32
    %dma_start3A_7 = arith.constant 0 : i32
    %dma_start3A_8 = tpu.memref_slice %arg10[%dma_start3A_5, %dma_start3A_6, %dma_start3A_7] : memref<4x128x128xf32, #tpu.memory_space<vmem>> -> memref<1x128x128xf32, #tpu.memory_space<vmem>>
    %dma_start3A_9 = tpu.memref_squeeze %dma_start3A_8 : memref<1x128x128xf32, #tpu.memory_space<vmem>> -> memref<128x128xf32, #tpu.memory_space<vmem>>
    %dma_start3A_10 = arith.constant 0 : i32
    %dma_start3A_11 = tpu.memref_slice %arg7[%dma_start3A, %dma_start3A_10] : memref<200x128xi32, #tpu.memory_space<vmem>> -> memref<1x128xi32, #tpu.memory_space<vmem>>
    %dma_start3A_12 = tpu.memref_squeeze %dma_start3A_11 : memref<1x128xi32, #tpu.memory_space<vmem>> -> memref<128xi32, #tpu.memory_space<vmem>>
    %dma_start3A_13 = arith.constant 0 : i32
    %dma_start3A_14 = arith.constant 0 : i32
    %dma_start3A_15 = tpu.memref_slice %arg3[%dma_start3A_13, %dma_start3A_14] : memref<1000000x128xf32, #tpu.memory_space<hbm>> -> memref<1000000x128xf32, #tpu.memory_space<hbm>>
    tpu.enqueue_indirect_dma source(%dma_start3A_15 : memref<1000000x128xf32, #tpu.memory_space<hbm>>) target(%dma_start3A_9 : memref<128x128xf32, #tpu.memory_space<vmem>>) offsets(%dma_start3A_12 : memref<128xi32, #tpu.memory_space<vmem>>) semaphore(%arg12 : memref<!tpu.dma_semaphore, #tpu.memory_space<semaphore_mem>>)
    %dma_start3A_16 = arith.constant 1 : i32
    %dma_start3A_17 = arith.constant 1 : i32
    %dma_start3A_18 = arith.constant 0 : i32
    %dma_start3A_19 = arith.constant 0 : i32
    %dma_start3A_20 = tpu.memref_slice %arg10[%dma_start3A_17, %dma_start3A_18, %dma_start3A_19] : memref<4x128x128xf32, #tpu.memory_space<vmem>> -> memref<1x128x128xf32, #tpu.memory_space<vmem>>
    %dma_start3A_21 = tpu.memref_squeeze %dma_start3A_20 : memref<1x128x128xf32, #tpu.memory_space<vmem>> -> memref<128x128xf32, #tpu.memory_space<vmem>>
    %dma_start3A_22 = arith.constant 0 : i32
    %dma_start3A_23 = tpu.memref_slice %arg7[%dma_start3A_16, %dma_start3A_22] : memref<200x128xi32, #tpu.memory_space<vmem>> -> memref<1x128xi32, #tpu.memory_space<vmem>>
    %dma_start3A_24 = tpu.memref_squeeze %dma_start3A_23 : memref<1x128xi32, #tpu.memory_space<vmem>> -> memref<128xi32, #tpu.memory_space<vmem>>
    %dma_start3A_25 = arith.constant 0 : i32
    %dma_start3A_26 = arith.constant 0 : i32
    %dma_start3A_27 = tpu.memref_slice %arg3[%dma_start3A_25, %dma_start3A_26] : memref<1000000x128xf32, #tpu.memory_space<hbm>> -> memref<1000000x128xf32, #tpu.memory_space<hbm>>
    tpu.enqueue_indirect_dma source(%dma_start3A_27 : memref<1000000x128xf32, #tpu.memory_space<hbm>>) target(%dma_start3A_21 : memref<128x128xf32, #tpu.memory_space<vmem>>) offsets(%dma_start3A_24 : memref<128xi32, #tpu.memory_space<vmem>>) semaphore(%arg13 : memref<!tpu.dma_semaphore, #tpu.memory_space<semaphore_mem>>)
    "tpu.region"() ({
      %run_scoped3A = tpu.sem_alloc : memref<!tpu.dma_semaphore, #tpu.memory_space<semaphore_mem>>
      tpu.enqueue_dma source(%arg4 : memref<25600xf32, #tpu.memory_space<hbm>>) target(%arg8 : memref<25600xf32, #tpu.memory_space<vmem>>) target_semaphore(%run_scoped3A : memref<!tpu.dma_semaphore, #tpu.memory_space<semaphore_mem>>)
      tpu.wait_dma2 semaphore(%run_scoped3A : memref<!tpu.dma_semaphore, #tpu.memory_space<semaphore_mem>>) src(%arg4 : memref<25600xf32, #tpu.memory_space<hbm>>) dst(%arg8 : memref<25600xf32, #tpu.memory_space<vmem>>)
      tpu.yield
    }) : () -> ()
    "tpu.region"() ({
      %run_scoped3A = tpu.sem_alloc : memref<!tpu.dma_semaphore, #tpu.memory_space<semaphore_mem>>
      tpu.enqueue_dma source(%arg5 : memref<128xi32, #tpu.memory_space<hbm>>) target(%arg9 : memref<128xi32, #tpu.memory_space<vmem>>) target_semaphore(%run_scoped3A : memref<!tpu.dma_semaphore, #tpu.memory_space<semaphore_mem>>)
      tpu.wait_dma2 semaphore(%run_scoped3A : memref<!tpu.dma_semaphore, #tpu.memory_space<semaphore_mem>>) src(%arg5 : memref<128xi32, #tpu.memory_space<hbm>>) dst(%arg9 : memref<128xi32, #tpu.memory_space<vmem>>)
      tpu.yield
    }) : () -> ()
    %scan3A = arith.constant 0 : i32
    %scan3A_28 = arith.constant 0 : i32
    %scan3A_29 = arith.constant 50 : i32
    %scan3A_30 = arith.addi %scan3A_28, %scan3A_29 : i32
    %scan3A_31 = arith.constant 1 : i32
    scf.for %scan3A_80 = %scan3A_28 to %scan3A_30 step %scan3A_31  : i32 {
      %mul3A_81 = arith.constant 4 : i32
      %mul3A_82 = arith.muli %scan3A_80, %mul3A_81 : i32
      %add3A_83 = arith.constant 0 : i32
      %add3A_84 = arith.addi %mul3A_82, %add3A_83 : i32
      %dma_wait3A_85 = arith.constant 0 : i32
      %dma_wait3A_86 = arith.constant 0 : i32
      %dma_wait3A_87 = arith.constant 0 : i32
      %dma_wait3A_88 = tpu.memref_slice %arg10[%dma_wait3A_85, %dma_wait3A_86, %dma_wait3A_87] : memref<4x128x128xf32, #tpu.memory_space<vmem>> -> memref<1x128x128xf32, #tpu.memory_space<vmem>>
      %dma_wait3A_89 = tpu.memref_squeeze %dma_wait3A_88 : memref<1x128x128xf32, #tpu.memory_space<vmem>> -> memref<128x128xf32, #tpu.memory_space<vmem>>
      %dma_wait3A_90 = arith.constant 0 : i32
      %dma_wait3A_91 = tpu.memref_slice %arg7[%add3A_84, %dma_wait3A_90] : memref<200x128xi32, #tpu.memory_space<vmem>> -> memref<1x128xi32, #tpu.memory_space<vmem>>
      %dma_wait3A_92 = tpu.memref_squeeze %dma_wait3A_91 : memref<1x128xi32, #tpu.memory_space<vmem>> -> memref<128xi32, #tpu.memory_space<vmem>>
      %dma_wait3A_93 = arith.constant 0 : i32
      %dma_wait3A_94 = arith.constant 0 : i32
      %dma_wait3A_95 = tpu.memref_slice %arg3[%dma_wait3A_93, %dma_wait3A_94] : memref<1000000x128xf32, #tpu.memory_space<hbm>> -> memref<1000000x128xf32, #tpu.memory_space<hbm>>
      tpu.wait_indirect_dma semaphore(%arg12 : memref<!tpu.dma_semaphore, #tpu.memory_space<semaphore_mem>>) src(%dma_wait3A_95 : memref<1000000x128xf32, #tpu.memory_space<hbm>>) dst(%dma_wait3A_89 : memref<128x128xf32, #tpu.memory_space<vmem>>)
      %add3A_96 = arith.addi %mul3A_4, %add3A_84 : i32
      %get3A = arith.constant 0 : index
      %get3A_97 = tpu.vector_load %arg9[%get3A] {strides = array<i32>} : memref<128xi32, #tpu.memory_space<vmem>>, vector<16xi32>,
      %get3A_98 = vector.shape_cast %get3A_97 : vector<16xi32> to vector<16xi32>
      %add3A_99 = vector.broadcast %add3A_96 : i32 to vector<16xi32>
      %add3A_100 = arith.addi %get3A_98, %add3A_99 : vector<16xi32>
      %swap3A = arith.constant 0 : i32
      %swap3A_101 = arith.index_cast %swap3A : i32 to index
      %swap3A_102 = arith.constant 0 : index
      %swap3A_103 = tpu.vector_load %arg11[%swap3A_101, %swap3A_102] {strides = array<i32>} : memref<4x128xi32, #tpu.memory_space<vmem>>, vector<1x16xi32>,
      %swap3A_104 = vector.shape_cast %swap3A_103 : vector<1x16xi32> to vector<16xi32>
      %swap3A_105 = vector.shape_cast %add3A_100 : vector<16xi32> to vector<1x16xi32>
      tpu.vector_store %arg11[%swap3A_101, %swap3A_102], %swap3A_105 {strides = array<i32>} : memref<4x128xi32, #tpu.memory_space<vmem>>, vector<1x16xi32>,
      %get3A_106 = arith.constant 16 : index
      %get3A_107 = tpu.vector_load %arg9[%get3A_106] {strides = array<i32>} : memref<128xi32, #tpu.memory_space<vmem>>, vector<16xi32>,
      %get3A_108 = vector.shape_cast %get3A_107 : vector<16xi32> to vector<16xi32>
      %add3A_109 = vector.broadcast %add3A_96 : i32 to vector<16xi32>
      %add3A_110 = arith.addi %get3A_108, %add3A_109 : vector<16xi32>
      %swap3A_111 = arith.constant 0 : i32
      %swap3A_112 = arith.index_cast %swap3A_111 : i32 to index
      %swap3A_113 = arith.constant 16 : index
      %swap3A_114 = tpu.vector_load %arg11[%swap3A_112, %swap3A_113] {strides = array<i32>} : memref<4x128xi32, #tpu.memory_space<vmem>>, vector<1x16xi32>,
      %swap3A_115 = vector.shape_cast %swap3A_114 : vector<1x16xi32> to vector<16xi32>
      %swap3A_116 = vector.shape_cast %add3A_110 : vector<16xi32> to vector<1x16xi32>
      tpu.vector_store %arg11[%swap3A_112, %swap3A_113], %swap3A_116 {strides = array<i32>} : memref<4x128xi32, #tpu.memory_space<vmem>>, vector<1x16xi32>,
      %get3A_117 = arith.constant 32 : index
      %get3A_118 = tpu.vector_load %arg9[%get3A_117] {strides = array<i32>} : memref<128xi32, #tpu.memory_space<vmem>>, vector<16xi32>,
      %get3A_119 = vector.shape_cast %get3A_118 : vector<16xi32> to vector<16xi32>
      %add3A_120 = vector.broadcast %add3A_96 : i32 to vector<16xi32>
      %add3A_121 = arith.addi %get3A_119, %add3A_120 : vector<16xi32>
      %swap3A_122 = arith.constant 0 : i32
      %swap3A_123 = arith.index_cast %swap3A_122 : i32 to index
      %swap3A_124 = arith.constant 32 : index
      %swap3A_125 = tpu.vector_load %arg11[%swap3A_123, %swap3A_124] {strides = array<i32>} : memref<4x128xi32, #tpu.memory_space<vmem>>, vector<1x16xi32>,
      %swap3A_126 = vector.shape_cast %swap3A_125 : vector<1x16xi32> to vector<16xi32>
      %swap3A_127 = vector.shape_cast %add3A_121 : vector<16xi32> to vector<1x16xi32>
      tpu.vector_store %arg11[%swap3A_123, %swap3A_124], %swap3A_127 {strides = array<i32>} : memref<4x128xi32, #tpu.memory_space<vmem>>, vector<1x16xi32>,
      %get3A_128 = arith.constant 48 : index
      %get3A_129 = tpu.vector_load %arg9[%get3A_128] {strides = array<i32>} : memref<128xi32, #tpu.memory_space<vmem>>, vector<16xi32>,
      %get3A_130 = vector.shape_cast %get3A_129 : vector<16xi32> to vector<16xi32>
      %add3A_131 = vector.broadcast %add3A_96 : i32 to vector<16xi32>
      %add3A_132 = arith.addi %get3A_130, %add3A_131 : vector<16xi32>
      %swap3A_133 = arith.constant 0 : i32
      %swap3A_134 = arith.index_cast %swap3A_133 : i32 to index
      %swap3A_135 = arith.constant 48 : index
      %swap3A_136 = tpu.vector_load %arg11[%swap3A_134, %swap3A_135] {strides = array<i32>} : memref<4x128xi32, #tpu.memory_space<vmem>>, vector<1x16xi32>,
      %swap3A_137 = vector.shape_cast %swap3A_136 : vector<1x16xi32> to vector<16xi32>
      %swap3A_138 = vector.shape_cast %add3A_132 : vector<16xi32> to vector<1x16xi32>
      tpu.vector_store %arg11[%swap3A_134, %swap3A_135], %swap3A_138 {strides = array<i32>} : memref<4x128xi32, #tpu.memory_space<vmem>>, vector<1x16xi32>,
      %get3A_139 = arith.constant 64 : index
      %get3A_140 = tpu.vector_load %arg9[%get3A_139] {strides = array<i32>} : memref<128xi32, #tpu.memory_space<vmem>>, vector<16xi32>,
      %get3A_141 = vector.shape_cast %get3A_140 : vector<16xi32> to vector<16xi32>
      %add3A_142 = vector.broadcast %add3A_96 : i32 to vector<16xi32>
      %add3A_143 = arith.addi %get3A_141, %add3A_142 : vector<16xi32>
      %swap3A_144 = arith.constant 0 : i32
      %swap3A_145 = arith.index_cast %swap3A_144 : i32 to index
      %swap3A_146 = arith.constant 64 : index
      %swap3A_147 = tpu.vector_load %arg11[%swap3A_145, %swap3A_146] {strides = array<i32>} : memref<4x128xi32, #tpu.memory_space<vmem>>, vector<1x16xi32>,
      %swap3A_148 = vector.shape_cast %swap3A_147 : vector<1x16xi32> to vector<16xi32>
      %swap3A_149 = vector.shape_cast %add3A_143 : vector<16xi32> to vector<1x16xi32>
      tpu.vector_store %arg11[%swap3A_145, %swap3A_146], %swap3A_149 {strides = array<i32>} : memref<4x128xi32, #tpu.memory_space<vmem>>, vector<1x16xi32>,
      %get3A_150 = arith.constant 80 : index
      %get3A_151 = tpu.vector_load %arg9[%get3A_150] {strides = array<i32>} : memref<128xi32, #tpu.memory_space<vmem>>, vector<16xi32>,
      %get3A_152 = vector.shape_cast %get3A_151 : vector<16xi32> to vector<16xi32>
      %add3A_153 = vector.broadcast %add3A_96 : i32 to vector<16xi32>
      %add3A_154 = arith.addi %get3A_152, %add3A_153 : vector<16xi32>
      %swap3A_155 = arith.constant 0 : i32
      %swap3A_156 = arith.index_cast %swap3A_155 : i32 to index
      %swap3A_157 = arith.constant 80 : index
      %swap3A_158 = tpu.vector_load %arg11[%swap3A_156, %swap3A_157] {strides = array<i32>} : memref<4x128xi32, #tpu.memory_space<vmem>>, vector<1x16xi32>,
      %swap3A_159 = vector.shape_cast %swap3A_158 : vector<1x16xi32> to vector<16xi32>
      %swap3A_160 = vector.shape_cast %add3A_154 : vector<16xi32> to vector<1x16xi32>
      tpu.vector_store %arg11[%swap3A_156, %swap3A_157], %swap3A_160 {strides = array<i32>} : memref<4x128xi32, #tpu.memory_space<vmem>>, vector<1x16xi32>,
      %get3A_161 = arith.constant 96 : index
      %get3A_162 = tpu.vector_load %arg9[%get3A_161] {strides = array<i32>} : memref<128xi32, #tpu.memory_space<vmem>>, vector<16xi32>,
      %get3A_163 = vector.shape_cast %get3A_162 : vector<16xi32> to vector<16xi32>
      %add3A_164 = vector.broadcast %add3A_96 : i32 to vector<16xi32>
      %add3A_165 = arith.addi %get3A_163, %add3A_164 : vector<16xi32>
      %swap3A_166 = arith.constant 0 : i32
      %swap3A_167 = arith.index_cast %swap3A_166 : i32 to index
      %swap3A_168 = arith.constant 96 : index
      %swap3A_169 = tpu.vector_load %arg11[%swap3A_167, %swap3A_168] {strides = array<i32>} : memref<4x128xi32, #tpu.memory_space<vmem>>, vector<1x16xi32>,
      %swap3A_170 = vector.shape_cast %swap3A_169 : vector<1x16xi32> to vector<16xi32>
      %swap3A_171 = vector.shape_cast %add3A_165 : vector<16xi32> to vector<1x16xi32>
      tpu.vector_store %arg11[%swap3A_167, %swap3A_168], %swap3A_171 {strides = array<i32>} : memref<4x128xi32, #tpu.memory_space<vmem>>, vector<1x16xi32>,
      %get3A_172 = arith.constant 112 : index
      %get3A_173 = tpu.vector_load %arg9[%get3A_172] {strides = array<i32>} : memref<128xi32, #tpu.memory_space<vmem>>, vector<16xi32>,
      %get3A_174 = vector.shape_cast %get3A_173 : vector<16xi32> to vector<16xi32>
      %add3A_175 = vector.broadcast %add3A_96 : i32 to vector<16xi32>
      %add3A_176 = arith.addi %get3A_174, %add3A_175 : vector<16xi32>
      %swap3A_177 = arith.constant 0 : i32
      %swap3A_178 = arith.index_cast %swap3A_177 : i32 to index
      %swap3A_179 = arith.constant 112 : index
      %swap3A_180 = tpu.vector_load %arg11[%swap3A_178, %swap3A_179] {strides = array<i32>} : memref<4x128xi32, #tpu.memory_space<vmem>>, vector<1x16xi32>,
      %swap3A_181 = vector.shape_cast %swap3A_180 : vector<1x16xi32> to vector<16xi32>
      %swap3A_182 = vector.shape_cast %add3A_176 : vector<16xi32> to vector<1x16xi32>
      tpu.vector_store %arg11[%swap3A_178, %swap3A_179], %swap3A_182 {strides = array<i32>} : memref<4x128xi32, #tpu.memory_space<vmem>>, vector<1x16xi32>,
      %mul3A_183 = arith.constant 128 : i32
      %mul3A_184 = arith.muli %add3A_84, %mul3A_183 : i32
      %add3A_185 = arith.constant 0 : i32
      %add3A_186 = arith.addi %mul3A_184, %add3A_185 : i32
      %get3A_187 = arith.index_cast %add3A_186 : i32 to index
      %get3A_188 = tpu.vector_load %arg8[%get3A_187] {strides = array<i32>} : memref<25600xf32, #tpu.memory_space<vmem>>, vector<16xf32>,
      %get3A_189 = vector.shape_cast %get3A_188 : vector<16xf32> to vector<16xf32>
      %mul3A_190 = arith.constant 128 : i32
      %mul3A_191 = arith.muli %add3A_84, %mul3A_190 : i32
      %add3A_192 = arith.constant 16 : i32
      %add3A_193 = arith.addi %mul3A_191, %add3A_192 : i32
      %get3A_194 = arith.index_cast %add3A_193 : i32 to index
      %get3A_195 = tpu.vector_load %arg8[%get3A_194] {strides = array<i32>} : memref<25600xf32, #tpu.memory_space<vmem>>, vector<16xf32>,
      %get3A_196 = vector.shape_cast %get3A_195 : vector<16xf32> to vector<16xf32>
      %mul3A_197 = arith.constant 128 : i32
      %mul3A_198 = arith.muli %add3A_84, %mul3A_197 : i32
      %add3A_199 = arith.constant 32 : i32
      %add3A_200 = arith.addi %mul3A_198, %add3A_199 : i32
      %get3A_201 = arith.index_cast %add3A_200 : i32 to index
      %get3A_202 = tpu.vector_load %arg8[%get3A_201] {strides = array<i32>} : memref<25600xf32, #tpu.memory_space<vmem>>, vector<16xf32>,
      %get3A_203 = vector.shape_cast %get3A_202 : vector<16xf32> to vector<16xf32>
      %mul3A_204 = arith.constant 128 : i32
      %mul3A_205 = arith.muli %add3A_84, %mul3A_204 : i32
      %add3A_206 = arith.constant 48 : i32
      %add3A_207 = arith.addi %mul3A_205, %add3A_206 : i32
      %get3A_208 = arith.index_cast %add3A_207 : i32 to index
      %get3A_209 = tpu.vector_load %arg8[%get3A_208] {strides = array<i32>} : memref<25600xf32, #tpu.memory_space<vmem>>, vector<16xf32>,
      %get3A_210 = vector.shape_cast %get3A_209 : vector<16xf32> to vector<16xf32>
      %mul3A_211 = arith.constant 128 : i32
      %mul3A_212 = arith.muli %add3A_84, %mul3A_211 : i32
      %add3A_213 = arith.constant 64 : i32
      %add3A_214 = arith.addi %mul3A_212, %add3A_213 : i32
      %get3A_215 = arith.index_cast %add3A_214 : i32 to index
      %get3A_216 = tpu.vector_load %arg8[%get3A_215] {strides = array<i32>} : memref<25600xf32, #tpu.memory_space<vmem>>, vector<16xf32>,
      %get3A_217 = vector.shape_cast %get3A_216 : vector<16xf32> to vector<16xf32>
      %mul3A_218 = arith.constant 128 : i32
      %mul3A_219 = arith.muli %add3A_84, %mul3A_218 : i32
      %add3A_220 = arith.constant 80 : i32
      %add3A_221 = arith.addi %mul3A_219, %add3A_220 : i32
      %get3A_222 = arith.index_cast %add3A_221 : i32 to index
      %get3A_223 = tpu.vector_load %arg8[%get3A_222] {strides = array<i32>} : memref<25600xf32, #tpu.memory_space<vmem>>, vector<16xf32>,
      %get3A_224 = vector.shape_cast %get3A_223 : vector<16xf32> to vector<16xf32>
      %mul3A_225 = arith.constant 128 : i32
      %mul3A_226 = arith.muli %add3A_84, %mul3A_225 : i32
      %add3A_227 = arith.constant 96 : i32
      %add3A_228 = arith.addi %mul3A_226, %add3A_227 : i32
      %get3A_229 = arith.index_cast %add3A_228 : i32 to index
      %get3A_230 = tpu.vector_load %arg8[%get3A_229] {strides = array<i32>} : memref<25600xf32, #tpu.memory_space<vmem>>, vector<16xf32>,
      %get3A_231 = vector.shape_cast %get3A_230 : vector<16xf32> to vector<16xf32>
      %mul3A_232 = arith.constant 128 : i32
      %mul3A_233 = arith.muli %add3A_84, %mul3A_232 : i32
      %add3A_234 = arith.constant 112 : i32
      %add3A_235 = arith.addi %mul3A_233, %add3A_234 : i32
      %get3A_236 = arith.index_cast %add3A_235 : i32 to index
      %get3A_237 = tpu.vector_load %arg8[%get3A_236] {strides = array<i32>} : memref<25600xf32, #tpu.memory_space<vmem>>, vector<16xf32>,
      %get3A_238 = vector.shape_cast %get3A_237 : vector<16xf32> to vector<16xf32>
      %parallel_loop3A = arith.constant 0 : i32
      %parallel_loop3A_239 = arith.constant 128 : i32
      %parallel_loop3A_240 = arith.constant 1 : i32
      %parallel_loop3A_241 = arith.constant 0 : i32
      scf.for %parallel_loop3A_807 = %parallel_loop3A to %parallel_loop3A_239 step %parallel_loop3A_240  : i32 {
        %parallel_loop3A_808 = arith.constant 0 : i32
        %parallel_loop3A_809 = arith.constant 0 : i32
        %parallel_loop3A_810 = tpu.memref_slice %arg10[%parallel_loop3A_241, %parallel_loop3A_808, %parallel_loop3A_809] : memref<4x128x128xf32, #tpu.memory_space<vmem>> -> memref<1x128x128xf32, #tpu.memory_space<vmem>>
        %parallel_loop3A_811 = tpu.memref_squeeze %parallel_loop3A_810 : memref<1x128x128xf32, #tpu.memory_space<vmem>> -> memref<128x128xf32, #tpu.memory_space<vmem>>
        %parallel_loop3A_812 = arith.index_cast %parallel_loop3A_807 : i32 to index
        %parallel_loop3A_813 = arith.constant 0 : index
        %parallel_loop3A_814 = tpu.vector_load %parallel_loop3A_811[%parallel_loop3A_812, %parallel_loop3A_813] {strides = array<i32>} : memref<128x128xf32, #tpu.memory_space<vmem>>, vector<1x16xf32>,
        %parallel_loop3A_815 = vector.shape_cast %parallel_loop3A_814 : vector<1x16xf32> to vector<16xf32>
        %parallel_loop3A_816 = arith.addf %parallel_loop3A_815, %get3A_189 : vector<16xf32>
        %parallel_loop3A_817 = arith.constant 0 : i32
        %parallel_loop3A_818 = arith.constant 0 : i32
        %parallel_loop3A_819 = tpu.memref_slice %arg10[%parallel_loop3A_241, %parallel_loop3A_817, %parallel_loop3A_818] : memref<4x128x128xf32, #tpu.memory_space<vmem>> -> memref<1x128x128xf32, #tpu.memory_space<vmem>>
        %parallel_loop3A_820 = tpu.memref_squeeze %parallel_loop3A_819 : memref<1x128x128xf32, #tpu.memory_space<vmem>> -> memref<128x128xf32, #tpu.memory_space<vmem>>
        %parallel_loop3A_821 = arith.index_cast %parallel_loop3A_807 : i32 to index
        %parallel_loop3A_822 = arith.constant 0 : index
        %parallel_loop3A_823 = tpu.vector_load %parallel_loop3A_820[%parallel_loop3A_821, %parallel_loop3A_822] {strides = array<i32>} : memref<128x128xf32, #tpu.memory_space<vmem>>, vector<1x16xf32>,
        %parallel_loop3A_824 = vector.shape_cast %parallel_loop3A_823 : vector<1x16xf32> to vector<16xf32>
        %parallel_loop3A_825 = vector.shape_cast %parallel_loop3A_816 : vector<16xf32> to vector<1x16xf32>
        tpu.vector_store %parallel_loop3A_820[%parallel_loop3A_821, %parallel_loop3A_822], %parallel_loop3A_825 {strides = array<i32>} : memref<128x128xf32, #tpu.memory_space<vmem>>, vector<1x16xf32>,
        %parallel_loop3A_826 = arith.constant 0 : i32
        %parallel_loop3A_827 = arith.constant 0 : i32
        %parallel_loop3A_828 = tpu.memref_slice %arg10[%parallel_loop3A_241, %parallel_loop3A_826, %parallel_loop3A_827] : memref<4x128x128xf32, #tpu.memory_space<vmem>> -> memref<1x128x128xf32, #tpu.memory_space<vmem>>
        %parallel_loop3A_829 = tpu.memref_squeeze %parallel_loop3A_828 : memref<1x128x128xf32, #tpu.memory_space<vmem>> -> memref<128x128xf32, #tpu.memory_space<vmem>>
        %parallel_loop3A_830 = arith.index_cast %parallel_loop3A_807 : i32 to index
        %parallel_loop3A_831 = arith.constant 16 : index
        %parallel_loop3A_832 = tpu.vector_load %parallel_loop3A_829[%parallel_loop3A_830, %parallel_loop3A_831] {strides = array<i32>} : memref<128x128xf32, #tpu.memory_space<vmem>>, vector<1x16xf32>,
        %parallel_loop3A_833 = vector.shape_cast %parallel_loop3A_832 : vector<1x16xf32> to vector<16xf32>
        %parallel_loop3A_834 = arith.addf %parallel_loop3A_833, %get3A_196 : vector<16xf32>
        %parallel_loop3A_835 = arith.constant 0 : i32
        %parallel_loop3A_836 = arith.constant 0 : i32
        %parallel_loop3A_837 = tpu.memref_slice %arg10[%parallel_loop3A_241, %parallel_loop3A_835, %parallel_loop3A_836] : memref<4x128x128xf32, #tpu.memory_space<vmem>> -> memref<1x128x128xf32, #tpu.memory_space<vmem>>
        %parallel_loop3A_838 = tpu.memref_squeeze %parallel_loop3A_837 : memref<1x128x128xf32, #tpu.memory_space<vmem>> -> memref<128x128xf32, #tpu.memory_space<vmem>>
        %parallel_loop3A_839 = arith.index_cast %parallel_loop3A_807 : i32 to index
        %parallel_loop3A_840 = arith.constant 16 : index
        %parallel_loop3A_841 = tpu.vector_load %parallel_loop3A_838[%parallel_loop3A_839, %parallel_loop3A_840] {strides = array<i32>} : memref<128x128xf32, #tpu.memory_space<vmem>>, vector<1x16xf32>,
        %parallel_loop3A_842 = vector.shape_cast %parallel_loop3A_841 : vector<1x16xf32> to vector<16xf32>
        %parallel_loop3A_843 = vector.shape_cast %parallel_loop3A_834 : vector<16xf32> to vector<1x16xf32>
        tpu.vector_store %parallel_loop3A_838[%parallel_loop3A_839, %parallel_loop3A_840], %parallel_loop3A_843 {strides = array<i32>} : memref<128x128xf32, #tpu.memory_space<vmem>>, vector<1x16xf32>,
        %parallel_loop3A_844 = arith.constant 0 : i32
        %parallel_loop3A_845 = arith.constant 0 : i32
        %parallel_loop3A_846 = tpu.memref_slice %arg10[%parallel_loop3A_241, %parallel_loop3A_844, %parallel_loop3A_845] : memref<4x128x128xf32, #tpu.memory_space<vmem>> -> memref<1x128x128xf32, #tpu.memory_space<vmem>>
        %parallel_loop3A_847 = tpu.memref_squeeze %parallel_loop3A_846 : memref<1x128x128xf32, #tpu.memory_space<vmem>> -> memref<128x128xf32, #tpu.memory_space<vmem>>
        %parallel_loop3A_848 = arith.index_cast %parallel_loop3A_807 : i32 to index
        %parallel_loop3A_849 = arith.constant 32 : index
        %parallel_loop3A_850 = tpu.vector_load %parallel_loop3A_847[%parallel_loop3A_848, %parallel_loop3A_849] {strides = array<i32>} : memref<128x128xf32, #tpu.memory_space<vmem>>, vector<1x16xf32>,
        %parallel_loop3A_851 = vector.shape_cast %parallel_loop3A_850 : vector<1x16xf32> to vector<16xf32>
        %parallel_loop3A_852 = arith.addf %parallel_loop3A_851, %get3A_203 : vector<16xf32>
        %parallel_loop3A_853 = arith.constant 0 : i32
        %parallel_loop3A_854 = arith.constant 0 : i32
        %parallel_loop3A_855 = tpu.memref_slice %arg10[%parallel_loop3A_241, %parallel_loop3A_853, %parallel_loop3A_854] : memref<4x128x128xf32, #tpu.memory_space<vmem>> -> memref<1x128x128xf32, #tpu.memory_space<vmem>>
        %parallel_loop3A_856 = tpu.memref_squeeze %parallel_loop3A_855 : memref<1x128x128xf32, #tpu.memory_space<vmem>> -> memref<128x128xf32, #tpu.memory_space<vmem>>
        %parallel_loop3A_857 = arith.index_cast %parallel_loop3A_807 : i32 to index
        %parallel_loop3A_858 = arith.constant 32 : index
        %parallel_loop3A_859 = tpu.vector_load %parallel_loop3A_856[%parallel_loop3A_857, %parallel_loop3A_858] {strides = array<i32>} : memref<128x128xf32, #tpu.memory_space<vmem>>, vector<1x16xf32>,
        %parallel_loop3A_860 = vector.shape_cast %parallel_loop3A_859 : vector<1x16xf32> to vector<16xf32>
        %parallel_loop3A_861 = vector.shape_cast %parallel_loop3A_852 : vector<16xf32> to vector<1x16xf32>
        tpu.vector_store %parallel_loop3A_856[%parallel_loop3A_857, %parallel_loop3A_858], %parallel_loop3A_861 {strides = array<i32>} : memref<128x128xf32, #tpu.memory_space<vmem>>, vector<1x16xf32>,
        %parallel_loop3A_862 = arith.constant 0 : i32
        %parallel_loop3A_863 = arith.constant 0 : i32
        %parallel_loop3A_864 = tpu.memref_slice %arg10[%parallel_loop3A_241, %parallel_loop3A_862, %parallel_loop3A_863] : memref<4x128x128xf32, #tpu.memory_space<vmem>> -> memref<1x128x128xf32, #tpu.memory_space<vmem>>
        %parallel_loop3A_865 = tpu.memref_squeeze %parallel_loop3A_864 : memref<1x128x128xf32, #tpu.memory_space<vmem>> -> memref<128x128xf32, #tpu.memory_space<vmem>>
        %parallel_loop3A_866 = arith.index_cast %parallel_loop3A_807 : i32 to index
        %parallel_loop3A_867 = arith.constant 48 : index
        %parallel_loop3A_868 = tpu.vector_load %parallel_loop3A_865[%parallel_loop3A_866, %parallel_loop3A_867] {strides = array<i32>} : memref<128x128xf32, #tpu.memory_space<vmem>>, vector<1x16xf32>,
        %parallel_loop3A_869 = vector.shape_cast %parallel_loop3A_868 : vector<1x16xf32> to vector<16xf32>
        %parallel_loop3A_870 = arith.addf %parallel_loop3A_869, %get3A_210 : vector<16xf32>
        %parallel_loop3A_871 = arith.constant 0 : i32
        %parallel_loop3A_872 = arith.constant 0 : i32
        %parallel_loop3A_873 = tpu.memref_slice %arg10[%parallel_loop3A_241, %parallel_loop3A_871, %parallel_loop3A_872] : memref<4x128x128xf32, #tpu.memory_space<vmem>> -> memref<1x128x128xf32, #tpu.memory_space<vmem>>
        %parallel_loop3A_874 = tpu.memref_squeeze %parallel_loop3A_873 : memref<1x128x128xf32, #tpu.memory_space<vmem>> -> memref<128x128xf32, #tpu.memory_space<vmem>>
        %parallel_loop3A_875 = arith.index_cast %parallel_loop3A_807 : i32 to index
        %parallel_loop3A_876 = arith.constant 48 : index
        %parallel_loop3A_877 = tpu.vector_load %parallel_loop3A_874[%parallel_loop3A_875, %parallel_loop3A_876] {strides = array<i32>} : memref<128x128xf32, #tpu.memory_space<vmem>>, vector<1x16xf32>,
        %parallel_loop3A_878 = vector.shape_cast %parallel_loop3A_877 : vector<1x16xf32> to vector<16xf32>
        %parallel_loop3A_879 = vector.shape_cast %parallel_loop3A_870 : vector<16xf32> to vector<1x16xf32>
        tpu.vector_store %parallel_loop3A_874[%parallel_loop3A_875, %parallel_loop3A_876], %parallel_loop3A_879 {strides = array<i32>} : memref<128x128xf32, #tpu.memory_space<vmem>>, vector<1x16xf32>,
        %parallel_loop3A_880 = arith.constant 0 : i32
        %parallel_loop3A_881 = arith.constant 0 : i32
        %parallel_loop3A_882 = tpu.memref_slice %arg10[%parallel_loop3A_241, %parallel_loop3A_880, %parallel_loop3A_881] : memref<4x128x128xf32, #tpu.memory_space<vmem>> -> memref<1x128x128xf32, #tpu.memory_space<vmem>>
        %parallel_loop3A_883 = tpu.memref_squeeze %parallel_loop3A_882 : memref<1x128x128xf32, #tpu.memory_space<vmem>> -> memref<128x128xf32, #tpu.memory_space<vmem>>
        %parallel_loop3A_884 = arith.index_cast %parallel_loop3A_807 : i32 to index
        %parallel_loop3A_885 = arith.constant 64 : index
        %parallel_loop3A_886 = tpu.vector_load %parallel_loop3A_883[%parallel_loop3A_884, %parallel_loop3A_885] {strides = array<i32>} : memref<128x128xf32, #tpu.memory_space<vmem>>, vector<1x16xf32>,
        %parallel_loop3A_887 = vector.shape_cast %parallel_loop3A_886 : vector<1x16xf32> to vector<16xf32>
        %parallel_loop3A_888 = arith.addf %parallel_loop3A_887, %get3A_217 : vector<16xf32>
        %parallel_loop3A_889 = arith.constant 0 : i32
        %parallel_loop3A_890 = arith.constant 0 : i32
        %parallel_loop3A_891 = tpu.memref_slice %arg10[%parallel_loop3A_241, %parallel_loop3A_889, %parallel_loop3A_890] : memref<4x128x128xf32, #tpu.memory_space<vmem>> -> memref<1x128x128xf32, #tpu.memory_space<vmem>>
        %parallel_loop3A_892 = tpu.memref_squeeze %parallel_loop3A_891 : memref<1x128x128xf32, #tpu.memory_space<vmem>> -> memref<128x128xf32, #tpu.memory_space<vmem>>
        %parallel_loop3A_893 = arith.index_cast %parallel_loop3A_807 : i32 to index
        %parallel_loop3A_894 = arith.constant 64 : index
        %parallel_loop3A_895 = tpu.vector_load %parallel_loop3A_892[%parallel_loop3A_893, %parallel_loop3A_894] {strides = array<i32>} : memref<128x128xf32, #tpu.memory_space<vmem>>, vector<1x16xf32>,
        %parallel_loop3A_896 = vector.shape_cast %parallel_loop3A_895 : vector<1x16xf32> to vector<16xf32>
        %parallel_loop3A_897 = vector.shape_cast %parallel_loop3A_888 : vector<16xf32> to vector<1x16xf32>
        tpu.vector_store %parallel_loop3A_892[%parallel_loop3A_893, %parallel_loop3A_894], %parallel_loop3A_897 {strides = array<i32>} : memref<128x128xf32, #tpu.memory_space<vmem>>, vector<1x16xf32>,
        %parallel_loop3A_898 = arith.constant 0 : i32
        %parallel_loop3A_899 = arith.constant 0 : i32
        %parallel_loop3A_900 = tpu.memref_slice %arg10[%parallel_loop3A_241, %parallel_loop3A_898, %parallel_loop3A_899] : memref<4x128x128xf32, #tpu.memory_space<vmem>> -> memref<1x128x128xf32, #tpu.memory_space<vmem>>
        %parallel_loop3A_901 = tpu.memref_squeeze %parallel_loop3A_900 : memref<1x128x128xf32, #tpu.memory_space<vmem>> -> memref<128x128xf32, #tpu.memory_space<vmem>>
        %parallel_loop3A_902 = arith.index_cast %parallel_loop3A_807 : i32 to index
        %parallel_loop3A_903 = arith.constant 80 : index
        %parallel_loop3A_904 = tpu.vector_load %parallel_loop3A_901[%parallel_loop3A_902, %parallel_loop3A_903] {strides = array<i32>} : memref<128x128xf32, #tpu.memory_space<vmem>>, vector<1x16xf32>,
        %parallel_loop3A_905 = vector.shape_cast %parallel_loop3A_904 : vector<1x16xf32> to vector<16xf32>
        %parallel_loop3A_906 = arith.addf %parallel_loop3A_905, %get3A_224 : vector<16xf32>
        %parallel_loop3A_907 = arith.constant 0 : i32
        %parallel_loop3A_908 = arith.constant 0 : i32
        %parallel_loop3A_909 = tpu.memref_slice %arg10[%parallel_loop3A_241, %parallel_loop3A_907, %parallel_loop3A_908] : memref<4x128x128xf32, #tpu.memory_space<vmem>> -> memref<1x128x128xf32, #tpu.memory_space<vmem>>
        %parallel_loop3A_910 = tpu.memref_squeeze %parallel_loop3A_909 : memref<1x128x128xf32, #tpu.memory_space<vmem>> -> memref<128x128xf32, #tpu.memory_space<vmem>>
        %parallel_loop3A_911 = arith.index_cast %parallel_loop3A_807 : i32 to index
        %parallel_loop3A_912 = arith.constant 80 : index
        %parallel_loop3A_913 = tpu.vector_load %parallel_loop3A_910[%parallel_loop3A_911, %parallel_loop3A_912] {strides = array<i32>} : memref<128x128xf32, #tpu.memory_space<vmem>>, vector<1x16xf32>,
        %parallel_loop3A_914 = vector.shape_cast %parallel_loop3A_913 : vector<1x16xf32> to vector<16xf32>
        %parallel_loop3A_915 = vector.shape_cast %parallel_loop3A_906 : vector<16xf32> to vector<1x16xf32>
        tpu.vector_store %parallel_loop3A_910[%parallel_loop3A_911, %parallel_loop3A_912], %parallel_loop3A_915 {strides = array<i32>} : memref<128x128xf32, #tpu.memory_space<vmem>>, vector<1x16xf32>,
        %parallel_loop3A_916 = arith.constant 0 : i32
        %parallel_loop3A_917 = arith.constant 0 : i32
        %parallel_loop3A_918 = tpu.memref_slice %arg10[%parallel_loop3A_241, %parallel_loop3A_916, %parallel_loop3A_917] : memref<4x128x128xf32, #tpu.memory_space<vmem>> -> memref<1x128x128xf32, #tpu.memory_space<vmem>>
        %parallel_loop3A_919 = tpu.memref_squeeze %parallel_loop3A_918 : memref<1x128x128xf32, #tpu.memory_space<vmem>> -> memref<128x128xf32, #tpu.memory_space<vmem>>
        %parallel_loop3A_920 = arith.index_cast %parallel_loop3A_807 : i32 to index
        %parallel_loop3A_921 = arith.constant 96 : index
        %parallel_loop3A_922 = tpu.vector_load %parallel_loop3A_919[%parallel_loop3A_920, %parallel_loop3A_921] {strides = array<i32>} : memref<128x128xf32, #tpu.memory_space<vmem>>, vector<1x16xf32>,
        %parallel_loop3A_923 = vector.shape_cast %parallel_loop3A_922 : vector<1x16xf32> to vector<16xf32>
        %parallel_loop3A_924 = arith.addf %parallel_loop3A_923, %get3A_231 : vector<16xf32>
        %parallel_loop3A_925 = arith.constant 0 : i32
        %parallel_loop3A_926 = arith.constant 0 : i32
        %parallel_loop3A_927 = tpu.memref_slice %arg10[%parallel_loop3A_241, %parallel_loop3A_925, %parallel_loop3A_926] : memref<4x128x128xf32, #tpu.memory_space<vmem>> -> memref<1x128x128xf32, #tpu.memory_space<vmem>>
        %parallel_loop3A_928 = tpu.memref_squeeze %parallel_loop3A_927 : memref<1x128x128xf32, #tpu.memory_space<vmem>> -> memref<128x128xf32, #tpu.memory_space<vmem>>
        %parallel_loop3A_929 = arith.index_cast %parallel_loop3A_807 : i32 to index
        %parallel_loop3A_930 = arith.constant 96 : index
        %parallel_loop3A_931 = tpu.vector_load %parallel_loop3A_928[%parallel_loop3A_929, %parallel_loop3A_930] {strides = array<i32>} : memref<128x128xf32, #tpu.memory_space<vmem>>, vector<1x16xf32>,
        %parallel_loop3A_932 = vector.shape_cast %parallel_loop3A_931 : vector<1x16xf32> to vector<16xf32>
        %parallel_loop3A_933 = vector.shape_cast %parallel_loop3A_924 : vector<16xf32> to vector<1x16xf32>
        tpu.vector_store %parallel_loop3A_928[%parallel_loop3A_929, %parallel_loop3A_930], %parallel_loop3A_933 {strides = array<i32>} : memref<128x128xf32, #tpu.memory_space<vmem>>, vector<1x16xf32>,
        %parallel_loop3A_934 = arith.constant 0 : i32
        %parallel_loop3A_935 = arith.constant 0 : i32
        %parallel_loop3A_936 = tpu.memref_slice %arg10[%parallel_loop3A_241, %parallel_loop3A_934, %parallel_loop3A_935] : memref<4x128x128xf32, #tpu.memory_space<vmem>> -> memref<1x128x128xf32, #tpu.memory_space<vmem>>
        %parallel_loop3A_937 = tpu.memref_squeeze %parallel_loop3A_936 : memref<1x128x128xf32, #tpu.memory_space<vmem>> -> memref<128x128xf32, #tpu.memory_space<vmem>>
        %parallel_loop3A_938 = arith.index_cast %parallel_loop3A_807 : i32 to index
        %parallel_loop3A_939 = arith.constant 112 : index
        %parallel_loop3A_940 = tpu.vector_load %parallel_loop3A_937[%parallel_loop3A_938, %parallel_loop3A_939] {strides = array<i32>} : memref<128x128xf32, #tpu.memory_space<vmem>>, vector<1x16xf32>,
        %parallel_loop3A_941 = vector.shape_cast %parallel_loop3A_940 : vector<1x16xf32> to vector<16xf32>
        %parallel_loop3A_942 = arith.addf %parallel_loop3A_941, %get3A_238 : vector<16xf32>
        %parallel_loop3A_943 = arith.constant 0 : i32
        %parallel_loop3A_944 = arith.constant 0 : i32
        %parallel_loop3A_945 = tpu.memref_slice %arg10[%parallel_loop3A_241, %parallel_loop3A_943, %parallel_loop3A_944] : memref<4x128x128xf32, #tpu.memory_space<vmem>> -> memref<1x128x128xf32, #tpu.memory_space<vmem>>
        %parallel_loop3A_946 = tpu.memref_squeeze %parallel_loop3A_945 : memref<1x128x128xf32, #tpu.memory_space<vmem>> -> memref<128x128xf32, #tpu.memory_space<vmem>>
        %parallel_loop3A_947 = arith.index_cast %parallel_loop3A_807 : i32 to index
        %parallel_loop3A_948 = arith.constant 112 : index
        %parallel_loop3A_949 = tpu.vector_load %parallel_loop3A_946[%parallel_loop3A_947, %parallel_loop3A_948] {strides = array<i32>} : memref<128x128xf32, #tpu.memory_space<vmem>>, vector<1x16xf32>,
        %parallel_loop3A_950 = vector.shape_cast %parallel_loop3A_949 : vector<1x16xf32> to vector<16xf32>
        %parallel_loop3A_951 = vector.shape_cast %parallel_loop3A_942 : vector<16xf32> to vector<1x16xf32>
        tpu.vector_store %parallel_loop3A_946[%parallel_loop3A_947, %parallel_loop3A_948], %parallel_loop3A_951 {strides = array<i32>} : memref<128x128xf32, #tpu.memory_space<vmem>>, vector<1x16xf32>,
      } {sc.loop_unroll_factor = 4 : i64, sc.parallel_access}
      %dma_start3A_242 = arith.constant 0 : i32
      %dma_start3A_243 = arith.constant 0 : i32
      %dma_start3A_244 = arith.constant 0 : i32
      %dma_start3A_245 = arith.constant 0 : i32
      %dma_start3A_246 = tpu.memref_slice %arg10[%dma_start3A_242, %dma_start3A_244, %dma_start3A_245] : memref<4x128x128xf32, #tpu.memory_space<vmem>> -> memref<1x128x128xf32, #tpu.memory_space<vmem>>
      %dma_start3A_247 = tpu.memref_squeeze %dma_start3A_246 : memref<1x128x128xf32, #tpu.memory_space<vmem>> -> memref<128x128xf32, #tpu.memory_space<vmem>>
      %dma_start3A_248 = arith.constant 0 : i32
      %dma_start3A_249 = tpu.memref_slice %arg11[%dma_start3A_243, %dma_start3A_248] : memref<4x128xi32, #tpu.memory_space<vmem>> -> memref<1x128xi32, #tpu.memory_space<vmem>>
      %dma_start3A_250 = tpu.memref_squeeze %dma_start3A_249 : memref<1x128xi32, #tpu.memory_space<vmem>> -> memref<128xi32, #tpu.memory_space<vmem>>
      %dma_start3A_251 = arith.constant 0 : i32
      %dma_start3A_252 = arith.constant 0 : i32
      %dma_start3A_253 = tpu.memref_slice %arg6[%dma_start3A_251, %dma_start3A_252] : memref<819200x128xf32, #tpu.memory_space<hbm>> -> memref<819200x128xf32, #tpu.memory_space<hbm>>
      tpu.enqueue_indirect_dma source(%dma_start3A_247 : memref<128x128xf32, #tpu.memory_space<vmem>>) target(%dma_start3A_253 : memref<819200x128xf32, #tpu.memory_space<hbm>>) offsets(%dma_start3A_250 : memref<128xi32, #tpu.memory_space<vmem>>) semaphore(%arg16 : memref<!tpu.dma_semaphore, #tpu.memory_space<semaphore_mem>>)
      %add3A_254 = arith.constant 2 : i32
      %add3A_255 = arith.addi %add3A_84, %add3A_254 : i32
      %lt3A = arith.constant 200 : i32
      %lt3A_256 = arith.cmpi slt, %add3A_255, %lt3A : i32
      %convert_element_type3A = arith.extui %lt3A_256 : i1 to i32
      %cond3A = arith.constant 0 : i32
      %cond3A_257 = arith.cmpi ne, %convert_element_type3A, %cond3A : i32
      scf.if %cond3A_257 {
        %ge3A = arith.constant 4 : i32
        %ge3A_807 = arith.cmpi sge, %add3A_255, %ge3A : i32
        %convert_element_type3A_808 = arith.extui %ge3A_807 : i1 to i32
        %cond3A_809 = arith.constant 0 : i32
        %cond3A_810 = arith.cmpi ne, %convert_element_type3A_808, %cond3A_809 : i32
        scf.if %cond3A_810 {
          %dma_wait3A_822 = arith.constant 2 : i32
          %dma_wait3A_823 = arith.constant 2 : i32
          %dma_wait3A_824 = arith.constant 0 : i32
          %dma_wait3A_825 = arith.constant 0 : i32
          %dma_wait3A_826 = tpu.memref_slice %arg10[%dma_wait3A_822, %dma_wait3A_824, %dma_wait3A_825] : memref<4x128x128xf32, #tpu.memory_space<vmem>> -> memref<1x128x128xf32, #tpu.memory_space<vmem>>
          %dma_wait3A_827 = tpu.memref_squeeze %dma_wait3A_826 : memref<1x128x128xf32, #tpu.memory_space<vmem>> -> memref<128x128xf32, #tpu.memory_space<vmem>>
          %dma_wait3A_828 = arith.constant 0 : i32
          %dma_wait3A_829 = tpu.memref_slice %arg11[%dma_wait3A_823, %dma_wait3A_828] : memref<4x128xi32, #tpu.memory_space<vmem>> -> memref<1x128xi32, #tpu.memory_space<vmem>>
          %dma_wait3A_830 = tpu.memref_squeeze %dma_wait3A_829 : memref<1x128xi32, #tpu.memory_space<vmem>> -> memref<128xi32, #tpu.memory_space<vmem>>
          %dma_wait3A_831 = arith.constant 0 : i32
          %dma_wait3A_832 = arith.constant 0 : i32
          %dma_wait3A_833 = tpu.memref_slice %arg6[%dma_wait3A_831, %dma_wait3A_832] : memref<819200x128xf32, #tpu.memory_space<hbm>> -> memref<819200x128xf32, #tpu.memory_space<hbm>>
          tpu.wait_indirect_dma semaphore(%arg18 : memref<!tpu.dma_semaphore, #tpu.memory_space<semaphore_mem>>) src(%dma_wait3A_827 : memref<128x128xf32, #tpu.memory_space<vmem>>) dst(%dma_wait3A_833 : memref<819200x128xf32, #tpu.memory_space<hbm>>)
        } else {
        }
        %dma_start3A_811 = arith.constant 2 : i32
        %dma_start3A_812 = arith.constant 0 : i32
        %dma_start3A_813 = arith.constant 0 : i32
        %dma_start3A_814 = tpu.memref_slice %arg10[%dma_start3A_811, %dma_start3A_812, %dma_start3A_813] : memref<4x128x128xf32, #tpu.memory_space<vmem>> -> memref<1x128x128xf32, #tpu.memory_space<vmem>>
        %dma_start3A_815 = tpu.memref_squeeze %dma_start3A_814 : memref<1x128x128xf32, #tpu.memory_space<vmem>> -> memref<128x128xf32, #tpu.memory_space<vmem>>
        %dma_start3A_816 = arith.constant 0 : i32
        %dma_start3A_817 = tpu.memref_slice %arg7[%add3A_255, %dma_start3A_816] : memref<200x128xi32, #tpu.memory_space<vmem>> -> memref<1x128xi32, #tpu.memory_space<vmem>>
        %dma_start3A_818 = tpu.memref_squeeze %dma_start3A_817 : memref<1x128xi32, #tpu.memory_space<vmem>> -> memref<128xi32, #tpu.memory_space<vmem>>
        %dma_start3A_819 = arith.constant 0 : i32
        %dma_start3A_820 = arith.constant 0 : i32
        %dma_start3A_821 = tpu.memref_slice %arg3[%dma_start3A_819, %dma_start3A_820] : memref<1000000x128xf32, #tpu.memory_space<hbm>> -> memref<1000000x128xf32, #tpu.memory_space<hbm>>
        tpu.enqueue_indirect_dma source(%dma_start3A_821 : memref<1000000x128xf32, #tpu.memory_space<hbm>>) target(%dma_start3A_815 : memref<128x128xf32, #tpu.memory_space<vmem>>) offsets(%dma_start3A_818 : memref<128xi32, #tpu.memory_space<vmem>>) semaphore(%arg14 : memref<!tpu.dma_semaphore, #tpu.memory_space<semaphore_mem>>)
      } else {
      }
      %mul3A_258 = arith.constant 4 : i32
      %mul3A_259 = arith.muli %scan3A_80, %mul3A_258 : i32
      %add3A_260 = arith.constant 1 : i32
      %add3A_261 = arith.addi %mul3A_259, %add3A_260 : i32
      %dma_wait3A_262 = arith.constant 1 : i32
      %dma_wait3A_263 = arith.constant 0 : i32
      %dma_wait3A_264 = arith.constant 0 : i32
      %dma_wait3A_265 = tpu.memref_slice %arg10[%dma_wait3A_262, %dma_wait3A_263, %dma_wait3A_264] : memref<4x128x128xf32, #tpu.memory_space<vmem>> -> memref<1x128x128xf32, #tpu.memory_space<vmem>>
      %dma_wait3A_266 = tpu.memref_squeeze %dma_wait3A_265 : memref<1x128x128xf32, #tpu.memory_space<vmem>> -> memref<128x128xf32, #tpu.memory_space<vmem>>
      %dma_wait3A_267 = arith.constant 0 : i32
      %dma_wait3A_268 = tpu.memref_slice %arg7[%add3A_261, %dma_wait3A_267] : memref<200x128xi32, #tpu.memory_space<vmem>> -> memref<1x128xi32, #tpu.memory_space<vmem>>
      %dma_wait3A_269 = tpu.memref_squeeze %dma_wait3A_268 : memref<1x128xi32, #tpu.memory_space<vmem>> -> memref<128xi32, #tpu.memory_space<vmem>>
      %dma_wait3A_270 = arith.constant 0 : i32
      %dma_wait3A_271 = arith.constant 0 : i32
      %dma_wait3A_272 = tpu.memref_slice %arg3[%dma_wait3A_270, %dma_wait3A_271] : memref<1000000x128xf32, #tpu.memory_space<hbm>> -> memref<1000000x128xf32, #tpu.memory_space<hbm>>
      tpu.wait_indirect_dma semaphore(%arg13 : memref<!tpu.dma_semaphore, #tpu.memory_space<semaphore_mem>>) src(%dma_wait3A_272 : memref<1000000x128xf32, #tpu.memory_space<hbm>>) dst(%dma_wait3A_266 : memref<128x128xf32, #tpu.memory_space<vmem>>)
      %add3A_273 = arith.addi %mul3A_4, %add3A_261 : i32
      %get3A_274 = arith.constant 0 : index
      %get3A_275 = tpu.vector_load %arg9[%get3A_274] {strides = array<i32>} : memref<128xi32, #tpu.memory_space<vmem>>, vector<16xi32>,
      %get3A_276 = vector.shape_cast %get3A_275 : vector<16xi32> to vector<16xi32>
      %add3A_277 = vector.broadcast %add3A_273 : i32 to vector<16xi32>
      %add3A_278 = arith.addi %get3A_276, %add3A_277 : vector<16xi32>
      %swap3A_279 = arith.constant 1 : i32
      %swap3A_280 = arith.index_cast %swap3A_279 : i32 to index
      %swap3A_281 = arith.constant 0 : index
      %swap3A_282 = tpu.vector_load %arg11[%swap3A_280, %swap3A_281] {strides = array<i32>} : memref<4x128xi32, #tpu.memory_space<vmem>>, vector<1x16xi32>,
      %swap3A_283 = vector.shape_cast %swap3A_282 : vector<1x16xi32> to vector<16xi32>
      %swap3A_284 = vector.shape_cast %add3A_278 : vector<16xi32> to vector<1x16xi32>
      tpu.vector_store %arg11[%swap3A_280, %swap3A_281], %swap3A_284 {strides = array<i32>} : memref<4x128xi32, #tpu.memory_space<vmem>>, vector<1x16xi32>,
      %get3A_285 = arith.constant 16 : index
      %get3A_286 = tpu.vector_load %arg9[%get3A_285] {strides = array<i32>} : memref<128xi32, #tpu.memory_space<vmem>>, vector<16xi32>,
      %get3A_287 = vector.shape_cast %get3A_286 : vector<16xi32> to vector<16xi32>
      %add3A_288 = vector.broadcast %add3A_273 : i32 to vector<16xi32>
      %add3A_289 = arith.addi %get3A_287, %add3A_288 : vector<16xi32>
      %swap3A_290 = arith.constant 1 : i32
      %swap3A_291 = arith.index_cast %swap3A_290 : i32 to index
      %swap3A_292 = arith.constant 16 : index
      %swap3A_293 = tpu.vector_load %arg11[%swap3A_291, %swap3A_292] {strides = array<i32>} : memref<4x128xi32, #tpu.memory_space<vmem>>, vector<1x16xi32>,
      %swap3A_294 = vector.shape_cast %swap3A_293 : vector<1x16xi32> to vector<16xi32>
      %swap3A_295 = vector.shape_cast %add3A_289 : vector<16xi32> to vector<1x16xi32>
      tpu.vector_store %arg11[%swap3A_291, %swap3A_292], %swap3A_295 {strides = array<i32>} : memref<4x128xi32, #tpu.memory_space<vmem>>, vector<1x16xi32>,
      %get3A_296 = arith.constant 32 : index
      %get3A_297 = tpu.vector_load %arg9[%get3A_296] {strides = array<i32>} : memref<128xi32, #tpu.memory_space<vmem>>, vector<16xi32>,
      %get3A_298 = vector.shape_cast %get3A_297 : vector<16xi32> to vector<16xi32>
      %add3A_299 = vector.broadcast %add3A_273 : i32 to vector<16xi32>
      %add3A_300 = arith.addi %get3A_298, %add3A_299 : vector<16xi32>
      %swap3A_301 = arith.constant 1 : i32
      %swap3A_302 = arith.index_cast %swap3A_301 : i32 to index
      %swap3A_303 = arith.constant 32 : index
      %swap3A_304 = tpu.vector_load %arg11[%swap3A_302, %swap3A_303] {strides = array<i32>} : memref<4x128xi32, #tpu.memory_space<vmem>>, vector<1x16xi32>,
      %swap3A_305 = vector.shape_cast %swap3A_304 : vector<1x16xi32> to vector<16xi32>
      %swap3A_306 = vector.shape_cast %add3A_300 : vector<16xi32> to vector<1x16xi32>
      tpu.vector_store %arg11[%swap3A_302, %swap3A_303], %swap3A_306 {strides = array<i32>} : memref<4x128xi32, #tpu.memory_space<vmem>>, vector<1x16xi32>,
      %get3A_307 = arith.constant 48 : index
      %get3A_308 = tpu.vector_load %arg9[%get3A_307] {strides = array<i32>} : memref<128xi32, #tpu.memory_space<vmem>>, vector<16xi32>,
      %get3A_309 = vector.shape_cast %get3A_308 : vector<16xi32> to vector<16xi32>
      %add3A_310 = vector.broadcast %add3A_273 : i32 to vector<16xi32>
      %add3A_311 = arith.addi %get3A_309, %add3A_310 : vector<16xi32>
      %swap3A_312 = arith.constant 1 : i32
      %swap3A_313 = arith.index_cast %swap3A_312 : i32 to index
      %swap3A_314 = arith.constant 48 : index
      %swap3A_315 = tpu.vector_load %arg11[%swap3A_313, %swap3A_314] {strides = array<i32>} : memref<4x128xi32, #tpu.memory_space<vmem>>, vector<1x16xi32>,
      %swap3A_316 = vector.shape_cast %swap3A_315 : vector<1x16xi32> to vector<16xi32>
      %swap3A_317 = vector.shape_cast %add3A_311 : vector<16xi32> to vector<1x16xi32>
      tpu.vector_store %arg11[%swap3A_313, %swap3A_314], %swap3A_317 {strides = array<i32>} : memref<4x128xi32, #tpu.memory_space<vmem>>, vector<1x16xi32>,
      %get3A_318 = arith.constant 64 : index
      %get3A_319 = tpu.vector_load %arg9[%get3A_318] {strides = array<i32>} : memref<128xi32, #tpu.memory_space<vmem>>, vector<16xi32>,
      %get3A_320 = vector.shape_cast %get3A_319 : vector<16xi32> to vector<16xi32>
      %add3A_321 = vector.broadcast %add3A_273 : i32 to vector<16xi32>
      %add3A_322 = arith.addi %get3A_320, %add3A_321 : vector<16xi32>
      %swap3A_323 = arith.constant 1 : i32
      %swap3A_324 = arith.index_cast %swap3A_323 : i32 to index
      %swap3A_325 = arith.constant 64 : index
      %swap3A_326 = tpu.vector_load %arg11[%swap3A_324, %swap3A_325] {strides = array<i32>} : memref<4x128xi32, #tpu.memory_space<vmem>>, vector<1x16xi32>,
      %swap3A_327 = vector.shape_cast %swap3A_326 : vector<1x16xi32> to vector<16xi32>
      %swap3A_328 = vector.shape_cast %add3A_322 : vector<16xi32> to vector<1x16xi32>
      tpu.vector_store %arg11[%swap3A_324, %swap3A_325], %swap3A_328 {strides = array<i32>} : memref<4x128xi32, #tpu.memory_space<vmem>>, vector<1x16xi32>,
      %get3A_329 = arith.constant 80 : index
      %get3A_330 = tpu.vector_load %arg9[%get3A_329] {strides = array<i32>} : memref<128xi32, #tpu.memory_space<vmem>>, vector<16xi32>,
      %get3A_331 = vector.shape_cast %get3A_330 : vector<16xi32> to vector<16xi32>
      %add3A_332 = vector.broadcast %add3A_273 : i32 to vector<16xi32>
      %add3A_333 = arith.addi %get3A_331, %add3A_332 : vector<16xi32>
      %swap3A_334 = arith.constant 1 : i32
      %swap3A_335 = arith.index_cast %swap3A_334 : i32 to index
      %swap3A_336 = arith.constant 80 : index
      %swap3A_337 = tpu.vector_load %arg11[%swap3A_335, %swap3A_336] {strides = array<i32>} : memref<4x128xi32, #tpu.memory_space<vmem>>, vector<1x16xi32>,
      %swap3A_338 = vector.shape_cast %swap3A_337 : vector<1x16xi32> to vector<16xi32>
      %swap3A_339 = vector.shape_cast %add3A_333 : vector<16xi32> to vector<1x16xi32>
      tpu.vector_store %arg11[%swap3A_335, %swap3A_336], %swap3A_339 {strides = array<i32>} : memref<4x128xi32, #tpu.memory_space<vmem>>, vector<1x16xi32>,
      %get3A_340 = arith.constant 96 : index
      %get3A_341 = tpu.vector_load %arg9[%get3A_340] {strides = array<i32>} : memref<128xi32, #tpu.memory_space<vmem>>, vector<16xi32>,
      %get3A_342 = vector.shape_cast %get3A_341 : vector<16xi32> to vector<16xi32>
      %add3A_343 = vector.broadcast %add3A_273 : i32 to vector<16xi32>
      %add3A_344 = arith.addi %get3A_342, %add3A_343 : vector<16xi32>
      %swap3A_345 = arith.constant 1 : i32
      %swap3A_346 = arith.index_cast %swap3A_345 : i32 to index
      %swap3A_347 = arith.constant 96 : index
      %swap3A_348 = tpu.vector_load %arg11[%swap3A_346, %swap3A_347] {strides = array<i32>} : memref<4x128xi32, #tpu.memory_space<vmem>>, vector<1x16xi32>,
      %swap3A_349 = vector.shape_cast %swap3A_348 : vector<1x16xi32> to vector<16xi32>
      %swap3A_350 = vector.shape_cast %add3A_344 : vector<16xi32> to vector<1x16xi32>
      tpu.vector_store %arg11[%swap3A_346, %swap3A_347], %swap3A_350 {strides = array<i32>} : memref<4x128xi32, #tpu.memory_space<vmem>>, vector<1x16xi32>,
      %get3A_351 = arith.constant 112 : index
      %get3A_352 = tpu.vector_load %arg9[%get3A_351] {strides = array<i32>} : memref<128xi32, #tpu.memory_space<vmem>>, vector<16xi32>,
      %get3A_353 = vector.shape_cast %get3A_352 : vector<16xi32> to vector<16xi32>
      %add3A_354 = vector.broadcast %add3A_273 : i32 to vector<16xi32>
      %add3A_355 = arith.addi %get3A_353, %add3A_354 : vector<16xi32>
      %swap3A_356 = arith.constant 1 : i32
      %swap3A_357 = arith.index_cast %swap3A_356 : i32 to index
      %swap3A_358 = arith.constant 112 : index
      %swap3A_359 = tpu.vector_load %arg11[%swap3A_357, %swap3A_358] {strides = array<i32>} : memref<4x128xi32, #tpu.memory_space<vmem>>, vector<1x16xi32>,
      %swap3A_360 = vector.shape_cast %swap3A_359 : vector<1x16xi32> to vector<16xi32>
      %swap3A_361 = vector.shape_cast %add3A_355 : vector<16xi32> to vector<1x16xi32>
      tpu.vector_store %arg11[%swap3A_357, %swap3A_358], %swap3A_361 {strides = array<i32>} : memref<4x128xi32, #tpu.memory_space<vmem>>, vector<1x16xi32>,
      %mul3A_362 = arith.constant 128 : i32
      %mul3A_363 = arith.muli %add3A_261, %mul3A_362 : i32
      %add3A_364 = arith.constant 0 : i32
      %add3A_365 = arith.addi %mul3A_363, %add3A_364 : i32
      %get3A_366 = arith.index_cast %add3A_365 : i32 to index
      %get3A_367 = tpu.vector_load %arg8[%get3A_366] {strides = array<i32>} : memref<25600xf32, #tpu.memory_space<vmem>>, vector<16xf32>,
      %get3A_368 = vector.shape_cast %get3A_367 : vector<16xf32> to vector<16xf32>
      %mul3A_369 = arith.constant 128 : i32
      %mul3A_370 = arith.muli %add3A_261, %mul3A_369 : i32
      %add3A_371 = arith.constant 16 : i32
      %add3A_372 = arith.addi %mul3A_370, %add3A_371 : i32
      %get3A_373 = arith.index_cast %add3A_372 : i32 to index
      %get3A_374 = tpu.vector_load %arg8[%get3A_373] {strides = array<i32>} : memref<25600xf32, #tpu.memory_space<vmem>>, vector<16xf32>,
      %get3A_375 = vector.shape_cast %get3A_374 : vector<16xf32> to vector<16xf32>
      %mul3A_376 = arith.constant 128 : i32
      %mul3A_377 = arith.muli %add3A_261, %mul3A_376 : i32
      %add3A_378 = arith.constant 32 : i32
      %add3A_379 = arith.addi %mul3A_377, %add3A_378 : i32
      %get3A_380 = arith.index_cast %add3A_379 : i32 to index
      %get3A_381 = tpu.vector_load %arg8[%get3A_380] {strides = array<i32>} : memref<25600xf32, #tpu.memory_space<vmem>>, vector<16xf32>,
      %get3A_382 = vector.shape_cast %get3A_381 : vector<16xf32> to vector<16xf32>
      %mul3A_383 = arith.constant 128 : i32
      %mul3A_384 = arith.muli %add3A_261, %mul3A_383 : i32
      %add3A_385 = arith.constant 48 : i32
      %add3A_386 = arith.addi %mul3A_384, %add3A_385 : i32
      %get3A_387 = arith.index_cast %add3A_386 : i32 to index
      %get3A_388 = tpu.vector_load %arg8[%get3A_387] {strides = array<i32>} : memref<25600xf32, #tpu.memory_space<vmem>>, vector<16xf32>,
      %get3A_389 = vector.shape_cast %get3A_388 : vector<16xf32> to vector<16xf32>
      %mul3A_390 = arith.constant 128 : i32
      %mul3A_391 = arith.muli %add3A_261, %mul3A_390 : i32
      %add3A_392 = arith.constant 64 : i32
      %add3A_393 = arith.addi %mul3A_391, %add3A_392 : i32
      %get3A_394 = arith.index_cast %add3A_393 : i32 to index
      %get3A_395 = tpu.vector_load %arg8[%get3A_394] {strides = array<i32>} : memref<25600xf32, #tpu.memory_space<vmem>>, vector<16xf32>,
      %get3A_396 = vector.shape_cast %get3A_395 : vector<16xf32> to vector<16xf32>
      %mul3A_397 = arith.constant 128 : i32
      %mul3A_398 = arith.muli %add3A_261, %mul3A_397 : i32
      %add3A_399 = arith.constant 80 : i32
      %add3A_400 = arith.addi %mul3A_398, %add3A_399 : i32
      %get3A_401 = arith.index_cast %add3A_400 : i32 to index
      %get3A_402 = tpu.vector_load %arg8[%get3A_401] {strides = array<i32>} : memref<25600xf32, #tpu.memory_space<vmem>>, vector<16xf32>,
      %get3A_403 = vector.shape_cast %get3A_402 : vector<16xf32> to vector<16xf32>
      %mul3A_404 = arith.constant 128 : i32
      %mul3A_405 = arith.muli %add3A_261, %mul3A_404 : i32
      %add3A_406 = arith.constant 96 : i32
      %add3A_407 = arith.addi %mul3A_405, %add3A_406 : i32
      %get3A_408 = arith.index_cast %add3A_407 : i32 to index
      %get3A_409 = tpu.vector_load %arg8[%get3A_408] {strides = array<i32>} : memref<25600xf32, #tpu.memory_space<vmem>>, vector<16xf32>,
      %get3A_410 = vector.shape_cast %get3A_409 : vector<16xf32> to vector<16xf32>
      %mul3A_411 = arith.constant 128 : i32
      %mul3A_412 = arith.muli %add3A_261, %mul3A_411 : i32
      %add3A_413 = arith.constant 112 : i32
      %add3A_414 = arith.addi %mul3A_412, %add3A_413 : i32
      %get3A_415 = arith.index_cast %add3A_414 : i32 to index
      %get3A_416 = tpu.vector_load %arg8[%get3A_415] {strides = array<i32>} : memref<25600xf32, #tpu.memory_space<vmem>>, vector<16xf32>,
      %get3A_417 = vector.shape_cast %get3A_416 : vector<16xf32> to vector<16xf32>
      %parallel_loop3A_418 = arith.constant 0 : i32
      %parallel_loop3A_419 = arith.constant 128 : i32
      %parallel_loop3A_420 = arith.constant 1 : i32
      %parallel_loop3A_421 = arith.constant 1 : i32
      scf.for %parallel_loop3A_807 = %parallel_loop3A_418 to %parallel_loop3A_419 step %parallel_loop3A_420  : i32 {
        %parallel_loop3A_808 = arith.constant 0 : i32
        %parallel_loop3A_809 = arith.constant 0 : i32
        %parallel_loop3A_810 = tpu.memref_slice %arg10[%parallel_loop3A_421, %parallel_loop3A_808, %parallel_loop3A_809] : memref<4x128x128xf32, #tpu.memory_space<vmem>> -> memref<1x128x128xf32, #tpu.memory_space<vmem>>
        %parallel_loop3A_811 = tpu.memref_squeeze %parallel_loop3A_810 : memref<1x128x128xf32, #tpu.memory_space<vmem>> -> memref<128x128xf32, #tpu.memory_space<vmem>>
        %parallel_loop3A_812 = arith.index_cast %parallel_loop3A_807 : i32 to index
        %parallel_loop3A_813 = arith.constant 0 : index
        %parallel_loop3A_814 = tpu.vector_load %parallel_loop3A_811[%parallel_loop3A_812, %parallel_loop3A_813] {strides = array<i32>} : memref<128x128xf32, #tpu.memory_space<vmem>>, vector<1x16xf32>,
        %parallel_loop3A_815 = vector.shape_cast %parallel_loop3A_814 : vector<1x16xf32> to vector<16xf32>
        %parallel_loop3A_816 = arith.addf %parallel_loop3A_815, %get3A_368 : vector<16xf32>
        %parallel_loop3A_817 = arith.constant 0 : i32
        %parallel_loop3A_818 = arith.constant 0 : i32
        %parallel_loop3A_819 = tpu.memref_slice %arg10[%parallel_loop3A_421, %parallel_loop3A_817, %parallel_loop3A_818] : memref<4x128x128xf32, #tpu.memory_space<vmem>> -> memref<1x128x128xf32, #tpu.memory_space<vmem>>
        %parallel_loop3A_820 = tpu.memref_squeeze %parallel_loop3A_819 : memref<1x128x128xf32, #tpu.memory_space<vmem>> -> memref<128x128xf32, #tpu.memory_space<vmem>>
        %parallel_loop3A_821 = arith.index_cast %parallel_loop3A_807 : i32 to index
        %parallel_loop3A_822 = arith.constant 0 : index
        %parallel_loop3A_823 = tpu.vector_load %parallel_loop3A_820[%parallel_loop3A_821, %parallel_loop3A_822] {strides = array<i32>} : memref<128x128xf32, #tpu.memory_space<vmem>>, vector<1x16xf32>,
        %parallel_loop3A_824 = vector.shape_cast %parallel_loop3A_823 : vector<1x16xf32> to vector<16xf32>
        %parallel_loop3A_825 = vector.shape_cast %parallel_loop3A_816 : vector<16xf32> to vector<1x16xf32>
        tpu.vector_store %parallel_loop3A_820[%parallel_loop3A_821, %parallel_loop3A_822], %parallel_loop3A_825 {strides = array<i32>} : memref<128x128xf32, #tpu.memory_space<vmem>>, vector<1x16xf32>,
        %parallel_loop3A_826 = arith.constant 0 : i32
        %parallel_loop3A_827 = arith.constant 0 : i32
        %parallel_loop3A_828 = tpu.memref_slice %arg10[%parallel_loop3A_421, %parallel_loop3A_826, %parallel_loop3A_827] : memref<4x128x128xf32, #tpu.memory_space<vmem>> -> memref<1x128x128xf32, #tpu.memory_space<vmem>>
        %parallel_loop3A_829 = tpu.memref_squeeze %parallel_loop3A_828 : memref<1x128x128xf32, #tpu.memory_space<vmem>> -> memref<128x128xf32, #tpu.memory_space<vmem>>
        %parallel_loop3A_830 = arith.index_cast %parallel_loop3A_807 : i32 to index
        %parallel_loop3A_831 = arith.constant 16 : index
        %parallel_loop3A_832 = tpu.vector_load %parallel_loop3A_829[%parallel_loop3A_830, %parallel_loop3A_831] {strides = array<i32>} : memref<128x128xf32, #tpu.memory_space<vmem>>, vector<1x16xf32>,
        %parallel_loop3A_833 = vector.shape_cast %parallel_loop3A_832 : vector<1x16xf32> to vector<16xf32>
        %parallel_loop3A_834 = arith.addf %parallel_loop3A_833, %get3A_375 : vector<16xf32>
        %parallel_loop3A_835 = arith.constant 0 : i32
        %parallel_loop3A_836 = arith.constant 0 : i32
        %parallel_loop3A_837 = tpu.memref_slice %arg10[%parallel_loop3A_421, %parallel_loop3A_835, %parallel_loop3A_836] : memref<4x128x128xf32, #tpu.memory_space<vmem>> -> memref<1x128x128xf32, #tpu.memory_space<vmem>>
        %parallel_loop3A_838 = tpu.memref_squeeze %parallel_loop3A_837 : memref<1x128x128xf32, #tpu.memory_space<vmem>> -> memref<128x128xf32, #tpu.memory_space<vmem>>
        %parallel_loop3A_839 = arith.index_cast %parallel_loop3A_807 : i32 to index
        %parallel_loop3A_840 = arith.constant 16 : index
        %parallel_loop3A_841 = tpu.vector_load %parallel_loop3A_838[%parallel_loop3A_839, %parallel_loop3A_840] {strides = array<i32>} : memref<128x128xf32, #tpu.memory_space<vmem>>, vector<1x16xf32>,
        %parallel_loop3A_842 = vector.shape_cast %parallel_loop3A_841 : vector<1x16xf32> to vector<16xf32>
        %parallel_loop3A_843 = vector.shape_cast %parallel_loop3A_834 : vector<16xf32> to vector<1x16xf32>
        tpu.vector_store %parallel_loop3A_838[%parallel_loop3A_839, %parallel_loop3A_840], %parallel_loop3A_843 {strides = array<i32>} : memref<128x128xf32, #tpu.memory_space<vmem>>, vector<1x16xf32>,
        %parallel_loop3A_844 = arith.constant 0 : i32
        %parallel_loop3A_845 = arith.constant 0 : i32
        %parallel_loop3A_846 = tpu.memref_slice %arg10[%parallel_loop3A_421, %parallel_loop3A_844, %parallel_loop3A_845] : memref<4x128x128xf32, #tpu.memory_space<vmem>> -> memref<1x128x128xf32, #tpu.memory_space<vmem>>
        %parallel_loop3A_847 = tpu.memref_squeeze %parallel_loop3A_846 : memref<1x128x128xf32, #tpu.memory_space<vmem>> -> memref<128x128xf32, #tpu.memory_space<vmem>>
        %parallel_loop3A_848 = arith.index_cast %parallel_loop3A_807 : i32 to index
        %parallel_loop3A_849 = arith.constant 32 : index
        %parallel_loop3A_850 = tpu.vector_load %parallel_loop3A_847[%parallel_loop3A_848, %parallel_loop3A_849] {strides = array<i32>} : memref<128x128xf32, #tpu.memory_space<vmem>>, vector<1x16xf32>,
        %parallel_loop3A_851 = vector.shape_cast %parallel_loop3A_850 : vector<1x16xf32> to vector<16xf32>
        %parallel_loop3A_852 = arith.addf %parallel_loop3A_851, %get3A_382 : vector<16xf32>
        %parallel_loop3A_853 = arith.constant 0 : i32
        %parallel_loop3A_854 = arith.constant 0 : i32
        %parallel_loop3A_855 = tpu.memref_slice %arg10[%parallel_loop3A_421, %parallel_loop3A_853, %parallel_loop3A_854] : memref<4x128x128xf32, #tpu.memory_space<vmem>> -> memref<1x128x128xf32, #tpu.memory_space<vmem>>
        %parallel_loop3A_856 = tpu.memref_squeeze %parallel_loop3A_855 : memref<1x128x128xf32, #tpu.memory_space<vmem>> -> memref<128x128xf32, #tpu.memory_space<vmem>>
        %parallel_loop3A_857 = arith.index_cast %parallel_loop3A_807 : i32 to index
        %parallel_loop3A_858 = arith.constant 32 : index
        %parallel_loop3A_859 = tpu.vector_load %parallel_loop3A_856[%parallel_loop3A_857, %parallel_loop3A_858] {strides = array<i32>} : memref<128x128xf32, #tpu.memory_space<vmem>>, vector<1x16xf32>,
        %parallel_loop3A_860 = vector.shape_cast %parallel_loop3A_859 : vector<1x16xf32> to vector<16xf32>
        %parallel_loop3A_861 = vector.shape_cast %parallel_loop3A_852 : vector<16xf32> to vector<1x16xf32>
        tpu.vector_store %parallel_loop3A_856[%parallel_loop3A_857, %parallel_loop3A_858], %parallel_loop3A_861 {strides = array<i32>} : memref<128x128xf32, #tpu.memory_space<vmem>>, vector<1x16xf32>,
        %parallel_loop3A_862 = arith.constant 0 : i32
        %parallel_loop3A_863 = arith.constant 0 : i32
        %parallel_loop3A_864 = tpu.memref_slice %arg10[%parallel_loop3A_421, %parallel_loop3A_862, %parallel_loop3A_863] : memref<4x128x128xf32, #tpu.memory_space<vmem>> -> memref<1x128x128xf32, #tpu.memory_space<vmem>>
        %parallel_loop3A_865 = tpu.memref_squeeze %parallel_loop3A_864 : memref<1x128x128xf32, #tpu.memory_space<vmem>> -> memref<128x128xf32, #tpu.memory_space<vmem>>
        %parallel_loop3A_866 = arith.index_cast %parallel_loop3A_807 : i32 to index
        %parallel_loop3A_867 = arith.constant 48 : index
        %parallel_loop3A_868 = tpu.vector_load %parallel_loop3A_865[%parallel_loop3A_866, %parallel_loop3A_867] {strides = array<i32>} : memref<128x128xf32, #tpu.memory_space<vmem>>, vector<1x16xf32>,
        %parallel_loop3A_869 = vector.shape_cast %parallel_loop3A_868 : vector<1x16xf32> to vector<16xf32>
        %parallel_loop3A_870 = arith.addf %parallel_loop3A_869, %get3A_389 : vector<16xf32>
        %parallel_loop3A_871 = arith.constant 0 : i32
        %parallel_loop3A_872 = arith.constant 0 : i32
        %parallel_loop3A_873 = tpu.memref_slice %arg10[%parallel_loop3A_421, %parallel_loop3A_871, %parallel_loop3A_872] : memref<4x128x128xf32, #tpu.memory_space<vmem>> -> memref<1x128x128xf32, #tpu.memory_space<vmem>>
        %parallel_loop3A_874 = tpu.memref_squeeze %parallel_loop3A_873 : memref<1x128x128xf32, #tpu.memory_space<vmem>> -> memref<128x128xf32, #tpu.memory_space<vmem>>
        %parallel_loop3A_875 = arith.index_cast %parallel_loop3A_807 : i32 to index
        %parallel_loop3A_876 = arith.constant 48 : index
        %parallel_loop3A_877 = tpu.vector_load %parallel_loop3A_874[%parallel_loop3A_875, %parallel_loop3A_876] {strides = array<i32>} : memref<128x128xf32, #tpu.memory_space<vmem>>, vector<1x16xf32>,
        %parallel_loop3A_878 = vector.shape_cast %parallel_loop3A_877 : vector<1x16xf32> to vector<16xf32>
        %parallel_loop3A_879 = vector.shape_cast %parallel_loop3A_870 : vector<16xf32> to vector<1x16xf32>
        tpu.vector_store %parallel_loop3A_874[%parallel_loop3A_875, %parallel_loop3A_876], %parallel_loop3A_879 {strides = array<i32>} : memref<128x128xf32, #tpu.memory_space<vmem>>, vector<1x16xf32>,
        %parallel_loop3A_880 = arith.constant 0 : i32
        %parallel_loop3A_881 = arith.constant 0 : i32
        %parallel_loop3A_882 = tpu.memref_slice %arg10[%parallel_loop3A_421, %parallel_loop3A_880, %parallel_loop3A_881] : memref<4x128x128xf32, #tpu.memory_space<vmem>> -> memref<1x128x128xf32, #tpu.memory_space<vmem>>
        %parallel_loop3A_883 = tpu.memref_squeeze %parallel_loop3A_882 : memref<1x128x128xf32, #tpu.memory_space<vmem>> -> memref<128x128xf32, #tpu.memory_space<vmem>>
        %parallel_loop3A_884 = arith.index_cast %parallel_loop3A_807 : i32 to index
        %parallel_loop3A_885 = arith.constant 64 : index
        %parallel_loop3A_886 = tpu.vector_load %parallel_loop3A_883[%parallel_loop3A_884, %parallel_loop3A_885] {strides = array<i32>} : memref<128x128xf32, #tpu.memory_space<vmem>>, vector<1x16xf32>,
        %parallel_loop3A_887 = vector.shape_cast %parallel_loop3A_886 : vector<1x16xf32> to vector<16xf32>
        %parallel_loop3A_888 = arith.addf %parallel_loop3A_887, %get3A_396 : vector<16xf32>
        %parallel_loop3A_889 = arith.constant 0 : i32
        %parallel_loop3A_890 = arith.constant 0 : i32
        %parallel_loop3A_891 = tpu.memref_slice %arg10[%parallel_loop3A_421, %parallel_loop3A_889, %parallel_loop3A_890] : memref<4x128x128xf32, #tpu.memory_space<vmem>> -> memref<1x128x128xf32, #tpu.memory_space<vmem>>
        %parallel_loop3A_892 = tpu.memref_squeeze %parallel_loop3A_891 : memref<1x128x128xf32, #tpu.memory_space<vmem>> -> memref<128x128xf32, #tpu.memory_space<vmem>>
        %parallel_loop3A_893 = arith.index_cast %parallel_loop3A_807 : i32 to index
        %parallel_loop3A_894 = arith.constant 64 : index
        %parallel_loop3A_895 = tpu.vector_load %parallel_loop3A_892[%parallel_loop3A_893, %parallel_loop3A_894] {strides = array<i32>} : memref<128x128xf32, #tpu.memory_space<vmem>>, vector<1x16xf32>,
        %parallel_loop3A_896 = vector.shape_cast %parallel_loop3A_895 : vector<1x16xf32> to vector<16xf32>
        %parallel_loop3A_897 = vector.shape_cast %parallel_loop3A_888 : vector<16xf32> to vector<1x16xf32>
        tpu.vector_store %parallel_loop3A_892[%parallel_loop3A_893, %parallel_loop3A_894], %parallel_loop3A_897 {strides = array<i32>} : memref<128x128xf32, #tpu.memory_space<vmem>>, vector<1x16xf32>,
        %parallel_loop3A_898 = arith.constant 0 : i32
        %parallel_loop3A_899 = arith.constant 0 : i32
        %parallel_loop3A_900 = tpu.memref_slice %arg10[%parallel_loop3A_421, %parallel_loop3A_898, %parallel_loop3A_899] : memref<4x128x128xf32, #tpu.memory_space<vmem>> -> memref<1x128x128xf32, #tpu.memory_space<vmem>>
        %parallel_loop3A_901 = tpu.memref_squeeze %parallel_loop3A_900 : memref<1x128x128xf32, #tpu.memory_space<vmem>> -> memref<128x128xf32, #tpu.memory_space<vmem>>
        %parallel_loop3A_902 = arith.index_cast %parallel_loop3A_807 : i32 to index
        %parallel_loop3A_903 = arith.constant 80 : index
        %parallel_loop3A_904 = tpu.vector_load %parallel_loop3A_901[%parallel_loop3A_902, %parallel_loop3A_903] {strides = array<i32>} : memref<128x128xf32, #tpu.memory_space<vmem>>, vector<1x16xf32>,
        %parallel_loop3A_905 = vector.shape_cast %parallel_loop3A_904 : vector<1x16xf32> to vector<16xf32>
        %parallel_loop3A_906 = arith.addf %parallel_loop3A_905, %get3A_403 : vector<16xf32>
        %parallel_loop3A_907 = arith.constant 0 : i32
        %parallel_loop3A_908 = arith.constant 0 : i32
        %parallel_loop3A_909 = tpu.memref_slice %arg10[%parallel_loop3A_421, %parallel_loop3A_907, %parallel_loop3A_908] : memref<4x128x128xf32, #tpu.memory_space<vmem>> -> memref<1x128x128xf32, #tpu.memory_space<vmem>>
        %parallel_loop3A_910 = tpu.memref_squeeze %parallel_loop3A_909 : memref<1x128x128xf32, #tpu.memory_space<vmem>> -> memref<128x128xf32, #tpu.memory_space<vmem>>
        %parallel_loop3A_911 = arith.index_cast %parallel_loop3A_807 : i32 to index
        %parallel_loop3A_912 = arith.constant 80 : index
        %parallel_loop3A_913 = tpu.vector_load %parallel_loop3A_910[%parallel_loop3A_911, %parallel_loop3A_912] {strides = array<i32>} : memref<128x128xf32, #tpu.memory_space<vmem>>, vector<1x16xf32>,
        %parallel_loop3A_914 = vector.shape_cast %parallel_loop3A_913 : vector<1x16xf32> to vector<16xf32>
        %parallel_loop3A_915 = vector.shape_cast %parallel_loop3A_906 : vector<16xf32> to vector<1x16xf32>
        tpu.vector_store %parallel_loop3A_910[%parallel_loop3A_911, %parallel_loop3A_912], %parallel_loop3A_915 {strides = array<i32>} : memref<128x128xf32, #tpu.memory_space<vmem>>, vector<1x16xf32>,
        %parallel_loop3A_916 = arith.constant 0 : i32
        %parallel_loop3A_917 = arith.constant 0 : i32
        %parallel_loop3A_918 = tpu.memref_slice %arg10[%parallel_loop3A_421, %parallel_loop3A_916, %parallel_loop3A_917] : memref<4x128x128xf32, #tpu.memory_space<vmem>> -> memref<1x128x128xf32, #tpu.memory_space<vmem>>
        %parallel_loop3A_919 = tpu.memref_squeeze %parallel_loop3A_918 : memref<1x128x128xf32, #tpu.memory_space<vmem>> -> memref<128x128xf32, #tpu.memory_space<vmem>>
        %parallel_loop3A_920 = arith.index_cast %parallel_loop3A_807 : i32 to index
        %parallel_loop3A_921 = arith.constant 96 : index
        %parallel_loop3A_922 = tpu.vector_load %parallel_loop3A_919[%parallel_loop3A_920, %parallel_loop3A_921] {strides = array<i32>} : memref<128x128xf32, #tpu.memory_space<vmem>>, vector<1x16xf32>,
        %parallel_loop3A_923 = vector.shape_cast %parallel_loop3A_922 : vector<1x16xf32> to vector<16xf32>
        %parallel_loop3A_924 = arith.addf %parallel_loop3A_923, %get3A_410 : vector<16xf32>
        %parallel_loop3A_925 = arith.constant 0 : i32
        %parallel_loop3A_926 = arith.constant 0 : i32
        %parallel_loop3A_927 = tpu.memref_slice %arg10[%parallel_loop3A_421, %parallel_loop3A_925, %parallel_loop3A_926] : memref<4x128x128xf32, #tpu.memory_space<vmem>> -> memref<1x128x128xf32, #tpu.memory_space<vmem>>
        %parallel_loop3A_928 = tpu.memref_squeeze %parallel_loop3A_927 : memref<1x128x128xf32, #tpu.memory_space<vmem>> -> memref<128x128xf32, #tpu.memory_space<vmem>>
        %parallel_loop3A_929 = arith.index_cast %parallel_loop3A_807 : i32 to index
        %parallel_loop3A_930 = arith.constant 96 : index
        %parallel_loop3A_931 = tpu.vector_load %parallel_loop3A_928[%parallel_loop3A_929, %parallel_loop3A_930] {strides = array<i32>} : memref<128x128xf32, #tpu.memory_space<vmem>>, vector<1x16xf32>,
        %parallel_loop3A_932 = vector.shape_cast %parallel_loop3A_931 : vector<1x16xf32> to vector<16xf32>
        %parallel_loop3A_933 = vector.shape_cast %parallel_loop3A_924 : vector<16xf32> to vector<1x16xf32>
        tpu.vector_store %parallel_loop3A_928[%parallel_loop3A_929, %parallel_loop3A_930], %parallel_loop3A_933 {strides = array<i32>} : memref<128x128xf32, #tpu.memory_space<vmem>>, vector<1x16xf32>,
        %parallel_loop3A_934 = arith.constant 0 : i32
        %parallel_loop3A_935 = arith.constant 0 : i32
        %parallel_loop3A_936 = tpu.memref_slice %arg10[%parallel_loop3A_421, %parallel_loop3A_934, %parallel_loop3A_935] : memref<4x128x128xf32, #tpu.memory_space<vmem>> -> memref<1x128x128xf32, #tpu.memory_space<vmem>>
        %parallel_loop3A_937 = tpu.memref_squeeze %parallel_loop3A_936 : memref<1x128x128xf32, #tpu.memory_space<vmem>> -> memref<128x128xf32, #tpu.memory_space<vmem>>
        %parallel_loop3A_938 = arith.index_cast %parallel_loop3A_807 : i32 to index
        %parallel_loop3A_939 = arith.constant 112 : index
        %parallel_loop3A_940 = tpu.vector_load %parallel_loop3A_937[%parallel_loop3A_938, %parallel_loop3A_939] {strides = array<i32>} : memref<128x128xf32, #tpu.memory_space<vmem>>, vector<1x16xf32>,
        %parallel_loop3A_941 = vector.shape_cast %parallel_loop3A_940 : vector<1x16xf32> to vector<16xf32>
        %parallel_loop3A_942 = arith.addf %parallel_loop3A_941, %get3A_417 : vector<16xf32>
        %parallel_loop3A_943 = arith.constant 0 : i32
        %parallel_loop3A_944 = arith.constant 0 : i32
        %parallel_loop3A_945 = tpu.memref_slice %arg10[%parallel_loop3A_421, %parallel_loop3A_943, %parallel_loop3A_944] : memref<4x128x128xf32, #tpu.memory_space<vmem>> -> memref<1x128x128xf32, #tpu.memory_space<vmem>>
        %parallel_loop3A_946 = tpu.memref_squeeze %parallel_loop3A_945 : memref<1x128x128xf32, #tpu.memory_space<vmem>> -> memref<128x128xf32, #tpu.memory_space<vmem>>
        %parallel_loop3A_947 = arith.index_cast %parallel_loop3A_807 : i32 to index
        %parallel_loop3A_948 = arith.constant 112 : index
        %parallel_loop3A_949 = tpu.vector_load %parallel_loop3A_946[%parallel_loop3A_947, %parallel_loop3A_948] {strides = array<i32>} : memref<128x128xf32, #tpu.memory_space<vmem>>, vector<1x16xf32>,
        %parallel_loop3A_950 = vector.shape_cast %parallel_loop3A_949 : vector<1x16xf32> to vector<16xf32>
        %parallel_loop3A_951 = vector.shape_cast %parallel_loop3A_942 : vector<16xf32> to vector<1x16xf32>
        tpu.vector_store %parallel_loop3A_946[%parallel_loop3A_947, %parallel_loop3A_948], %parallel_loop3A_951 {strides = array<i32>} : memref<128x128xf32, #tpu.memory_space<vmem>>, vector<1x16xf32>,
      } {sc.loop_unroll_factor = 4 : i64, sc.parallel_access}
      %dma_start3A_422 = arith.constant 1 : i32
      %dma_start3A_423 = arith.constant 1 : i32
      %dma_start3A_424 = arith.constant 0 : i32
      %dma_start3A_425 = arith.constant 0 : i32
      %dma_start3A_426 = tpu.memref_slice %arg10[%dma_start3A_422, %dma_start3A_424, %dma_start3A_425] : memref<4x128x128xf32, #tpu.memory_space<vmem>> -> memref<1x128x128xf32, #tpu.memory_space<vmem>>
      %dma_start3A_427 = tpu.memref_squeeze %dma_start3A_426 : memref<1x128x128xf32, #tpu.memory_space<vmem>> -> memref<128x128xf32, #tpu.memory_space<vmem>>
      %dma_start3A_428 = arith.constant 0 : i32
      %dma_start3A_429 = tpu.memref_slice %arg11[%dma_start3A_423, %dma_start3A_428] : memref<4x128xi32, #tpu.memory_space<vmem>> -> memref<1x128xi32, #tpu.memory_space<vmem>>
      %dma_start3A_430 = tpu.memref_squeeze %dma_start3A_429 : memref<1x128xi32, #tpu.memory_space<vmem>> -> memref<128xi32, #tpu.memory_space<vmem>>
      %dma_start3A_431 = arith.constant 0 : i32
      %dma_start3A_432 = arith.constant 0 : i32
      %dma_start3A_433 = tpu.memref_slice %arg6[%dma_start3A_431, %dma_start3A_432] : memref<819200x128xf32, #tpu.memory_space<hbm>> -> memref<819200x128xf32, #tpu.memory_space<hbm>>
      tpu.enqueue_indirect_dma source(%dma_start3A_427 : memref<128x128xf32, #tpu.memory_space<vmem>>) target(%dma_start3A_433 : memref<819200x128xf32, #tpu.memory_space<hbm>>) offsets(%dma_start3A_430 : memref<128xi32, #tpu.memory_space<vmem>>) semaphore(%arg17 : memref<!tpu.dma_semaphore, #tpu.memory_space<semaphore_mem>>)
      %add3A_434 = arith.constant 2 : i32
      %add3A_435 = arith.addi %add3A_261, %add3A_434 : i32
      %lt3A_436 = arith.constant 200 : i32
      %lt3A_437 = arith.cmpi slt, %add3A_435, %lt3A_436 : i32
      %convert_element_type3A_438 = arith.extui %lt3A_437 : i1 to i32
      %cond3A_439 = arith.constant 0 : i32
      %cond3A_440 = arith.cmpi ne, %convert_element_type3A_438, %cond3A_439 : i32
      scf.if %cond3A_440 {
        %ge3A = arith.constant 4 : i32
        %ge3A_807 = arith.cmpi sge, %add3A_435, %ge3A : i32
        %convert_element_type3A_808 = arith.extui %ge3A_807 : i1 to i32
        %cond3A_809 = arith.constant 0 : i32
        %cond3A_810 = arith.cmpi ne, %convert_element_type3A_808, %cond3A_809 : i32
        scf.if %cond3A_810 {
          %dma_wait3A_822 = arith.constant 3 : i32
          %dma_wait3A_823 = arith.constant 3 : i32
          %dma_wait3A_824 = arith.constant 0 : i32
          %dma_wait3A_825 = arith.constant 0 : i32
          %dma_wait3A_826 = tpu.memref_slice %arg10[%dma_wait3A_822, %dma_wait3A_824, %dma_wait3A_825] : memref<4x128x128xf32, #tpu.memory_space<vmem>> -> memref<1x128x128xf32, #tpu.memory_space<vmem>>
          %dma_wait3A_827 = tpu.memref_squeeze %dma_wait3A_826 : memref<1x128x128xf32, #tpu.memory_space<vmem>> -> memref<128x128xf32, #tpu.memory_space<vmem>>
          %dma_wait3A_828 = arith.constant 0 : i32
          %dma_wait3A_829 = tpu.memref_slice %arg11[%dma_wait3A_823, %dma_wait3A_828] : memref<4x128xi32, #tpu.memory_space<vmem>> -> memref<1x128xi32, #tpu.memory_space<vmem>>
          %dma_wait3A_830 = tpu.memref_squeeze %dma_wait3A_829 : memref<1x128xi32, #tpu.memory_space<vmem>> -> memref<128xi32, #tpu.memory_space<vmem>>
          %dma_wait3A_831 = arith.constant 0 : i32
          %dma_wait3A_832 = arith.constant 0 : i32
          %dma_wait3A_833 = tpu.memref_slice %arg6[%dma_wait3A_831, %dma_wait3A_832] : memref<819200x128xf32, #tpu.memory_space<hbm>> -> memref<819200x128xf32, #tpu.memory_space<hbm>>
          tpu.wait_indirect_dma semaphore(%arg19 : memref<!tpu.dma_semaphore, #tpu.memory_space<semaphore_mem>>) src(%dma_wait3A_827 : memref<128x128xf32, #tpu.memory_space<vmem>>) dst(%dma_wait3A_833 : memref<819200x128xf32, #tpu.memory_space<hbm>>)
        } else {
        }
        %dma_start3A_811 = arith.constant 3 : i32
        %dma_start3A_812 = arith.constant 0 : i32
        %dma_start3A_813 = arith.constant 0 : i32
        %dma_start3A_814 = tpu.memref_slice %arg10[%dma_start3A_811, %dma_start3A_812, %dma_start3A_813] : memref<4x128x128xf32, #tpu.memory_space<vmem>> -> memref<1x128x128xf32, #tpu.memory_space<vmem>>
        %dma_start3A_815 = tpu.memref_squeeze %dma_start3A_814 : memref<1x128x128xf32, #tpu.memory_space<vmem>> -> memref<128x128xf32, #tpu.memory_space<vmem>>
        %dma_start3A_816 = arith.constant 0 : i32
        %dma_start3A_817 = tpu.memref_slice %arg7[%add3A_435, %dma_start3A_816] : memref<200x128xi32, #tpu.memory_space<vmem>> -> memref<1x128xi32, #tpu.memory_space<vmem>>
        %dma_start3A_818 = tpu.memref_squeeze %dma_start3A_817 : memref<1x128xi32, #tpu.memory_space<vmem>> -> memref<128xi32, #tpu.memory_space<vmem>>
        %dma_start3A_819 = arith.constant 0 : i32
        %dma_start3A_820 = arith.constant 0 : i32
        %dma_start3A_821 = tpu.memref_slice %arg3[%dma_start3A_819, %dma_start3A_820] : memref<1000000x128xf32, #tpu.memory_space<hbm>> -> memref<1000000x128xf32, #tpu.memory_space<hbm>>
        tpu.enqueue_indirect_dma source(%dma_start3A_821 : memref<1000000x128xf32, #tpu.memory_space<hbm>>) target(%dma_start3A_815 : memref<128x128xf32, #tpu.memory_space<vmem>>) offsets(%dma_start3A_818 : memref<128xi32, #tpu.memory_space<vmem>>) semaphore(%arg15 : memref<!tpu.dma_semaphore, #tpu.memory_space<semaphore_mem>>)
      } else {
      }
      %mul3A_441 = arith.constant 4 : i32
      %mul3A_442 = arith.muli %scan3A_80, %mul3A_441 : i32
      %add3A_443 = arith.constant 2 : i32
      %add3A_444 = arith.addi %mul3A_442, %add3A_443 : i32
      %dma_wait3A_445 = arith.constant 2 : i32
      %dma_wait3A_446 = arith.constant 0 : i32
      %dma_wait3A_447 = arith.constant 0 : i32
      %dma_wait3A_448 = tpu.memref_slice %arg10[%dma_wait3A_445, %dma_wait3A_446, %dma_wait3A_447] : memref<4x128x128xf32, #tpu.memory_space<vmem>> -> memref<1x128x128xf32, #tpu.memory_space<vmem>>
      %dma_wait3A_449 = tpu.memref_squeeze %dma_wait3A_448 : memref<1x128x128xf32, #tpu.memory_space<vmem>> -> memref<128x128xf32, #tpu.memory_space<vmem>>
      %dma_wait3A_450 = arith.constant 0 : i32
      %dma_wait3A_451 = tpu.memref_slice %arg7[%add3A_444, %dma_wait3A_450] : memref<200x128xi32, #tpu.memory_space<vmem>> -> memref<1x128xi32, #tpu.memory_space<vmem>>
      %dma_wait3A_452 = tpu.memref_squeeze %dma_wait3A_451 : memref<1x128xi32, #tpu.memory_space<vmem>> -> memref<128xi32, #tpu.memory_space<vmem>>
      %dma_wait3A_453 = arith.constant 0 : i32
      %dma_wait3A_454 = arith.constant 0 : i32
      %dma_wait3A_455 = tpu.memref_slice %arg3[%dma_wait3A_453, %dma_wait3A_454] : memref<1000000x128xf32, #tpu.memory_space<hbm>> -> memref<1000000x128xf32, #tpu.memory_space<hbm>>
      tpu.wait_indirect_dma semaphore(%arg14 : memref<!tpu.dma_semaphore, #tpu.memory_space<semaphore_mem>>) src(%dma_wait3A_455 : memref<1000000x128xf32, #tpu.memory_space<hbm>>) dst(%dma_wait3A_449 : memref<128x128xf32, #tpu.memory_space<vmem>>)
      %add3A_456 = arith.addi %mul3A_4, %add3A_444 : i32
      %get3A_457 = arith.constant 0 : index
      %get3A_458 = tpu.vector_load %arg9[%get3A_457] {strides = array<i32>} : memref<128xi32, #tpu.memory_space<vmem>>, vector<16xi32>,
      %get3A_459 = vector.shape_cast %get3A_458 : vector<16xi32> to vector<16xi32>
      %add3A_460 = vector.broadcast %add3A_456 : i32 to vector<16xi32>
      %add3A_461 = arith.addi %get3A_459, %add3A_460 : vector<16xi32>
      %swap3A_462 = arith.constant 2 : i32
      %swap3A_463 = arith.index_cast %swap3A_462 : i32 to index
      %swap3A_464 = arith.constant 0 : index
      %swap3A_465 = tpu.vector_load %arg11[%swap3A_463, %swap3A_464] {strides = array<i32>} : memref<4x128xi32, #tpu.memory_space<vmem>>, vector<1x16xi32>,
      %swap3A_466 = vector.shape_cast %swap3A_465 : vector<1x16xi32> to vector<16xi32>
      %swap3A_467 = vector.shape_cast %add3A_461 : vector<16xi32> to vector<1x16xi32>
      tpu.vector_store %arg11[%swap3A_463, %swap3A_464], %swap3A_467 {strides = array<i32>} : memref<4x128xi32, #tpu.memory_space<vmem>>, vector<1x16xi32>,
      %get3A_468 = arith.constant 16 : index
      %get3A_469 = tpu.vector_load %arg9[%get3A_468] {strides = array<i32>} : memref<128xi32, #tpu.memory_space<vmem>>, vector<16xi32>,
      %get3A_470 = vector.shape_cast %get3A_469 : vector<16xi32> to vector<16xi32>
      %add3A_471 = vector.broadcast %add3A_456 : i32 to vector<16xi32>
      %add3A_472 = arith.addi %get3A_470, %add3A_471 : vector<16xi32>
      %swap3A_473 = arith.constant 2 : i32
      %swap3A_474 = arith.index_cast %swap3A_473 : i32 to index
      %swap3A_475 = arith.constant 16 : index
      %swap3A_476 = tpu.vector_load %arg11[%swap3A_474, %swap3A_475] {strides = array<i32>} : memref<4x128xi32, #tpu.memory_space<vmem>>, vector<1x16xi32>,
      %swap3A_477 = vector.shape_cast %swap3A_476 : vector<1x16xi32> to vector<16xi32>
      %swap3A_478 = vector.shape_cast %add3A_472 : vector<16xi32> to vector<1x16xi32>
      tpu.vector_store %arg11[%swap3A_474, %swap3A_475], %swap3A_478 {strides = array<i32>} : memref<4x128xi32, #tpu.memory_space<vmem>>, vector<1x16xi32>,
      %get3A_479 = arith.constant 32 : index
      %get3A_480 = tpu.vector_load %arg9[%get3A_479] {strides = array<i32>} : memref<128xi32, #tpu.memory_space<vmem>>, vector<16xi32>,
      %get3A_481 = vector.shape_cast %get3A_480 : vector<16xi32> to vector<16xi32>
      %add3A_482 = vector.broadcast %add3A_456 : i32 to vector<16xi32>
      %add3A_483 = arith.addi %get3A_481, %add3A_482 : vector<16xi32>
      %swap3A_484 = arith.constant 2 : i32
      %swap3A_485 = arith.index_cast %swap3A_484 : i32 to index
      %swap3A_486 = arith.constant 32 : index
      %swap3A_487 = tpu.vector_load %arg11[%swap3A_485, %swap3A_486] {strides = array<i32>} : memref<4x128xi32, #tpu.memory_space<vmem>>, vector<1x16xi32>,
      %swap3A_488 = vector.shape_cast %swap3A_487 : vector<1x16xi32> to vector<16xi32>
      %swap3A_489 = vector.shape_cast %add3A_483 : vector<16xi32> to vector<1x16xi32>
      tpu.vector_store %arg11[%swap3A_485, %swap3A_486], %swap3A_489 {strides = array<i32>} : memref<4x128xi32, #tpu.memory_space<vmem>>, vector<1x16xi32>,
      %get3A_490 = arith.constant 48 : index
      %get3A_491 = tpu.vector_load %arg9[%get3A_490] {strides = array<i32>} : memref<128xi32, #tpu.memory_space<vmem>>, vector<16xi32>,
      %get3A_492 = vector.shape_cast %get3A_491 : vector<16xi32> to vector<16xi32>
      %add3A_493 = vector.broadcast %add3A_456 : i32 to vector<16xi32>
      %add3A_494 = arith.addi %get3A_492, %add3A_493 : vector<16xi32>
      %swap3A_495 = arith.constant 2 : i32
      %swap3A_496 = arith.index_cast %swap3A_495 : i32 to index
      %swap3A_497 = arith.constant 48 : index
      %swap3A_498 = tpu.vector_load %arg11[%swap3A_496, %swap3A_497] {strides = array<i32>} : memref<4x128xi32, #tpu.memory_space<vmem>>, vector<1x16xi32>,
      %swap3A_499 = vector.shape_cast %swap3A_498 : vector<1x16xi32> to vector<16xi32>
      %swap3A_500 = vector.shape_cast %add3A_494 : vector<16xi32> to vector<1x16xi32>
      tpu.vector_store %arg11[%swap3A_496, %swap3A_497], %swap3A_500 {strides = array<i32>} : memref<4x128xi32, #tpu.memory_space<vmem>>, vector<1x16xi32>,
      %get3A_501 = arith.constant 64 : index
      %get3A_502 = tpu.vector_load %arg9[%get3A_501] {strides = array<i32>} : memref<128xi32, #tpu.memory_space<vmem>>, vector<16xi32>,
      %get3A_503 = vector.shape_cast %get3A_502 : vector<16xi32> to vector<16xi32>
      %add3A_504 = vector.broadcast %add3A_456 : i32 to vector<16xi32>
      %add3A_505 = arith.addi %get3A_503, %add3A_504 : vector<16xi32>
      %swap3A_506 = arith.constant 2 : i32
      %swap3A_507 = arith.index_cast %swap3A_506 : i32 to index
      %swap3A_508 = arith.constant 64 : index
      %swap3A_509 = tpu.vector_load %arg11[%swap3A_507, %swap3A_508] {strides = array<i32>} : memref<4x128xi32, #tpu.memory_space<vmem>>, vector<1x16xi32>,
      %swap3A_510 = vector.shape_cast %swap3A_509 : vector<1x16xi32> to vector<16xi32>
      %swap3A_511 = vector.shape_cast %add3A_505 : vector<16xi32> to vector<1x16xi32>
      tpu.vector_store %arg11[%swap3A_507, %swap3A_508], %swap3A_511 {strides = array<i32>} : memref<4x128xi32, #tpu.memory_space<vmem>>, vector<1x16xi32>,
      %get3A_512 = arith.constant 80 : index
      %get3A_513 = tpu.vector_load %arg9[%get3A_512] {strides = array<i32>} : memref<128xi32, #tpu.memory_space<vmem>>, vector<16xi32>,
      %get3A_514 = vector.shape_cast %get3A_513 : vector<16xi32> to vector<16xi32>
      %add3A_515 = vector.broadcast %add3A_456 : i32 to vector<16xi32>
      %add3A_516 = arith.addi %get3A_514, %add3A_515 : vector<16xi32>
      %swap3A_517 = arith.constant 2 : i32
      %swap3A_518 = arith.index_cast %swap3A_517 : i32 to index
      %swap3A_519 = arith.constant 80 : index
      %swap3A_520 = tpu.vector_load %arg11[%swap3A_518, %swap3A_519] {strides = array<i32>} : memref<4x128xi32, #tpu.memory_space<vmem>>, vector<1x16xi32>,
      %swap3A_521 = vector.shape_cast %swap3A_520 : vector<1x16xi32> to vector<16xi32>
      %swap3A_522 = vector.shape_cast %add3A_516 : vector<16xi32> to vector<1x16xi32>
      tpu.vector_store %arg11[%swap3A_518, %swap3A_519], %swap3A_522 {strides = array<i32>} : memref<4x128xi32, #tpu.memory_space<vmem>>, vector<1x16xi32>,
      %get3A_523 = arith.constant 96 : index
      %get3A_524 = tpu.vector_load %arg9[%get3A_523] {strides = array<i32>} : memref<128xi32, #tpu.memory_space<vmem>>, vector<16xi32>,
      %get3A_525 = vector.shape_cast %get3A_524 : vector<16xi32> to vector<16xi32>
      %add3A_526 = vector.broadcast %add3A_456 : i32 to vector<16xi32>
      %add3A_527 = arith.addi %get3A_525, %add3A_526 : vector<16xi32>
      %swap3A_528 = arith.constant 2 : i32
      %swap3A_529 = arith.index_cast %swap3A_528 : i32 to index
      %swap3A_530 = arith.constant 96 : index
      %swap3A_531 = tpu.vector_load %arg11[%swap3A_529, %swap3A_530] {strides = array<i32>} : memref<4x128xi32, #tpu.memory_space<vmem>>, vector<1x16xi32>,
      %swap3A_532 = vector.shape_cast %swap3A_531 : vector<1x16xi32> to vector<16xi32>
      %swap3A_533 = vector.shape_cast %add3A_527 : vector<16xi32> to vector<1x16xi32>
      tpu.vector_store %arg11[%swap3A_529, %swap3A_530], %swap3A_533 {strides = array<i32>} : memref<4x128xi32, #tpu.memory_space<vmem>>, vector<1x16xi32>,
      %get3A_534 = arith.constant 112 : index
      %get3A_535 = tpu.vector_load %arg9[%get3A_534] {strides = array<i32>} : memref<128xi32, #tpu.memory_space<vmem>>, vector<16xi32>,
      %get3A_536 = vector.shape_cast %get3A_535 : vector<16xi32> to vector<16xi32>
      %add3A_537 = vector.broadcast %add3A_456 : i32 to vector<16xi32>
      %add3A_538 = arith.addi %get3A_536, %add3A_537 : vector<16xi32>
      %swap3A_539 = arith.constant 2 : i32
      %swap3A_540 = arith.index_cast %swap3A_539 : i32 to index
      %swap3A_541 = arith.constant 112 : index
      %swap3A_542 = tpu.vector_load %arg11[%swap3A_540, %swap3A_541] {strides = array<i32>} : memref<4x128xi32, #tpu.memory_space<vmem>>, vector<1x16xi32>,
      %swap3A_543 = vector.shape_cast %swap3A_542 : vector<1x16xi32> to vector<16xi32>
      %swap3A_544 = vector.shape_cast %add3A_538 : vector<16xi32> to vector<1x16xi32>
      tpu.vector_store %arg11[%swap3A_540, %swap3A_541], %swap3A_544 {strides = array<i32>} : memref<4x128xi32, #tpu.memory_space<vmem>>, vector<1x16xi32>,
      %mul3A_545 = arith.constant 128 : i32
      %mul3A_546 = arith.muli %add3A_444, %mul3A_545 : i32
      %add3A_547 = arith.constant 0 : i32
      %add3A_548 = arith.addi %mul3A_546, %add3A_547 : i32
      %get3A_549 = arith.index_cast %add3A_548 : i32 to index
      %get3A_550 = tpu.vector_load %arg8[%get3A_549] {strides = array<i32>} : memref<25600xf32, #tpu.memory_space<vmem>>, vector<16xf32>,
      %get3A_551 = vector.shape_cast %get3A_550 : vector<16xf32> to vector<16xf32>
      %mul3A_552 = arith.constant 128 : i32
      %mul3A_553 = arith.muli %add3A_444, %mul3A_552 : i32
      %add3A_554 = arith.constant 16 : i32
      %add3A_555 = arith.addi %mul3A_553, %add3A_554 : i32
      %get3A_556 = arith.index_cast %add3A_555 : i32 to index
      %get3A_557 = tpu.vector_load %arg8[%get3A_556] {strides = array<i32>} : memref<25600xf32, #tpu.memory_space<vmem>>, vector<16xf32>,
      %get3A_558 = vector.shape_cast %get3A_557 : vector<16xf32> to vector<16xf32>
      %mul3A_559 = arith.constant 128 : i32
      %mul3A_560 = arith.muli %add3A_444, %mul3A_559 : i32
      %add3A_561 = arith.constant 32 : i32
      %add3A_562 = arith.addi %mul3A_560, %add3A_561 : i32
      %get3A_563 = arith.index_cast %add3A_562 : i32 to index
      %get3A_564 = tpu.vector_load %arg8[%get3A_563] {strides = array<i32>} : memref<25600xf32, #tpu.memory_space<vmem>>, vector<16xf32>,
      %get3A_565 = vector.shape_cast %get3A_564 : vector<16xf32> to vector<16xf32>
      %mul3A_566 = arith.constant 128 : i32
      %mul3A_567 = arith.muli %add3A_444, %mul3A_566 : i32
      %add3A_568 = arith.constant 48 : i32
      %add3A_569 = arith.addi %mul3A_567, %add3A_568 : i32
      %get3A_570 = arith.index_cast %add3A_569 : i32 to index
      %get3A_571 = tpu.vector_load %arg8[%get3A_570] {strides = array<i32>} : memref<25600xf32, #tpu.memory_space<vmem>>, vector<16xf32>,
      %get3A_572 = vector.shape_cast %get3A_571 : vector<16xf32> to vector<16xf32>
      %mul3A_573 = arith.constant 128 : i32
      %mul3A_574 = arith.muli %add3A_444, %mul3A_573 : i32
      %add3A_575 = arith.constant 64 : i32
      %add3A_576 = arith.addi %mul3A_574, %add3A_575 : i32
      %get3A_577 = arith.index_cast %add3A_576 : i32 to index
      %get3A_578 = tpu.vector_load %arg8[%get3A_577] {strides = array<i32>} : memref<25600xf32, #tpu.memory_space<vmem>>, vector<16xf32>,
      %get3A_579 = vector.shape_cast %get3A_578 : vector<16xf32> to vector<16xf32>
      %mul3A_580 = arith.constant 128 : i32
      %mul3A_581 = arith.muli %add3A_444, %mul3A_580 : i32
      %add3A_582 = arith.constant 80 : i32
      %add3A_583 = arith.addi %mul3A_581, %add3A_582 : i32
      %get3A_584 = arith.index_cast %add3A_583 : i32 to index
      %get3A_585 = tpu.vector_load %arg8[%get3A_584] {strides = array<i32>} : memref<25600xf32, #tpu.memory_space<vmem>>, vector<16xf32>,
      %get3A_586 = vector.shape_cast %get3A_585 : vector<16xf32> to vector<16xf32>
      %mul3A_587 = arith.constant 128 : i32
      %mul3A_588 = arith.muli %add3A_444, %mul3A_587 : i32
      %add3A_589 = arith.constant 96 : i32
      %add3A_590 = arith.addi %mul3A_588, %add3A_589 : i32
      %get3A_591 = arith.index_cast %add3A_590 : i32 to index
      %get3A_592 = tpu.vector_load %arg8[%get3A_591] {strides = array<i32>} : memref<25600xf32, #tpu.memory_space<vmem>>, vector<16xf32>,
      %get3A_593 = vector.shape_cast %get3A_592 : vector<16xf32> to vector<16xf32>
      %mul3A_594 = arith.constant 128 : i32
      %mul3A_595 = arith.muli %add3A_444, %mul3A_594 : i32
      %add3A_596 = arith.constant 112 : i32
      %add3A_597 = arith.addi %mul3A_595, %add3A_596 : i32
      %get3A_598 = arith.index_cast %add3A_597 : i32 to index
      %get3A_599 = tpu.vector_load %arg8[%get3A_598] {strides = array<i32>} : memref<25600xf32, #tpu.memory_space<vmem>>, vector<16xf32>,
      %get3A_600 = vector.shape_cast %get3A_599 : vector<16xf32> to vector<16xf32>
      %parallel_loop3A_601 = arith.constant 0 : i32
      %parallel_loop3A_602 = arith.constant 128 : i32
      %parallel_loop3A_603 = arith.constant 1 : i32
      %parallel_loop3A_604 = arith.constant 2 : i32
      scf.for %parallel_loop3A_807 = %parallel_loop3A_601 to %parallel_loop3A_602 step %parallel_loop3A_603  : i32 {
        %parallel_loop3A_808 = arith.constant 0 : i32
        %parallel_loop3A_809 = arith.constant 0 : i32
        %parallel_loop3A_810 = tpu.memref_slice %arg10[%parallel_loop3A_604, %parallel_loop3A_808, %parallel_loop3A_809] : memref<4x128x128xf32, #tpu.memory_space<vmem>> -> memref<1x128x128xf32, #tpu.memory_space<vmem>>
        %parallel_loop3A_811 = tpu.memref_squeeze %parallel_loop3A_810 : memref<1x128x128xf32, #tpu.memory_space<vmem>> -> memref<128x128xf32, #tpu.memory_space<vmem>>
        %parallel_loop3A_812 = arith.index_cast %parallel_loop3A_807 : i32 to index
        %parallel_loop3A_813 = arith.constant 0 : index
        %parallel_loop3A_814 = tpu.vector_load %parallel_loop3A_811[%parallel_loop3A_812, %parallel_loop3A_813] {strides = array<i32>} : memref<128x128xf32, #tpu.memory_space<vmem>>, vector<1x16xf32>,
        %parallel_loop3A_815 = vector.shape_cast %parallel_loop3A_814 : vector<1x16xf32> to vector<16xf32>
        %parallel_loop3A_816 = arith.addf %parallel_loop3A_815, %get3A_551 : vector<16xf32>
        %parallel_loop3A_817 = arith.constant 0 : i32
        %parallel_loop3A_818 = arith.constant 0 : i32
        %parallel_loop3A_819 = tpu.memref_slice %arg10[%parallel_loop3A_604, %parallel_loop3A_817, %parallel_loop3A_818] : memref<4x128x128xf32, #tpu.memory_space<vmem>> -> memref<1x128x128xf32, #tpu.memory_space<vmem>>
        %parallel_loop3A_820 = tpu.memref_squeeze %parallel_loop3A_819 : memref<1x128x128xf32, #tpu.memory_space<vmem>> -> memref<128x128xf32, #tpu.memory_space<vmem>>
        %parallel_loop3A_821 = arith.index_cast %parallel_loop3A_807 : i32 to index
        %parallel_loop3A_822 = arith.constant 0 : index
        %parallel_loop3A_823 = tpu.vector_load %parallel_loop3A_820[%parallel_loop3A_821, %parallel_loop3A_822] {strides = array<i32>} : memref<128x128xf32, #tpu.memory_space<vmem>>, vector<1x16xf32>,
        %parallel_loop3A_824 = vector.shape_cast %parallel_loop3A_823 : vector<1x16xf32> to vector<16xf32>
        %parallel_loop3A_825 = vector.shape_cast %parallel_loop3A_816 : vector<16xf32> to vector<1x16xf32>
        tpu.vector_store %parallel_loop3A_820[%parallel_loop3A_821, %parallel_loop3A_822], %parallel_loop3A_825 {strides = array<i32>} : memref<128x128xf32, #tpu.memory_space<vmem>>, vector<1x16xf32>,
        %parallel_loop3A_826 = arith.constant 0 : i32
        %parallel_loop3A_827 = arith.constant 0 : i32
        %parallel_loop3A_828 = tpu.memref_slice %arg10[%parallel_loop3A_604, %parallel_loop3A_826, %parallel_loop3A_827] : memref<4x128x128xf32, #tpu.memory_space<vmem>> -> memref<1x128x128xf32, #tpu.memory_space<vmem>>
        %parallel_loop3A_829 = tpu.memref_squeeze %parallel_loop3A_828 : memref<1x128x128xf32, #tpu.memory_space<vmem>> -> memref<128x128xf32, #tpu.memory_space<vmem>>
        %parallel_loop3A_830 = arith.index_cast %parallel_loop3A_807 : i32 to index
        %parallel_loop3A_831 = arith.constant 16 : index
        %parallel_loop3A_832 = tpu.vector_load %parallel_loop3A_829[%parallel_loop3A_830, %parallel_loop3A_831] {strides = array<i32>} : memref<128x128xf32, #tpu.memory_space<vmem>>, vector<1x16xf32>,
        %parallel_loop3A_833 = vector.shape_cast %parallel_loop3A_832 : vector<1x16xf32> to vector<16xf32>
        %parallel_loop3A_834 = arith.addf %parallel_loop3A_833, %get3A_558 : vector<16xf32>
        %parallel_loop3A_835 = arith.constant 0 : i32
        %parallel_loop3A_836 = arith.constant 0 : i32
        %parallel_loop3A_837 = tpu.memref_slice %arg10[%parallel_loop3A_604, %parallel_loop3A_835, %parallel_loop3A_836] : memref<4x128x128xf32, #tpu.memory_space<vmem>> -> memref<1x128x128xf32, #tpu.memory_space<vmem>>
        %parallel_loop3A_838 = tpu.memref_squeeze %parallel_loop3A_837 : memref<1x128x128xf32, #tpu.memory_space<vmem>> -> memref<128x128xf32, #tpu.memory_space<vmem>>
        %parallel_loop3A_839 = arith.index_cast %parallel_loop3A_807 : i32 to index
        %parallel_loop3A_840 = arith.constant 16 : index
        %parallel_loop3A_841 = tpu.vector_load %parallel_loop3A_838[%parallel_loop3A_839, %parallel_loop3A_840] {strides = array<i32>} : memref<128x128xf32, #tpu.memory_space<vmem>>, vector<1x16xf32>,
        %parallel_loop3A_842 = vector.shape_cast %parallel_loop3A_841 : vector<1x16xf32> to vector<16xf32>
        %parallel_loop3A_843 = vector.shape_cast %parallel_loop3A_834 : vector<16xf32> to vector<1x16xf32>
        tpu.vector_store %parallel_loop3A_838[%parallel_loop3A_839, %parallel_loop3A_840], %parallel_loop3A_843 {strides = array<i32>} : memref<128x128xf32, #tpu.memory_space<vmem>>, vector<1x16xf32>,
        %parallel_loop3A_844 = arith.constant 0 : i32
        %parallel_loop3A_845 = arith.constant 0 : i32
        %parallel_loop3A_846 = tpu.memref_slice %arg10[%parallel_loop3A_604, %parallel_loop3A_844, %parallel_loop3A_845] : memref<4x128x128xf32, #tpu.memory_space<vmem>> -> memref<1x128x128xf32, #tpu.memory_space<vmem>>
        %parallel_loop3A_847 = tpu.memref_squeeze %parallel_loop3A_846 : memref<1x128x128xf32, #tpu.memory_space<vmem>> -> memref<128x128xf32, #tpu.memory_space<vmem>>
        %parallel_loop3A_848 = arith.index_cast %parallel_loop3A_807 : i32 to index
        %parallel_loop3A_849 = arith.constant 32 : index
        %parallel_loop3A_850 = tpu.vector_load %parallel_loop3A_847[%parallel_loop3A_848, %parallel_loop3A_849] {strides = array<i32>} : memref<128x128xf32, #tpu.memory_space<vmem>>, vector<1x16xf32>,
        %parallel_loop3A_851 = vector.shape_cast %parallel_loop3A_850 : vector<1x16xf32> to vector<16xf32>
        %parallel_loop3A_852 = arith.addf %parallel_loop3A_851, %get3A_565 : vector<16xf32>
        %parallel_loop3A_853 = arith.constant 0 : i32
        %parallel_loop3A_854 = arith.constant 0 : i32
        %parallel_loop3A_855 = tpu.memref_slice %arg10[%parallel_loop3A_604, %parallel_loop3A_853, %parallel_loop3A_854] : memref<4x128x128xf32, #tpu.memory_space<vmem>> -> memref<1x128x128xf32, #tpu.memory_space<vmem>>
        %parallel_loop3A_856 = tpu.memref_squeeze %parallel_loop3A_855 : memref<1x128x128xf32, #tpu.memory_space<vmem>> -> memref<128x128xf32, #tpu.memory_space<vmem>>
        %parallel_loop3A_857 = arith.index_cast %parallel_loop3A_807 : i32 to index
        %parallel_loop3A_858 = arith.constant 32 : index
        %parallel_loop3A_859 = tpu.vector_load %parallel_loop3A_856[%parallel_loop3A_857, %parallel_loop3A_858] {strides = array<i32>} : memref<128x128xf32, #tpu.memory_space<vmem>>, vector<1x16xf32>,
        %parallel_loop3A_860 = vector.shape_cast %parallel_loop3A_859 : vector<1x16xf32> to vector<16xf32>
        %parallel_loop3A_861 = vector.shape_cast %parallel_loop3A_852 : vector<16xf32> to vector<1x16xf32>
        tpu.vector_store %parallel_loop3A_856[%parallel_loop3A_857, %parallel_loop3A_858], %parallel_loop3A_861 {strides = array<i32>} : memref<128x128xf32, #tpu.memory_space<vmem>>, vector<1x16xf32>,
        %parallel_loop3A_862 = arith.constant 0 : i32
        %parallel_loop3A_863 = arith.constant 0 : i32
        %parallel_loop3A_864 = tpu.memref_slice %arg10[%parallel_loop3A_604, %parallel_loop3A_862, %parallel_loop3A_863] : memref<4x128x128xf32, #tpu.memory_space<vmem>> -> memref<1x128x128xf32, #tpu.memory_space<vmem>>
        %parallel_loop3A_865 = tpu.memref_squeeze %parallel_loop3A_864 : memref<1x128x128xf32, #tpu.memory_space<vmem>> -> memref<128x128xf32, #tpu.memory_space<vmem>>
        %parallel_loop3A_866 = arith.index_cast %parallel_loop3A_807 : i32 to index
        %parallel_loop3A_867 = arith.constant 48 : index
        %parallel_loop3A_868 = tpu.vector_load %parallel_loop3A_865[%parallel_loop3A_866, %parallel_loop3A_867] {strides = array<i32>} : memref<128x128xf32, #tpu.memory_space<vmem>>, vector<1x16xf32>,
        %parallel_loop3A_869 = vector.shape_cast %parallel_loop3A_868 : vector<1x16xf32> to vector<16xf32>
        %parallel_loop3A_870 = arith.addf %parallel_loop3A_869, %get3A_572 : vector<16xf32>
        %parallel_loop3A_871 = arith.constant 0 : i32
        %parallel_loop3A_872 = arith.constant 0 : i32
        %parallel_loop3A_873 = tpu.memref_slice %arg10[%parallel_loop3A_604, %parallel_loop3A_871, %parallel_loop3A_872] : memref<4x128x128xf32, #tpu.memory_space<vmem>> -> memref<1x128x128xf32, #tpu.memory_space<vmem>>
        %parallel_loop3A_874 = tpu.memref_squeeze %parallel_loop3A_873 : memref<1x128x128xf32, #tpu.memory_space<vmem>> -> memref<128x128xf32, #tpu.memory_space<vmem>>
        %parallel_loop3A_875 = arith.index_cast %parallel_loop3A_807 : i32 to index
        %parallel_loop3A_876 = arith.constant 48 : index
        %parallel_loop3A_877 = tpu.vector_load %parallel_loop3A_874[%parallel_loop3A_875, %parallel_loop3A_876] {strides = array<i32>} : memref<128x128xf32, #tpu.memory_space<vmem>>, vector<1x16xf32>,
        %parallel_loop3A_878 = vector.shape_cast %parallel_loop3A_877 : vector<1x16xf32> to vector<16xf32>
        %parallel_loop3A_879 = vector.shape_cast %parallel_loop3A_870 : vector<16xf32> to vector<1x16xf32>
        tpu.vector_store %parallel_loop3A_874[%parallel_loop3A_875, %parallel_loop3A_876], %parallel_loop3A_879 {strides = array<i32>} : memref<128x128xf32, #tpu.memory_space<vmem>>, vector<1x16xf32>,
        %parallel_loop3A_880 = arith.constant 0 : i32
        %parallel_loop3A_881 = arith.constant 0 : i32
        %parallel_loop3A_882 = tpu.memref_slice %arg10[%parallel_loop3A_604, %parallel_loop3A_880, %parallel_loop3A_881] : memref<4x128x128xf32, #tpu.memory_space<vmem>> -> memref<1x128x128xf32, #tpu.memory_space<vmem>>
        %parallel_loop3A_883 = tpu.memref_squeeze %parallel_loop3A_882 : memref<1x128x128xf32, #tpu.memory_space<vmem>> -> memref<128x128xf32, #tpu.memory_space<vmem>>
        %parallel_loop3A_884 = arith.index_cast %parallel_loop3A_807 : i32 to index
        %parallel_loop3A_885 = arith.constant 64 : index
        %parallel_loop3A_886 = tpu.vector_load %parallel_loop3A_883[%parallel_loop3A_884, %parallel_loop3A_885] {strides = array<i32>} : memref<128x128xf32, #tpu.memory_space<vmem>>, vector<1x16xf32>,
        %parallel_loop3A_887 = vector.shape_cast %parallel_loop3A_886 : vector<1x16xf32> to vector<16xf32>
        %parallel_loop3A_888 = arith.addf %parallel_loop3A_887, %get3A_579 : vector<16xf32>
        %parallel_loop3A_889 = arith.constant 0 : i32
        %parallel_loop3A_890 = arith.constant 0 : i32
        %parallel_loop3A_891 = tpu.memref_slice %arg10[%parallel_loop3A_604, %parallel_loop3A_889, %parallel_loop3A_890] : memref<4x128x128xf32, #tpu.memory_space<vmem>> -> memref<1x128x128xf32, #tpu.memory_space<vmem>>
        %parallel_loop3A_892 = tpu.memref_squeeze %parallel_loop3A_891 : memref<1x128x128xf32, #tpu.memory_space<vmem>> -> memref<128x128xf32, #tpu.memory_space<vmem>>
        %parallel_loop3A_893 = arith.index_cast %parallel_loop3A_807 : i32 to index
        %parallel_loop3A_894 = arith.constant 64 : index
        %parallel_loop3A_895 = tpu.vector_load %parallel_loop3A_892[%parallel_loop3A_893, %parallel_loop3A_894] {strides = array<i32>} : memref<128x128xf32, #tpu.memory_space<vmem>>, vector<1x16xf32>,
        %parallel_loop3A_896 = vector.shape_cast %parallel_loop3A_895 : vector<1x16xf32> to vector<16xf32>
        %parallel_loop3A_897 = vector.shape_cast %parallel_loop3A_888 : vector<16xf32> to vector<1x16xf32>
        tpu.vector_store %parallel_loop3A_892[%parallel_loop3A_893, %parallel_loop3A_894], %parallel_loop3A_897 {strides = array<i32>} : memref<128x128xf32, #tpu.memory_space<vmem>>, vector<1x16xf32>,
        %parallel_loop3A_898 = arith.constant 0 : i32
        %parallel_loop3A_899 = arith.constant 0 : i32
        %parallel_loop3A_900 = tpu.memref_slice %arg10[%parallel_loop3A_604, %parallel_loop3A_898, %parallel_loop3A_899] : memref<4x128x128xf32, #tpu.memory_space<vmem>> -> memref<1x128x128xf32, #tpu.memory_space<vmem>>
        %parallel_loop3A_901 = tpu.memref_squeeze %parallel_loop3A_900 : memref<1x128x128xf32, #tpu.memory_space<vmem>> -> memref<128x128xf32, #tpu.memory_space<vmem>>
        %parallel_loop3A_902 = arith.index_cast %parallel_loop3A_807 : i32 to index
        %parallel_loop3A_903 = arith.constant 80 : index
        %parallel_loop3A_904 = tpu.vector_load %parallel_loop3A_901[%parallel_loop3A_902, %parallel_loop3A_903] {strides = array<i32>} : memref<128x128xf32, #tpu.memory_space<vmem>>, vector<1x16xf32>,
        %parallel_loop3A_905 = vector.shape_cast %parallel_loop3A_904 : vector<1x16xf32> to vector<16xf32>
        %parallel_loop3A_906 = arith.addf %parallel_loop3A_905, %get3A_586 : vector<16xf32>
        %parallel_loop3A_907 = arith.constant 0 : i32
        %parallel_loop3A_908 = arith.constant 0 : i32
        %parallel_loop3A_909 = tpu.memref_slice %arg10[%parallel_loop3A_604, %parallel_loop3A_907, %parallel_loop3A_908] : memref<4x128x128xf32, #tpu.memory_space<vmem>> -> memref<1x128x128xf32, #tpu.memory_space<vmem>>
        %parallel_loop3A_910 = tpu.memref_squeeze %parallel_loop3A_909 : memref<1x128x128xf32, #tpu.memory_space<vmem>> -> memref<128x128xf32, #tpu.memory_space<vmem>>
        %parallel_loop3A_911 = arith.index_cast %parallel_loop3A_807 : i32 to index
        %parallel_loop3A_912 = arith.constant 80 : index
        %parallel_loop3A_913 = tpu.vector_load %parallel_loop3A_910[%parallel_loop3A_911, %parallel_loop3A_912] {strides = array<i32>} : memref<128x128xf32, #tpu.memory_space<vmem>>, vector<1x16xf32>,
        %parallel_loop3A_914 = vector.shape_cast %parallel_loop3A_913 : vector<1x16xf32> to vector<16xf32>
        %parallel_loop3A_915 = vector.shape_cast %parallel_loop3A_906 : vector<16xf32> to vector<1x16xf32>
        tpu.vector_store %parallel_loop3A_910[%parallel_loop3A_911, %parallel_loop3A_912], %parallel_loop3A_915 {strides = array<i32>} : memref<128x128xf32, #tpu.memory_space<vmem>>, vector<1x16xf32>,
        %parallel_loop3A_916 = arith.constant 0 : i32
        %parallel_loop3A_917 = arith.constant 0 : i32
        %parallel_loop3A_918 = tpu.memref_slice %arg10[%parallel_loop3A_604, %parallel_loop3A_916, %parallel_loop3A_917] : memref<4x128x128xf32, #tpu.memory_space<vmem>> -> memref<1x128x128xf32, #tpu.memory_space<vmem>>
        %parallel_loop3A_919 = tpu.memref_squeeze %parallel_loop3A_918 : memref<1x128x128xf32, #tpu.memory_space<vmem>> -> memref<128x128xf32, #tpu.memory_space<vmem>>
        %parallel_loop3A_920 = arith.index_cast %parallel_loop3A_807 : i32 to index
        %parallel_loop3A_921 = arith.constant 96 : index
        %parallel_loop3A_922 = tpu.vector_load %parallel_loop3A_919[%parallel_loop3A_920, %parallel_loop3A_921] {strides = array<i32>} : memref<128x128xf32, #tpu.memory_space<vmem>>, vector<1x16xf32>,
        %parallel_loop3A_923 = vector.shape_cast %parallel_loop3A_922 : vector<1x16xf32> to vector<16xf32>
        %parallel_loop3A_924 = arith.addf %parallel_loop3A_923, %get3A_593 : vector<16xf32>
        %parallel_loop3A_925 = arith.constant 0 : i32
        %parallel_loop3A_926 = arith.constant 0 : i32
        %parallel_loop3A_927 = tpu.memref_slice %arg10[%parallel_loop3A_604, %parallel_loop3A_925, %parallel_loop3A_926] : memref<4x128x128xf32, #tpu.memory_space<vmem>> -> memref<1x128x128xf32, #tpu.memory_space<vmem>>
        %parallel_loop3A_928 = tpu.memref_squeeze %parallel_loop3A_927 : memref<1x128x128xf32, #tpu.memory_space<vmem>> -> memref<128x128xf32, #tpu.memory_space<vmem>>
        %parallel_loop3A_929 = arith.index_cast %parallel_loop3A_807 : i32 to index
        %parallel_loop3A_930 = arith.constant 96 : index
        %parallel_loop3A_931 = tpu.vector_load %parallel_loop3A_928[%parallel_loop3A_929, %parallel_loop3A_930] {strides = array<i32>} : memref<128x128xf32, #tpu.memory_space<vmem>>, vector<1x16xf32>,
        %parallel_loop3A_932 = vector.shape_cast %parallel_loop3A_931 : vector<1x16xf32> to vector<16xf32>
        %parallel_loop3A_933 = vector.shape_cast %parallel_loop3A_924 : vector<16xf32> to vector<1x16xf32>
        tpu.vector_store %parallel_loop3A_928[%parallel_loop3A_929, %parallel_loop3A_930], %parallel_loop3A_933 {strides = array<i32>} : memref<128x128xf32, #tpu.memory_space<vmem>>, vector<1x16xf32>,
        %parallel_loop3A_934 = arith.constant 0 : i32
        %parallel_loop3A_935 = arith.constant 0 : i32
        %parallel_loop3A_936 = tpu.memref_slice %arg10[%parallel_loop3A_604, %parallel_loop3A_934, %parallel_loop3A_935] : memref<4x128x128xf32, #tpu.memory_space<vmem>> -> memref<1x128x128xf32, #tpu.memory_space<vmem>>
        %parallel_loop3A_937 = tpu.memref_squeeze %parallel_loop3A_936 : memref<1x128x128xf32, #tpu.memory_space<vmem>> -> memref<128x128xf32, #tpu.memory_space<vmem>>
        %parallel_loop3A_938 = arith.index_cast %parallel_loop3A_807 : i32 to index
        %parallel_loop3A_939 = arith.constant 112 : index
        %parallel_loop3A_940 = tpu.vector_load %parallel_loop3A_937[%parallel_loop3A_938, %parallel_loop3A_939] {strides = array<i32>} : memref<128x128xf32, #tpu.memory_space<vmem>>, vector<1x16xf32>,
        %parallel_loop3A_941 = vector.shape_cast %parallel_loop3A_940 : vector<1x16xf32> to vector<16xf32>
        %parallel_loop3A_942 = arith.addf %parallel_loop3A_941, %get3A_600 : vector<16xf32>
        %parallel_loop3A_943 = arith.constant 0 : i32
        %parallel_loop3A_944 = arith.constant 0 : i32
        %parallel_loop3A_945 = tpu.memref_slice %arg10[%parallel_loop3A_604, %parallel_loop3A_943, %parallel_loop3A_944] : memref<4x128x128xf32, #tpu.memory_space<vmem>> -> memref<1x128x128xf32, #tpu.memory_space<vmem>>
        %parallel_loop3A_946 = tpu.memref_squeeze %parallel_loop3A_945 : memref<1x128x128xf32, #tpu.memory_space<vmem>> -> memref<128x128xf32, #tpu.memory_space<vmem>>
        %parallel_loop3A_947 = arith.index_cast %parallel_loop3A_807 : i32 to index
        %parallel_loop3A_948 = arith.constant 112 : index
        %parallel_loop3A_949 = tpu.vector_load %parallel_loop3A_946[%parallel_loop3A_947, %parallel_loop3A_948] {strides = array<i32>} : memref<128x128xf32, #tpu.memory_space<vmem>>, vector<1x16xf32>,
        %parallel_loop3A_950 = vector.shape_cast %parallel_loop3A_949 : vector<1x16xf32> to vector<16xf32>
        %parallel_loop3A_951 = vector.shape_cast %parallel_loop3A_942 : vector<16xf32> to vector<1x16xf32>
        tpu.vector_store %parallel_loop3A_946[%parallel_loop3A_947, %parallel_loop3A_948], %parallel_loop3A_951 {strides = array<i32>} : memref<128x128xf32, #tpu.memory_space<vmem>>, vector<1x16xf32>,
      } {sc.loop_unroll_factor = 4 : i64, sc.parallel_access}
      %dma_start3A_605 = arith.constant 2 : i32
      %dma_start3A_606 = arith.constant 2 : i32
      %dma_start3A_607 = arith.constant 0 : i32
      %dma_start3A_608 = arith.constant 0 : i32
      %dma_start3A_609 = tpu.memref_slice %arg10[%dma_start3A_605, %dma_start3A_607, %dma_start3A_608] : memref<4x128x128xf32, #tpu.memory_space<vmem>> -> memref<1x128x128xf32, #tpu.memory_space<vmem>>
      %dma_start3A_610 = tpu.memref_squeeze %dma_start3A_609 : memref<1x128x128xf32, #tpu.memory_space<vmem>> -> memref<128x128xf32, #tpu.memory_space<vmem>>
      %dma_start3A_611 = arith.constant 0 : i32
      %dma_start3A_612 = tpu.memref_slice %arg11[%dma_start3A_606, %dma_start3A_611] : memref<4x128xi32, #tpu.memory_space<vmem>> -> memref<1x128xi32, #tpu.memory_space<vmem>>
      %dma_start3A_613 = tpu.memref_squeeze %dma_start3A_612 : memref<1x128xi32, #tpu.memory_space<vmem>> -> memref<128xi32, #tpu.memory_space<vmem>>
      %dma_start3A_614 = arith.constant 0 : i32
      %dma_start3A_615 = arith.constant 0 : i32
      %dma_start3A_616 = tpu.memref_slice %arg6[%dma_start3A_614, %dma_start3A_615] : memref<819200x128xf32, #tpu.memory_space<hbm>> -> memref<819200x128xf32, #tpu.memory_space<hbm>>
      tpu.enqueue_indirect_dma source(%dma_start3A_610 : memref<128x128xf32, #tpu.memory_space<vmem>>) target(%dma_start3A_616 : memref<819200x128xf32, #tpu.memory_space<hbm>>) offsets(%dma_start3A_613 : memref<128xi32, #tpu.memory_space<vmem>>) semaphore(%arg18 : memref<!tpu.dma_semaphore, #tpu.memory_space<semaphore_mem>>)
      %add3A_617 = arith.constant 2 : i32
      %add3A_618 = arith.addi %add3A_444, %add3A_617 : i32
      %lt3A_619 = arith.constant 200 : i32
      %lt3A_620 = arith.cmpi slt, %add3A_618, %lt3A_619 : i32
      %convert_element_type3A_621 = arith.extui %lt3A_620 : i1 to i32
      %cond3A_622 = arith.constant 0 : i32
      %cond3A_623 = arith.cmpi ne, %convert_element_type3A_621, %cond3A_622 : i32
      scf.if %cond3A_623 {
        %ge3A = arith.constant 4 : i32
        %ge3A_807 = arith.cmpi sge, %add3A_618, %ge3A : i32
        %convert_element_type3A_808 = arith.extui %ge3A_807 : i1 to i32
        %cond3A_809 = arith.constant 0 : i32
        %cond3A_810 = arith.cmpi ne, %convert_element_type3A_808, %cond3A_809 : i32
        scf.if %cond3A_810 {
          %dma_wait3A_822 = arith.constant 0 : i32
          %dma_wait3A_823 = arith.constant 0 : i32
          %dma_wait3A_824 = arith.constant 0 : i32
          %dma_wait3A_825 = arith.constant 0 : i32
          %dma_wait3A_826 = tpu.memref_slice %arg10[%dma_wait3A_822, %dma_wait3A_824, %dma_wait3A_825] : memref<4x128x128xf32, #tpu.memory_space<vmem>> -> memref<1x128x128xf32, #tpu.memory_space<vmem>>
          %dma_wait3A_827 = tpu.memref_squeeze %dma_wait3A_826 : memref<1x128x128xf32, #tpu.memory_space<vmem>> -> memref<128x128xf32, #tpu.memory_space<vmem>>
          %dma_wait3A_828 = arith.constant 0 : i32
          %dma_wait3A_829 = tpu.memref_slice %arg11[%dma_wait3A_823, %dma_wait3A_828] : memref<4x128xi32, #tpu.memory_space<vmem>> -> memref<1x128xi32, #tpu.memory_space<vmem>>
          %dma_wait3A_830 = tpu.memref_squeeze %dma_wait3A_829 : memref<1x128xi32, #tpu.memory_space<vmem>> -> memref<128xi32, #tpu.memory_space<vmem>>
          %dma_wait3A_831 = arith.constant 0 : i32
          %dma_wait3A_832 = arith.constant 0 : i32
          %dma_wait3A_833 = tpu.memref_slice %arg6[%dma_wait3A_831, %dma_wait3A_832] : memref<819200x128xf32, #tpu.memory_space<hbm>> -> memref<819200x128xf32, #tpu.memory_space<hbm>>
          tpu.wait_indirect_dma semaphore(%arg16 : memref<!tpu.dma_semaphore, #tpu.memory_space<semaphore_mem>>) src(%dma_wait3A_827 : memref<128x128xf32, #tpu.memory_space<vmem>>) dst(%dma_wait3A_833 : memref<819200x128xf32, #tpu.memory_space<hbm>>)
        } else {
        }
        %dma_start3A_811 = arith.constant 0 : i32
        %dma_start3A_812 = arith.constant 0 : i32
        %dma_start3A_813 = arith.constant 0 : i32
        %dma_start3A_814 = tpu.memref_slice %arg10[%dma_start3A_811, %dma_start3A_812, %dma_start3A_813] : memref<4x128x128xf32, #tpu.memory_space<vmem>> -> memref<1x128x128xf32, #tpu.memory_space<vmem>>
        %dma_start3A_815 = tpu.memref_squeeze %dma_start3A_814 : memref<1x128x128xf32, #tpu.memory_space<vmem>> -> memref<128x128xf32, #tpu.memory_space<vmem>>
        %dma_start3A_816 = arith.constant 0 : i32
        %dma_start3A_817 = tpu.memref_slice %arg7[%add3A_618, %dma_start3A_816] : memref<200x128xi32, #tpu.memory_space<vmem>> -> memref<1x128xi32, #tpu.memory_space<vmem>>
        %dma_start3A_818 = tpu.memref_squeeze %dma_start3A_817 : memref<1x128xi32, #tpu.memory_space<vmem>> -> memref<128xi32, #tpu.memory_space<vmem>>
        %dma_start3A_819 = arith.constant 0 : i32
        %dma_start3A_820 = arith.constant 0 : i32
        %dma_start3A_821 = tpu.memref_slice %arg3[%dma_start3A_819, %dma_start3A_820] : memref<1000000x128xf32, #tpu.memory_space<hbm>> -> memref<1000000x128xf32, #tpu.memory_space<hbm>>
        tpu.enqueue_indirect_dma source(%dma_start3A_821 : memref<1000000x128xf32, #tpu.memory_space<hbm>>) target(%dma_start3A_815 : memref<128x128xf32, #tpu.memory_space<vmem>>) offsets(%dma_start3A_818 : memref<128xi32, #tpu.memory_space<vmem>>) semaphore(%arg12 : memref<!tpu.dma_semaphore, #tpu.memory_space<semaphore_mem>>)
      } else {
      }
      %mul3A_624 = arith.constant 4 : i32
      %mul3A_625 = arith.muli %scan3A_80, %mul3A_624 : i32
      %add3A_626 = arith.constant 3 : i32
      %add3A_627 = arith.addi %mul3A_625, %add3A_626 : i32
      %dma_wait3A_628 = arith.constant 3 : i32
      %dma_wait3A_629 = arith.constant 0 : i32
      %dma_wait3A_630 = arith.constant 0 : i32
      %dma_wait3A_631 = tpu.memref_slice %arg10[%dma_wait3A_628, %dma_wait3A_629, %dma_wait3A_630] : memref<4x128x128xf32, #tpu.memory_space<vmem>> -> memref<1x128x128xf32, #tpu.memory_space<vmem>>
      %dma_wait3A_632 = tpu.memref_squeeze %dma_wait3A_631 : memref<1x128x128xf32, #tpu.memory_space<vmem>> -> memref<128x128xf32, #tpu.memory_space<vmem>>
      %dma_wait3A_633 = arith.constant 0 : i32
      %dma_wait3A_634 = tpu.memref_slice %arg7[%add3A_627, %dma_wait3A_633] : memref<200x128xi32, #tpu.memory_space<vmem>> -> memref<1x128xi32, #tpu.memory_space<vmem>>
      %dma_wait3A_635 = tpu.memref_squeeze %dma_wait3A_634 : memref<1x128xi32, #tpu.memory_space<vmem>> -> memref<128xi32, #tpu.memory_space<vmem>>
      %dma_wait3A_636 = arith.constant 0 : i32
      %dma_wait3A_637 = arith.constant 0 : i32
      %dma_wait3A_638 = tpu.memref_slice %arg3[%dma_wait3A_636, %dma_wait3A_637] : memref<1000000x128xf32, #tpu.memory_space<hbm>> -> memref<1000000x128xf32, #tpu.memory_space<hbm>>
      tpu.wait_indirect_dma semaphore(%arg15 : memref<!tpu.dma_semaphore, #tpu.memory_space<semaphore_mem>>) src(%dma_wait3A_638 : memref<1000000x128xf32, #tpu.memory_space<hbm>>) dst(%dma_wait3A_632 : memref<128x128xf32, #tpu.memory_space<vmem>>)
      %add3A_639 = arith.addi %mul3A_4, %add3A_627 : i32
      %get3A_640 = arith.constant 0 : index
      %get3A_641 = tpu.vector_load %arg9[%get3A_640] {strides = array<i32>} : memref<128xi32, #tpu.memory_space<vmem>>, vector<16xi32>,
      %get3A_642 = vector.shape_cast %get3A_641 : vector<16xi32> to vector<16xi32>
      %add3A_643 = vector.broadcast %add3A_639 : i32 to vector<16xi32>
      %add3A_644 = arith.addi %get3A_642, %add3A_643 : vector<16xi32>
      %swap3A_645 = arith.constant 3 : i32
      %swap3A_646 = arith.index_cast %swap3A_645 : i32 to index
      %swap3A_647 = arith.constant 0 : index
      %swap3A_648 = tpu.vector_load %arg11[%swap3A_646, %swap3A_647] {strides = array<i32>} : memref<4x128xi32, #tpu.memory_space<vmem>>, vector<1x16xi32>,
      %swap3A_649 = vector.shape_cast %swap3A_648 : vector<1x16xi32> to vector<16xi32>
      %swap3A_650 = vector.shape_cast %add3A_644 : vector<16xi32> to vector<1x16xi32>
      tpu.vector_store %arg11[%swap3A_646, %swap3A_647], %swap3A_650 {strides = array<i32>} : memref<4x128xi32, #tpu.memory_space<vmem>>, vector<1x16xi32>,
      %get3A_651 = arith.constant 16 : index
      %get3A_652 = tpu.vector_load %arg9[%get3A_651] {strides = array<i32>} : memref<128xi32, #tpu.memory_space<vmem>>, vector<16xi32>,
      %get3A_653 = vector.shape_cast %get3A_652 : vector<16xi32> to vector<16xi32>
      %add3A_654 = vector.broadcast %add3A_639 : i32 to vector<16xi32>
      %add3A_655 = arith.addi %get3A_653, %add3A_654 : vector<16xi32>
      %swap3A_656 = arith.constant 3 : i32
      %swap3A_657 = arith.index_cast %swap3A_656 : i32 to index
      %swap3A_658 = arith.constant 16 : index
      %swap3A_659 = tpu.vector_load %arg11[%swap3A_657, %swap3A_658] {strides = array<i32>} : memref<4x128xi32, #tpu.memory_space<vmem>>, vector<1x16xi32>,
      %swap3A_660 = vector.shape_cast %swap3A_659 : vector<1x16xi32> to vector<16xi32>
      %swap3A_661 = vector.shape_cast %add3A_655 : vector<16xi32> to vector<1x16xi32>
      tpu.vector_store %arg11[%swap3A_657, %swap3A_658], %swap3A_661 {strides = array<i32>} : memref<4x128xi32, #tpu.memory_space<vmem>>, vector<1x16xi32>,
      %get3A_662 = arith.constant 32 : index
      %get3A_663 = tpu.vector_load %arg9[%get3A_662] {strides = array<i32>} : memref<128xi32, #tpu.memory_space<vmem>>, vector<16xi32>,
      %get3A_664 = vector.shape_cast %get3A_663 : vector<16xi32> to vector<16xi32>
      %add3A_665 = vector.broadcast %add3A_639 : i32 to vector<16xi32>
      %add3A_666 = arith.addi %get3A_664, %add3A_665 : vector<16xi32>
      %swap3A_667 = arith.constant 3 : i32
      %swap3A_668 = arith.index_cast %swap3A_667 : i32 to index
      %swap3A_669 = arith.constant 32 : index
      %swap3A_670 = tpu.vector_load %arg11[%swap3A_668, %swap3A_669] {strides = array<i32>} : memref<4x128xi32, #tpu.memory_space<vmem>>, vector<1x16xi32>,
      %swap3A_671 = vector.shape_cast %swap3A_670 : vector<1x16xi32> to vector<16xi32>
      %swap3A_672 = vector.shape_cast %add3A_666 : vector<16xi32> to vector<1x16xi32>
      tpu.vector_store %arg11[%swap3A_668, %swap3A_669], %swap3A_672 {strides = array<i32>} : memref<4x128xi32, #tpu.memory_space<vmem>>, vector<1x16xi32>,
      %get3A_673 = arith.constant 48 : index
      %get3A_674 = tpu.vector_load %arg9[%get3A_673] {strides = array<i32>} : memref<128xi32, #tpu.memory_space<vmem>>, vector<16xi32>,
      %get3A_675 = vector.shape_cast %get3A_674 : vector<16xi32> to vector<16xi32>
      %add3A_676 = vector.broadcast %add3A_639 : i32 to vector<16xi32>
      %add3A_677 = arith.addi %get3A_675, %add3A_676 : vector<16xi32>
      %swap3A_678 = arith.constant 3 : i32
      %swap3A_679 = arith.index_cast %swap3A_678 : i32 to index
      %swap3A_680 = arith.constant 48 : index
      %swap3A_681 = tpu.vector_load %arg11[%swap3A_679, %swap3A_680] {strides = array<i32>} : memref<4x128xi32, #tpu.memory_space<vmem>>, vector<1x16xi32>,
      %swap3A_682 = vector.shape_cast %swap3A_681 : vector<1x16xi32> to vector<16xi32>
      %swap3A_683 = vector.shape_cast %add3A_677 : vector<16xi32> to vector<1x16xi32>
      tpu.vector_store %arg11[%swap3A_679, %swap3A_680], %swap3A_683 {strides = array<i32>} : memref<4x128xi32, #tpu.memory_space<vmem>>, vector<1x16xi32>,
      %get3A_684 = arith.constant 64 : index
      %get3A_685 = tpu.vector_load %arg9[%get3A_684] {strides = array<i32>} : memref<128xi32, #tpu.memory_space<vmem>>, vector<16xi32>,
      %get3A_686 = vector.shape_cast %get3A_685 : vector<16xi32> to vector<16xi32>
      %add3A_687 = vector.broadcast %add3A_639 : i32 to vector<16xi32>
      %add3A_688 = arith.addi %get3A_686, %add3A_687 : vector<16xi32>
      %swap3A_689 = arith.constant 3 : i32
      %swap3A_690 = arith.index_cast %swap3A_689 : i32 to index
      %swap3A_691 = arith.constant 64 : index
      %swap3A_692 = tpu.vector_load %arg11[%swap3A_690, %swap3A_691] {strides = array<i32>} : memref<4x128xi32, #tpu.memory_space<vmem>>, vector<1x16xi32>,
      %swap3A_693 = vector.shape_cast %swap3A_692 : vector<1x16xi32> to vector<16xi32>
      %swap3A_694 = vector.shape_cast %add3A_688 : vector<16xi32> to vector<1x16xi32>
      tpu.vector_store %arg11[%swap3A_690, %swap3A_691], %swap3A_694 {strides = array<i32>} : memref<4x128xi32, #tpu.memory_space<vmem>>, vector<1x16xi32>,
      %get3A_695 = arith.constant 80 : index
      %get3A_696 = tpu.vector_load %arg9[%get3A_695] {strides = array<i32>} : memref<128xi32, #tpu.memory_space<vmem>>, vector<16xi32>,
      %get3A_697 = vector.shape_cast %get3A_696 : vector<16xi32> to vector<16xi32>
      %add3A_698 = vector.broadcast %add3A_639 : i32 to vector<16xi32>
      %add3A_699 = arith.addi %get3A_697, %add3A_698 : vector<16xi32>
      %swap3A_700 = arith.constant 3 : i32
      %swap3A_701 = arith.index_cast %swap3A_700 : i32 to index
      %swap3A_702 = arith.constant 80 : index
      %swap3A_703 = tpu.vector_load %arg11[%swap3A_701, %swap3A_702] {strides = array<i32>} : memref<4x128xi32, #tpu.memory_space<vmem>>, vector<1x16xi32>,
      %swap3A_704 = vector.shape_cast %swap3A_703 : vector<1x16xi32> to vector<16xi32>
      %swap3A_705 = vector.shape_cast %add3A_699 : vector<16xi32> to vector<1x16xi32>
      tpu.vector_store %arg11[%swap3A_701, %swap3A_702], %swap3A_705 {strides = array<i32>} : memref<4x128xi32, #tpu.memory_space<vmem>>, vector<1x16xi32>,
      %get3A_706 = arith.constant 96 : index
      %get3A_707 = tpu.vector_load %arg9[%get3A_706] {strides = array<i32>} : memref<128xi32, #tpu.memory_space<vmem>>, vector<16xi32>,
      %get3A_708 = vector.shape_cast %get3A_707 : vector<16xi32> to vector<16xi32>
      %add3A_709 = vector.broadcast %add3A_639 : i32 to vector<16xi32>
      %add3A_710 = arith.addi %get3A_708, %add3A_709 : vector<16xi32>
      %swap3A_711 = arith.constant 3 : i32
      %swap3A_712 = arith.index_cast %swap3A_711 : i32 to index
      %swap3A_713 = arith.constant 96 : index
      %swap3A_714 = tpu.vector_load %arg11[%swap3A_712, %swap3A_713] {strides = array<i32>} : memref<4x128xi32, #tpu.memory_space<vmem>>, vector<1x16xi32>,
      %swap3A_715 = vector.shape_cast %swap3A_714 : vector<1x16xi32> to vector<16xi32>
      %swap3A_716 = vector.shape_cast %add3A_710 : vector<16xi32> to vector<1x16xi32>
      tpu.vector_store %arg11[%swap3A_712, %swap3A_713], %swap3A_716 {strides = array<i32>} : memref<4x128xi32, #tpu.memory_space<vmem>>, vector<1x16xi32>,
      %get3A_717 = arith.constant 112 : index
      %get3A_718 = tpu.vector_load %arg9[%get3A_717] {strides = array<i32>} : memref<128xi32, #tpu.memory_space<vmem>>, vector<16xi32>,
      %get3A_719 = vector.shape_cast %get3A_718 : vector<16xi32> to vector<16xi32>
      %add3A_720 = vector.broadcast %add3A_639 : i32 to vector<16xi32>
      %add3A_721 = arith.addi %get3A_719, %add3A_720 : vector<16xi32>
      %swap3A_722 = arith.constant 3 : i32
      %swap3A_723 = arith.index_cast %swap3A_722 : i32 to index
      %swap3A_724 = arith.constant 112 : index
      %swap3A_725 = tpu.vector_load %arg11[%swap3A_723, %swap3A_724] {strides = array<i32>} : memref<4x128xi32, #tpu.memory_space<vmem>>, vector<1x16xi32>,
      %swap3A_726 = vector.shape_cast %swap3A_725 : vector<1x16xi32> to vector<16xi32>
      %swap3A_727 = vector.shape_cast %add3A_721 : vector<16xi32> to vector<1x16xi32>
      tpu.vector_store %arg11[%swap3A_723, %swap3A_724], %swap3A_727 {strides = array<i32>} : memref<4x128xi32, #tpu.memory_space<vmem>>, vector<1x16xi32>,
      %mul3A_728 = arith.constant 128 : i32
      %mul3A_729 = arith.muli %add3A_627, %mul3A_728 : i32
      %add3A_730 = arith.constant 0 : i32
      %add3A_731 = arith.addi %mul3A_729, %add3A_730 : i32
      %get3A_732 = arith.index_cast %add3A_731 : i32 to index
      %get3A_733 = tpu.vector_load %arg8[%get3A_732] {strides = array<i32>} : memref<25600xf32, #tpu.memory_space<vmem>>, vector<16xf32>,
      %get3A_734 = vector.shape_cast %get3A_733 : vector<16xf32> to vector<16xf32>
      %mul3A_735 = arith.constant 128 : i32
      %mul3A_736 = arith.muli %add3A_627, %mul3A_735 : i32
      %add3A_737 = arith.constant 16 : i32
      %add3A_738 = arith.addi %mul3A_736, %add3A_737 : i32
      %get3A_739 = arith.index_cast %add3A_738 : i32 to index
      %get3A_740 = tpu.vector_load %arg8[%get3A_739] {strides = array<i32>} : memref<25600xf32, #tpu.memory_space<vmem>>, vector<16xf32>,
      %get3A_741 = vector.shape_cast %get3A_740 : vector<16xf32> to vector<16xf32>
      %mul3A_742 = arith.constant 128 : i32
      %mul3A_743 = arith.muli %add3A_627, %mul3A_742 : i32
      %add3A_744 = arith.constant 32 : i32
      %add3A_745 = arith.addi %mul3A_743, %add3A_744 : i32
      %get3A_746 = arith.index_cast %add3A_745 : i32 to index
      %get3A_747 = tpu.vector_load %arg8[%get3A_746] {strides = array<i32>} : memref<25600xf32, #tpu.memory_space<vmem>>, vector<16xf32>,
      %get3A_748 = vector.shape_cast %get3A_747 : vector<16xf32> to vector<16xf32>
      %mul3A_749 = arith.constant 128 : i32
      %mul3A_750 = arith.muli %add3A_627, %mul3A_749 : i32
      %add3A_751 = arith.constant 48 : i32
      %add3A_752 = arith.addi %mul3A_750, %add3A_751 : i32
      %get3A_753 = arith.index_cast %add3A_752 : i32 to index
      %get3A_754 = tpu.vector_load %arg8[%get3A_753] {strides = array<i32>} : memref<25600xf32, #tpu.memory_space<vmem>>, vector<16xf32>,
      %get3A_755 = vector.shape_cast %get3A_754 : vector<16xf32> to vector<16xf32>
      %mul3A_756 = arith.constant 128 : i32
      %mul3A_757 = arith.muli %add3A_627, %mul3A_756 : i32
      %add3A_758 = arith.constant 64 : i32
      %add3A_759 = arith.addi %mul3A_757, %add3A_758 : i32
      %get3A_760 = arith.index_cast %add3A_759 : i32 to index
      %get3A_761 = tpu.vector_load %arg8[%get3A_760] {strides = array<i32>} : memref<25600xf32, #tpu.memory_space<vmem>>, vector<16xf32>,
      %get3A_762 = vector.shape_cast %get3A_761 : vector<16xf32> to vector<16xf32>
      %mul3A_763 = arith.constant 128 : i32
      %mul3A_764 = arith.muli %add3A_627, %mul3A_763 : i32
      %add3A_765 = arith.constant 80 : i32
      %add3A_766 = arith.addi %mul3A_764, %add3A_765 : i32
      %get3A_767 = arith.index_cast %add3A_766 : i32 to index
      %get3A_768 = tpu.vector_load %arg8[%get3A_767] {strides = array<i32>} : memref<25600xf32, #tpu.memory_space<vmem>>, vector<16xf32>,
      %get3A_769 = vector.shape_cast %get3A_768 : vector<16xf32> to vector<16xf32>
      %mul3A_770 = arith.constant 128 : i32
      %mul3A_771 = arith.muli %add3A_627, %mul3A_770 : i32
      %add3A_772 = arith.constant 96 : i32
      %add3A_773 = arith.addi %mul3A_771, %add3A_772 : i32
      %get3A_774 = arith.index_cast %add3A_773 : i32 to index
      %get3A_775 = tpu.vector_load %arg8[%get3A_774] {strides = array<i32>} : memref<25600xf32, #tpu.memory_space<vmem>>, vector<16xf32>,
      %get3A_776 = vector.shape_cast %get3A_775 : vector<16xf32> to vector<16xf32>
      %mul3A_777 = arith.constant 128 : i32
      %mul3A_778 = arith.muli %add3A_627, %mul3A_777 : i32
      %add3A_779 = arith.constant 112 : i32
      %add3A_780 = arith.addi %mul3A_778, %add3A_779 : i32
      %get3A_781 = arith.index_cast %add3A_780 : i32 to index
      %get3A_782 = tpu.vector_load %arg8[%get3A_781] {strides = array<i32>} : memref<25600xf32, #tpu.memory_space<vmem>>, vector<16xf32>,
      %get3A_783 = vector.shape_cast %get3A_782 : vector<16xf32> to vector<16xf32>
      %parallel_loop3A_784 = arith.constant 0 : i32
      %parallel_loop3A_785 = arith.constant 128 : i32
      %parallel_loop3A_786 = arith.constant 1 : i32
      %parallel_loop3A_787 = arith.constant 3 : i32
      scf.for %parallel_loop3A_807 = %parallel_loop3A_784 to %parallel_loop3A_785 step %parallel_loop3A_786  : i32 {
        %parallel_loop3A_808 = arith.constant 0 : i32
        %parallel_loop3A_809 = arith.constant 0 : i32
        %parallel_loop3A_810 = tpu.memref_slice %arg10[%parallel_loop3A_787, %parallel_loop3A_808, %parallel_loop3A_809] : memref<4x128x128xf32, #tpu.memory_space<vmem>> -> memref<1x128x128xf32, #tpu.memory_space<vmem>>
        %parallel_loop3A_811 = tpu.memref_squeeze %parallel_loop3A_810 : memref<1x128x128xf32, #tpu.memory_space<vmem>> -> memref<128x128xf32, #tpu.memory_space<vmem>>
        %parallel_loop3A_812 = arith.index_cast %parallel_loop3A_807 : i32 to index
        %parallel_loop3A_813 = arith.constant 0 : index
        %parallel_loop3A_814 = tpu.vector_load %parallel_loop3A_811[%parallel_loop3A_812, %parallel_loop3A_813] {strides = array<i32>} : memref<128x128xf32, #tpu.memory_space<vmem>>, vector<1x16xf32>,
        %parallel_loop3A_815 = vector.shape_cast %parallel_loop3A_814 : vector<1x16xf32> to vector<16xf32>
        %parallel_loop3A_816 = arith.addf %parallel_loop3A_815, %get3A_734 : vector<16xf32>
        %parallel_loop3A_817 = arith.constant 0 : i32
        %parallel_loop3A_818 = arith.constant 0 : i32
        %parallel_loop3A_819 = tpu.memref_slice %arg10[%parallel_loop3A_787, %parallel_loop3A_817, %parallel_loop3A_818] : memref<4x128x128xf32, #tpu.memory_space<vmem>> -> memref<1x128x128xf32, #tpu.memory_space<vmem>>
        %parallel_loop3A_820 = tpu.memref_squeeze %parallel_loop3A_819 : memref<1x128x128xf32, #tpu.memory_space<vmem>> -> memref<128x128xf32, #tpu.memory_space<vmem>>
        %parallel_loop3A_821 = arith.index_cast %parallel_loop3A_807 : i32 to index
        %parallel_loop3A_822 = arith.constant 0 : index
        %parallel_loop3A_823 = tpu.vector_load %parallel_loop3A_820[%parallel_loop3A_821, %parallel_loop3A_822] {strides = array<i32>} : memref<128x128xf32, #tpu.memory_space<vmem>>, vector<1x16xf32>,
        %parallel_loop3A_824 = vector.shape_cast %parallel_loop3A_823 : vector<1x16xf32> to vector<16xf32>
        %parallel_loop3A_825 = vector.shape_cast %parallel_loop3A_816 : vector<16xf32> to vector<1x16xf32>
        tpu.vector_store %parallel_loop3A_820[%parallel_loop3A_821, %parallel_loop3A_822], %parallel_loop3A_825 {strides = array<i32>} : memref<128x128xf32, #tpu.memory_space<vmem>>, vector<1x16xf32>,
        %parallel_loop3A_826 = arith.constant 0 : i32
        %parallel_loop3A_827 = arith.constant 0 : i32
        %parallel_loop3A_828 = tpu.memref_slice %arg10[%parallel_loop3A_787, %parallel_loop3A_826, %parallel_loop3A_827] : memref<4x128x128xf32, #tpu.memory_space<vmem>> -> memref<1x128x128xf32, #tpu.memory_space<vmem>>
        %parallel_loop3A_829 = tpu.memref_squeeze %parallel_loop3A_828 : memref<1x128x128xf32, #tpu.memory_space<vmem>> -> memref<128x128xf32, #tpu.memory_space<vmem>>
        %parallel_loop3A_830 = arith.index_cast %parallel_loop3A_807 : i32 to index
        %parallel_loop3A_831 = arith.constant 16 : index
        %parallel_loop3A_832 = tpu.vector_load %parallel_loop3A_829[%parallel_loop3A_830, %parallel_loop3A_831] {strides = array<i32>} : memref<128x128xf32, #tpu.memory_space<vmem>>, vector<1x16xf32>,
        %parallel_loop3A_833 = vector.shape_cast %parallel_loop3A_832 : vector<1x16xf32> to vector<16xf32>
        %parallel_loop3A_834 = arith.addf %parallel_loop3A_833, %get3A_741 : vector<16xf32>
        %parallel_loop3A_835 = arith.constant 0 : i32
        %parallel_loop3A_836 = arith.constant 0 : i32
        %parallel_loop3A_837 = tpu.memref_slice %arg10[%parallel_loop3A_787, %parallel_loop3A_835, %parallel_loop3A_836] : memref<4x128x128xf32, #tpu.memory_space<vmem>> -> memref<1x128x128xf32, #tpu.memory_space<vmem>>
        %parallel_loop3A_838 = tpu.memref_squeeze %parallel_loop3A_837 : memref<1x128x128xf32, #tpu.memory_space<vmem>> -> memref<128x128xf32, #tpu.memory_space<vmem>>
        %parallel_loop3A_839 = arith.index_cast %parallel_loop3A_807 : i32 to index
        %parallel_loop3A_840 = arith.constant 16 : index
        %parallel_loop3A_841 = tpu.vector_load %parallel_loop3A_838[%parallel_loop3A_839, %parallel_loop3A_840] {strides = array<i32>} : memref<128x128xf32, #tpu.memory_space<vmem>>, vector<1x16xf32>,
        %parallel_loop3A_842 = vector.shape_cast %parallel_loop3A_841 : vector<1x16xf32> to vector<16xf32>
        %parallel_loop3A_843 = vector.shape_cast %parallel_loop3A_834 : vector<16xf32> to vector<1x16xf32>
        tpu.vector_store %parallel_loop3A_838[%parallel_loop3A_839, %parallel_loop3A_840], %parallel_loop3A_843 {strides = array<i32>} : memref<128x128xf32, #tpu.memory_space<vmem>>, vector<1x16xf32>,
        %parallel_loop3A_844 = arith.constant 0 : i32
        %parallel_loop3A_845 = arith.constant 0 : i32
        %parallel_loop3A_846 = tpu.memref_slice %arg10[%parallel_loop3A_787, %parallel_loop3A_844, %parallel_loop3A_845] : memref<4x128x128xf32, #tpu.memory_space<vmem>> -> memref<1x128x128xf32, #tpu.memory_space<vmem>>
        %parallel_loop3A_847 = tpu.memref_squeeze %parallel_loop3A_846 : memref<1x128x128xf32, #tpu.memory_space<vmem>> -> memref<128x128xf32, #tpu.memory_space<vmem>>
        %parallel_loop3A_848 = arith.index_cast %parallel_loop3A_807 : i32 to index
        %parallel_loop3A_849 = arith.constant 32 : index
        %parallel_loop3A_850 = tpu.vector_load %parallel_loop3A_847[%parallel_loop3A_848, %parallel_loop3A_849] {strides = array<i32>} : memref<128x128xf32, #tpu.memory_space<vmem>>, vector<1x16xf32>,
        %parallel_loop3A_851 = vector.shape_cast %parallel_loop3A_850 : vector<1x16xf32> to vector<16xf32>
        %parallel_loop3A_852 = arith.addf %parallel_loop3A_851, %get3A_748 : vector<16xf32>
        %parallel_loop3A_853 = arith.constant 0 : i32
        %parallel_loop3A_854 = arith.constant 0 : i32
        %parallel_loop3A_855 = tpu.memref_slice %arg10[%parallel_loop3A_787, %parallel_loop3A_853, %parallel_loop3A_854] : memref<4x128x128xf32, #tpu.memory_space<vmem>> -> memref<1x128x128xf32, #tpu.memory_space<vmem>>
        %parallel_loop3A_856 = tpu.memref_squeeze %parallel_loop3A_855 : memref<1x128x128xf32, #tpu.memory_space<vmem>> -> memref<128x128xf32, #tpu.memory_space<vmem>>
        %parallel_loop3A_857 = arith.index_cast %parallel_loop3A_807 : i32 to index
        %parallel_loop3A_858 = arith.constant 32 : index
        %parallel_loop3A_859 = tpu.vector_load %parallel_loop3A_856[%parallel_loop3A_857, %parallel_loop3A_858] {strides = array<i32>} : memref<128x128xf32, #tpu.memory_space<vmem>>, vector<1x16xf32>,
        %parallel_loop3A_860 = vector.shape_cast %parallel_loop3A_859 : vector<1x16xf32> to vector<16xf32>
        %parallel_loop3A_861 = vector.shape_cast %parallel_loop3A_852 : vector<16xf32> to vector<1x16xf32>
        tpu.vector_store %parallel_loop3A_856[%parallel_loop3A_857, %parallel_loop3A_858], %parallel_loop3A_861 {strides = array<i32>} : memref<128x128xf32, #tpu.memory_space<vmem>>, vector<1x16xf32>,
        %parallel_loop3A_862 = arith.constant 0 : i32
        %parallel_loop3A_863 = arith.constant 0 : i32
        %parallel_loop3A_864 = tpu.memref_slice %arg10[%parallel_loop3A_787, %parallel_loop3A_862, %parallel_loop3A_863] : memref<4x128x128xf32, #tpu.memory_space<vmem>> -> memref<1x128x128xf32, #tpu.memory_space<vmem>>
        %parallel_loop3A_865 = tpu.memref_squeeze %parallel_loop3A_864 : memref<1x128x128xf32, #tpu.memory_space<vmem>> -> memref<128x128xf32, #tpu.memory_space<vmem>>
        %parallel_loop3A_866 = arith.index_cast %parallel_loop3A_807 : i32 to index
        %parallel_loop3A_867 = arith.constant 48 : index
        %parallel_loop3A_868 = tpu.vector_load %parallel_loop3A_865[%parallel_loop3A_866, %parallel_loop3A_867] {strides = array<i32>} : memref<128x128xf32, #tpu.memory_space<vmem>>, vector<1x16xf32>,
        %parallel_loop3A_869 = vector.shape_cast %parallel_loop3A_868 : vector<1x16xf32> to vector<16xf32>
        %parallel_loop3A_870 = arith.addf %parallel_loop3A_869, %get3A_755 : vector<16xf32>
        %parallel_loop3A_871 = arith.constant 0 : i32
        %parallel_loop3A_872 = arith.constant 0 : i32
        %parallel_loop3A_873 = tpu.memref_slice %arg10[%parallel_loop3A_787, %parallel_loop3A_871, %parallel_loop3A_872] : memref<4x128x128xf32, #tpu.memory_space<vmem>> -> memref<1x128x128xf32, #tpu.memory_space<vmem>>
        %parallel_loop3A_874 = tpu.memref_squeeze %parallel_loop3A_873 : memref<1x128x128xf32, #tpu.memory_space<vmem>> -> memref<128x128xf32, #tpu.memory_space<vmem>>
        %parallel_loop3A_875 = arith.index_cast %parallel_loop3A_807 : i32 to index
        %parallel_loop3A_876 = arith.constant 48 : index
        %parallel_loop3A_877 = tpu.vector_load %parallel_loop3A_874[%parallel_loop3A_875, %parallel_loop3A_876] {strides = array<i32>} : memref<128x128xf32, #tpu.memory_space<vmem>>, vector<1x16xf32>,
        %parallel_loop3A_878 = vector.shape_cast %parallel_loop3A_877 : vector<1x16xf32> to vector<16xf32>
        %parallel_loop3A_879 = vector.shape_cast %parallel_loop3A_870 : vector<16xf32> to vector<1x16xf32>
        tpu.vector_store %parallel_loop3A_874[%parallel_loop3A_875, %parallel_loop3A_876], %parallel_loop3A_879 {strides = array<i32>} : memref<128x128xf32, #tpu.memory_space<vmem>>, vector<1x16xf32>,
        %parallel_loop3A_880 = arith.constant 0 : i32
        %parallel_loop3A_881 = arith.constant 0 : i32
        %parallel_loop3A_882 = tpu.memref_slice %arg10[%parallel_loop3A_787, %parallel_loop3A_880, %parallel_loop3A_881] : memref<4x128x128xf32, #tpu.memory_space<vmem>> -> memref<1x128x128xf32, #tpu.memory_space<vmem>>
        %parallel_loop3A_883 = tpu.memref_squeeze %parallel_loop3A_882 : memref<1x128x128xf32, #tpu.memory_space<vmem>> -> memref<128x128xf32, #tpu.memory_space<vmem>>
        %parallel_loop3A_884 = arith.index_cast %parallel_loop3A_807 : i32 to index
        %parallel_loop3A_885 = arith.constant 64 : index
        %parallel_loop3A_886 = tpu.vector_load %parallel_loop3A_883[%parallel_loop3A_884, %parallel_loop3A_885] {strides = array<i32>} : memref<128x128xf32, #tpu.memory_space<vmem>>, vector<1x16xf32>,
        %parallel_loop3A_887 = vector.shape_cast %parallel_loop3A_886 : vector<1x16xf32> to vector<16xf32>
        %parallel_loop3A_888 = arith.addf %parallel_loop3A_887, %get3A_762 : vector<16xf32>
        %parallel_loop3A_889 = arith.constant 0 : i32
        %parallel_loop3A_890 = arith.constant 0 : i32
        %parallel_loop3A_891 = tpu.memref_slice %arg10[%parallel_loop3A_787, %parallel_loop3A_889, %parallel_loop3A_890] : memref<4x128x128xf32, #tpu.memory_space<vmem>> -> memref<1x128x128xf32, #tpu.memory_space<vmem>>
        %parallel_loop3A_892 = tpu.memref_squeeze %parallel_loop3A_891 : memref<1x128x128xf32, #tpu.memory_space<vmem>> -> memref<128x128xf32, #tpu.memory_space<vmem>>
        %parallel_loop3A_893 = arith.index_cast %parallel_loop3A_807 : i32 to index
        %parallel_loop3A_894 = arith.constant 64 : index
        %parallel_loop3A_895 = tpu.vector_load %parallel_loop3A_892[%parallel_loop3A_893, %parallel_loop3A_894] {strides = array<i32>} : memref<128x128xf32, #tpu.memory_space<vmem>>, vector<1x16xf32>,
        %parallel_loop3A_896 = vector.shape_cast %parallel_loop3A_895 : vector<1x16xf32> to vector<16xf32>
        %parallel_loop3A_897 = vector.shape_cast %parallel_loop3A_888 : vector<16xf32> to vector<1x16xf32>
        tpu.vector_store %parallel_loop3A_892[%parallel_loop3A_893, %parallel_loop3A_894], %parallel_loop3A_897 {strides = array<i32>} : memref<128x128xf32, #tpu.memory_space<vmem>>, vector<1x16xf32>,
        %parallel_loop3A_898 = arith.constant 0 : i32
        %parallel_loop3A_899 = arith.constant 0 : i32
        %parallel_loop3A_900 = tpu.memref_slice %arg10[%parallel_loop3A_787, %parallel_loop3A_898, %parallel_loop3A_899] : memref<4x128x128xf32, #tpu.memory_space<vmem>> -> memref<1x128x128xf32, #tpu.memory_space<vmem>>
        %parallel_loop3A_901 = tpu.memref_squeeze %parallel_loop3A_900 : memref<1x128x128xf32, #tpu.memory_space<vmem>> -> memref<128x128xf32, #tpu.memory_space<vmem>>
        %parallel_loop3A_902 = arith.index_cast %parallel_loop3A_807 : i32 to index
        %parallel_loop3A_903 = arith.constant 80 : index
        %parallel_loop3A_904 = tpu.vector_load %parallel_loop3A_901[%parallel_loop3A_902, %parallel_loop3A_903] {strides = array<i32>} : memref<128x128xf32, #tpu.memory_space<vmem>>, vector<1x16xf32>,
        %parallel_loop3A_905 = vector.shape_cast %parallel_loop3A_904 : vector<1x16xf32> to vector<16xf32>
        %parallel_loop3A_906 = arith.addf %parallel_loop3A_905, %get3A_769 : vector<16xf32>
        %parallel_loop3A_907 = arith.constant 0 : i32
        %parallel_loop3A_908 = arith.constant 0 : i32
        %parallel_loop3A_909 = tpu.memref_slice %arg10[%parallel_loop3A_787, %parallel_loop3A_907, %parallel_loop3A_908] : memref<4x128x128xf32, #tpu.memory_space<vmem>> -> memref<1x128x128xf32, #tpu.memory_space<vmem>>
        %parallel_loop3A_910 = tpu.memref_squeeze %parallel_loop3A_909 : memref<1x128x128xf32, #tpu.memory_space<vmem>> -> memref<128x128xf32, #tpu.memory_space<vmem>>
        %parallel_loop3A_911 = arith.index_cast %parallel_loop3A_807 : i32 to index
        %parallel_loop3A_912 = arith.constant 80 : index
        %parallel_loop3A_913 = tpu.vector_load %parallel_loop3A_910[%parallel_loop3A_911, %parallel_loop3A_912] {strides = array<i32>} : memref<128x128xf32, #tpu.memory_space<vmem>>, vector<1x16xf32>,
        %parallel_loop3A_914 = vector.shape_cast %parallel_loop3A_913 : vector<1x16xf32> to vector<16xf32>
        %parallel_loop3A_915 = vector.shape_cast %parallel_loop3A_906 : vector<16xf32> to vector<1x16xf32>
        tpu.vector_store %parallel_loop3A_910[%parallel_loop3A_911, %parallel_loop3A_912], %parallel_loop3A_915 {strides = array<i32>} : memref<128x128xf32, #tpu.memory_space<vmem>>, vector<1x16xf32>,
        %parallel_loop3A_916 = arith.constant 0 : i32
        %parallel_loop3A_917 = arith.constant 0 : i32
        %parallel_loop3A_918 = tpu.memref_slice %arg10[%parallel_loop3A_787, %parallel_loop3A_916, %parallel_loop3A_917] : memref<4x128x128xf32, #tpu.memory_space<vmem>> -> memref<1x128x128xf32, #tpu.memory_space<vmem>>
        %parallel_loop3A_919 = tpu.memref_squeeze %parallel_loop3A_918 : memref<1x128x128xf32, #tpu.memory_space<vmem>> -> memref<128x128xf32, #tpu.memory_space<vmem>>
        %parallel_loop3A_920 = arith.index_cast %parallel_loop3A_807 : i32 to index
        %parallel_loop3A_921 = arith.constant 96 : index
        %parallel_loop3A_922 = tpu.vector_load %parallel_loop3A_919[%parallel_loop3A_920, %parallel_loop3A_921] {strides = array<i32>} : memref<128x128xf32, #tpu.memory_space<vmem>>, vector<1x16xf32>,
        %parallel_loop3A_923 = vector.shape_cast %parallel_loop3A_922 : vector<1x16xf32> to vector<16xf32>
        %parallel_loop3A_924 = arith.addf %parallel_loop3A_923, %get3A_776 : vector<16xf32>
        %parallel_loop3A_925 = arith.constant 0 : i32
        %parallel_loop3A_926 = arith.constant 0 : i32
        %parallel_loop3A_927 = tpu.memref_slice %arg10[%parallel_loop3A_787, %parallel_loop3A_925, %parallel_loop3A_926] : memref<4x128x128xf32, #tpu.memory_space<vmem>> -> memref<1x128x128xf32, #tpu.memory_space<vmem>>
        %parallel_loop3A_928 = tpu.memref_squeeze %parallel_loop3A_927 : memref<1x128x128xf32, #tpu.memory_space<vmem>> -> memref<128x128xf32, #tpu.memory_space<vmem>>
        %parallel_loop3A_929 = arith.index_cast %parallel_loop3A_807 : i32 to index
        %parallel_loop3A_930 = arith.constant 96 : index
        %parallel_loop3A_931 = tpu.vector_load %parallel_loop3A_928[%parallel_loop3A_929, %parallel_loop3A_930] {strides = array<i32>} : memref<128x128xf32, #tpu.memory_space<vmem>>, vector<1x16xf32>,
        %parallel_loop3A_932 = vector.shape_cast %parallel_loop3A_931 : vector<1x16xf32> to vector<16xf32>
        %parallel_loop3A_933 = vector.shape_cast %parallel_loop3A_924 : vector<16xf32> to vector<1x16xf32>
        tpu.vector_store %parallel_loop3A_928[%parallel_loop3A_929, %parallel_loop3A_930], %parallel_loop3A_933 {strides = array<i32>} : memref<128x128xf32, #tpu.memory_space<vmem>>, vector<1x16xf32>,
        %parallel_loop3A_934 = arith.constant 0 : i32
        %parallel_loop3A_935 = arith.constant 0 : i32
        %parallel_loop3A_936 = tpu.memref_slice %arg10[%parallel_loop3A_787, %parallel_loop3A_934, %parallel_loop3A_935] : memref<4x128x128xf32, #tpu.memory_space<vmem>> -> memref<1x128x128xf32, #tpu.memory_space<vmem>>
        %parallel_loop3A_937 = tpu.memref_squeeze %parallel_loop3A_936 : memref<1x128x128xf32, #tpu.memory_space<vmem>> -> memref<128x128xf32, #tpu.memory_space<vmem>>
        %parallel_loop3A_938 = arith.index_cast %parallel_loop3A_807 : i32 to index
        %parallel_loop3A_939 = arith.constant 112 : index
        %parallel_loop3A_940 = tpu.vector_load %parallel_loop3A_937[%parallel_loop3A_938, %parallel_loop3A_939] {strides = array<i32>} : memref<128x128xf32, #tpu.memory_space<vmem>>, vector<1x16xf32>,
        %parallel_loop3A_941 = vector.shape_cast %parallel_loop3A_940 : vector<1x16xf32> to vector<16xf32>
        %parallel_loop3A_942 = arith.addf %parallel_loop3A_941, %get3A_783 : vector<16xf32>
        %parallel_loop3A_943 = arith.constant 0 : i32
        %parallel_loop3A_944 = arith.constant 0 : i32
        %parallel_loop3A_945 = tpu.memref_slice %arg10[%parallel_loop3A_787, %parallel_loop3A_943, %parallel_loop3A_944] : memref<4x128x128xf32, #tpu.memory_space<vmem>> -> memref<1x128x128xf32, #tpu.memory_space<vmem>>
        %parallel_loop3A_946 = tpu.memref_squeeze %parallel_loop3A_945 : memref<1x128x128xf32, #tpu.memory_space<vmem>> -> memref<128x128xf32, #tpu.memory_space<vmem>>
        %parallel_loop3A_947 = arith.index_cast %parallel_loop3A_807 : i32 to index
        %parallel_loop3A_948 = arith.constant 112 : index
        %parallel_loop3A_949 = tpu.vector_load %parallel_loop3A_946[%parallel_loop3A_947, %parallel_loop3A_948] {strides = array<i32>} : memref<128x128xf32, #tpu.memory_space<vmem>>, vector<1x16xf32>,
        %parallel_loop3A_950 = vector.shape_cast %parallel_loop3A_949 : vector<1x16xf32> to vector<16xf32>
        %parallel_loop3A_951 = vector.shape_cast %parallel_loop3A_942 : vector<16xf32> to vector<1x16xf32>
        tpu.vector_store %parallel_loop3A_946[%parallel_loop3A_947, %parallel_loop3A_948], %parallel_loop3A_951 {strides = array<i32>} : memref<128x128xf32, #tpu.memory_space<vmem>>, vector<1x16xf32>,
      } {sc.loop_unroll_factor = 4 : i64, sc.parallel_access}
      %dma_start3A_788 = arith.constant 3 : i32
      %dma_start3A_789 = arith.constant 3 : i32
      %dma_start3A_790 = arith.constant 0 : i32
      %dma_start3A_791 = arith.constant 0 : i32
      %dma_start3A_792 = tpu.memref_slice %arg10[%dma_start3A_788, %dma_start3A_790, %dma_start3A_791] : memref<4x128x128xf32, #tpu.memory_space<vmem>> -> memref<1x128x128xf32, #tpu.memory_space<vmem>>
      %dma_start3A_793 = tpu.memref_squeeze %dma_start3A_792 : memref<1x128x128xf32, #tpu.memory_space<vmem>> -> memref<128x128xf32, #tpu.memory_space<vmem>>
      %dma_start3A_794 = arith.constant 0 : i32
      %dma_start3A_795 = tpu.memref_slice %arg11[%dma_start3A_789, %dma_start3A_794] : memref<4x128xi32, #tpu.memory_space<vmem>> -> memref<1x128xi32, #tpu.memory_space<vmem>>
      %dma_start3A_796 = tpu.memref_squeeze %dma_start3A_795 : memref<1x128xi32, #tpu.memory_space<vmem>> -> memref<128xi32, #tpu.memory_space<vmem>>
      %dma_start3A_797 = arith.constant 0 : i32
      %dma_start3A_798 = arith.constant 0 : i32
      %dma_start3A_799 = tpu.memref_slice %arg6[%dma_start3A_797, %dma_start3A_798] : memref<819200x128xf32, #tpu.memory_space<hbm>> -> memref<819200x128xf32, #tpu.memory_space<hbm>>
      tpu.enqueue_indirect_dma source(%dma_start3A_793 : memref<128x128xf32, #tpu.memory_space<vmem>>) target(%dma_start3A_799 : memref<819200x128xf32, #tpu.memory_space<hbm>>) offsets(%dma_start3A_796 : memref<128xi32, #tpu.memory_space<vmem>>) semaphore(%arg19 : memref<!tpu.dma_semaphore, #tpu.memory_space<semaphore_mem>>)
      %add3A_800 = arith.constant 2 : i32
      %add3A_801 = arith.addi %add3A_627, %add3A_800 : i32
      %lt3A_802 = arith.constant 200 : i32
      %lt3A_803 = arith.cmpi slt, %add3A_801, %lt3A_802 : i32
      %convert_element_type3A_804 = arith.extui %lt3A_803 : i1 to i32
      %cond3A_805 = arith.constant 0 : i32
      %cond3A_806 = arith.cmpi ne, %convert_element_type3A_804, %cond3A_805 : i32
      scf.if %cond3A_806 {
        %ge3A = arith.constant 4 : i32
        %ge3A_807 = arith.cmpi sge, %add3A_801, %ge3A : i32
        %convert_element_type3A_808 = arith.extui %ge3A_807 : i1 to i32
        %cond3A_809 = arith.constant 0 : i32
        %cond3A_810 = arith.cmpi ne, %convert_element_type3A_808, %cond3A_809 : i32
        scf.if %cond3A_810 {
          %dma_wait3A_822 = arith.constant 1 : i32
          %dma_wait3A_823 = arith.constant 1 : i32
          %dma_wait3A_824 = arith.constant 0 : i32
          %dma_wait3A_825 = arith.constant 0 : i32
          %dma_wait3A_826 = tpu.memref_slice %arg10[%dma_wait3A_822, %dma_wait3A_824, %dma_wait3A_825] : memref<4x128x128xf32, #tpu.memory_space<vmem>> -> memref<1x128x128xf32, #tpu.memory_space<vmem>>
          %dma_wait3A_827 = tpu.memref_squeeze %dma_wait3A_826 : memref<1x128x128xf32, #tpu.memory_space<vmem>> -> memref<128x128xf32, #tpu.memory_space<vmem>>
          %dma_wait3A_828 = arith.constant 0 : i32
          %dma_wait3A_829 = tpu.memref_slice %arg11[%dma_wait3A_823, %dma_wait3A_828] : memref<4x128xi32, #tpu.memory_space<vmem>> -> memref<1x128xi32, #tpu.memory_space<vmem>>
          %dma_wait3A_830 = tpu.memref_squeeze %dma_wait3A_829 : memref<1x128xi32, #tpu.memory_space<vmem>> -> memref<128xi32, #tpu.memory_space<vmem>>
          %dma_wait3A_831 = arith.constant 0 : i32
          %dma_wait3A_832 = arith.constant 0 : i32
          %dma_wait3A_833 = tpu.memref_slice %arg6[%dma_wait3A_831, %dma_wait3A_832] : memref<819200x128xf32, #tpu.memory_space<hbm>> -> memref<819200x128xf32, #tpu.memory_space<hbm>>
          tpu.wait_indirect_dma semaphore(%arg17 : memref<!tpu.dma_semaphore, #tpu.memory_space<semaphore_mem>>) src(%dma_wait3A_827 : memref<128x128xf32, #tpu.memory_space<vmem>>) dst(%dma_wait3A_833 : memref<819200x128xf32, #tpu.memory_space<hbm>>)
        } else {
        }
        %dma_start3A_811 = arith.constant 1 : i32
        %dma_start3A_812 = arith.constant 0 : i32
        %dma_start3A_813 = arith.constant 0 : i32
        %dma_start3A_814 = tpu.memref_slice %arg10[%dma_start3A_811, %dma_start3A_812, %dma_start3A_813] : memref<4x128x128xf32, #tpu.memory_space<vmem>> -> memref<1x128x128xf32, #tpu.memory_space<vmem>>
        %dma_start3A_815 = tpu.memref_squeeze %dma_start3A_814 : memref<1x128x128xf32, #tpu.memory_space<vmem>> -> memref<128x128xf32, #tpu.memory_space<vmem>>
        %dma_start3A_816 = arith.constant 0 : i32
        %dma_start3A_817 = tpu.memref_slice %arg7[%add3A_801, %dma_start3A_816] : memref<200x128xi32, #tpu.memory_space<vmem>> -> memref<1x128xi32, #tpu.memory_space<vmem>>
        %dma_start3A_818 = tpu.memref_squeeze %dma_start3A_817 : memref<1x128xi32, #tpu.memory_space<vmem>> -> memref<128xi32, #tpu.memory_space<vmem>>
        %dma_start3A_819 = arith.constant 0 : i32
        %dma_start3A_820 = arith.constant 0 : i32
        %dma_start3A_821 = tpu.memref_slice %arg3[%dma_start3A_819, %dma_start3A_820] : memref<1000000x128xf32, #tpu.memory_space<hbm>> -> memref<1000000x128xf32, #tpu.memory_space<hbm>>
        tpu.enqueue_indirect_dma source(%dma_start3A_821 : memref<1000000x128xf32, #tpu.memory_space<hbm>>) target(%dma_start3A_815 : memref<128x128xf32, #tpu.memory_space<vmem>>) offsets(%dma_start3A_818 : memref<128xi32, #tpu.memory_space<vmem>>) semaphore(%arg13 : memref<!tpu.dma_semaphore, #tpu.memory_space<semaphore_mem>>)
      } else {
      }
    }
    %scan3A_32 = arith.constant 50 : i32
    %dma_wait3A = arith.constant 0 : i32
    %dma_wait3A_33 = arith.constant 0 : i32
    %dma_wait3A_34 = arith.constant 0 : i32
    %dma_wait3A_35 = arith.constant 0 : i32
    %dma_wait3A_36 = tpu.memref_slice %arg10[%dma_wait3A, %dma_wait3A_34, %dma_wait3A_35] : memref<4x128x128xf32, #tpu.memory_space<vmem>> -> memref<1x128x128xf32, #tpu.memory_space<vmem>>
    %dma_wait3A_37 = tpu.memref_squeeze %dma_wait3A_36 : memref<1x128x128xf32, #tpu.memory_space<vmem>> -> memref<128x128xf32, #tpu.memory_space<vmem>>
    %dma_wait3A_38 = arith.constant 0 : i32
    %dma_wait3A_39 = tpu.memref_slice %arg11[%dma_wait3A_33, %dma_wait3A_38] : memref<4x128xi32, #tpu.memory_space<vmem>> -> memref<1x128xi32, #tpu.memory_space<vmem>>
    %dma_wait3A_40 = tpu.memref_squeeze %dma_wait3A_39 : memref<1x128xi32, #tpu.memory_space<vmem>> -> memref<128xi32, #tpu.memory_space<vmem>>
    %dma_wait3A_41 = arith.constant 0 : i32
    %dma_wait3A_42 = arith.constant 0 : i32
    %dma_wait3A_43 = tpu.memref_slice %arg6[%dma_wait3A_41, %dma_wait3A_42] : memref<819200x128xf32, #tpu.memory_space<hbm>> -> memref<819200x128xf32, #tpu.memory_space<hbm>>
    tpu.wait_indirect_dma semaphore(%arg16 : memref<!tpu.dma_semaphore, #tpu.memory_space<semaphore_mem>>) src(%dma_wait3A_37 : memref<128x128xf32, #tpu.memory_space<vmem>>) dst(%dma_wait3A_43 : memref<819200x128xf32, #tpu.memory_space<hbm>>)
    %dma_wait3A_44 = arith.constant 1 : i32
    %dma_wait3A_45 = arith.constant 1 : i32
    %dma_wait3A_46 = arith.constant 0 : i32
    %dma_wait3A_47 = arith.constant 0 : i32
    %dma_wait3A_48 = tpu.memref_slice %arg10[%dma_wait3A_44, %dma_wait3A_46, %dma_wait3A_47] : memref<4x128x128xf32, #tpu.memory_space<vmem>> -> memref<1x128x128xf32, #tpu.memory_space<vmem>>
    %dma_wait3A_49 = tpu.memref_squeeze %dma_wait3A_48 : memref<1x128x128xf32, #tpu.memory_space<vmem>> -> memref<128x128xf32, #tpu.memory_space<vmem>>
    %dma_wait3A_50 = arith.constant 0 : i32
    %dma_wait3A_51 = tpu.memref_slice %arg11[%dma_wait3A_45, %dma_wait3A_50] : memref<4x128xi32, #tpu.memory_space<vmem>> -> memref<1x128xi32, #tpu.memory_space<vmem>>
    %dma_wait3A_52 = tpu.memref_squeeze %dma_wait3A_51 : memref<1x128xi32, #tpu.memory_space<vmem>> -> memref<128xi32, #tpu.memory_space<vmem>>
    %dma_wait3A_53 = arith.constant 0 : i32
    %dma_wait3A_54 = arith.constant 0 : i32
    %dma_wait3A_55 = tpu.memref_slice %arg6[%dma_wait3A_53, %dma_wait3A_54] : memref<819200x128xf32, #tpu.memory_space<hbm>> -> memref<819200x128xf32, #tpu.memory_space<hbm>>
    tpu.wait_indirect_dma semaphore(%arg17 : memref<!tpu.dma_semaphore, #tpu.memory_space<semaphore_mem>>) src(%dma_wait3A_49 : memref<128x128xf32, #tpu.memory_space<vmem>>) dst(%dma_wait3A_55 : memref<819200x128xf32, #tpu.memory_space<hbm>>)
    %dma_wait3A_56 = arith.constant 2 : i32
    %dma_wait3A_57 = arith.constant 2 : i32
    %dma_wait3A_58 = arith.constant 0 : i32
    %dma_wait3A_59 = arith.constant 0 : i32
    %dma_wait3A_60 = tpu.memref_slice %arg10[%dma_wait3A_56, %dma_wait3A_58, %dma_wait3A_59] : memref<4x128x128xf32, #tpu.memory_space<vmem>> -> memref<1x128x128xf32, #tpu.memory_space<vmem>>
    %dma_wait3A_61 = tpu.memref_squeeze %dma_wait3A_60 : memref<1x128x128xf32, #tpu.memory_space<vmem>> -> memref<128x128xf32, #tpu.memory_space<vmem>>
    %dma_wait3A_62 = arith.constant 0 : i32
    %dma_wait3A_63 = tpu.memref_slice %arg11[%dma_wait3A_57, %dma_wait3A_62] : memref<4x128xi32, #tpu.memory_space<vmem>> -> memref<1x128xi32, #tpu.memory_space<vmem>>
    %dma_wait3A_64 = tpu.memref_squeeze %dma_wait3A_63 : memref<1x128xi32, #tpu.memory_space<vmem>> -> memref<128xi32, #tpu.memory_space<vmem>>
    %dma_wait3A_65 = arith.constant 0 : i32
    %dma_wait3A_66 = arith.constant 0 : i32
    %dma_wait3A_67 = tpu.memref_slice %arg6[%dma_wait3A_65, %dma_wait3A_66] : memref<819200x128xf32, #tpu.memory_space<hbm>> -> memref<819200x128xf32, #tpu.memory_space<hbm>>
    tpu.wait_indirect_dma semaphore(%arg18 : memref<!tpu.dma_semaphore, #tpu.memory_space<semaphore_mem>>) src(%dma_wait3A_61 : memref<128x128xf32, #tpu.memory_space<vmem>>) dst(%dma_wait3A_67 : memref<819200x128xf32, #tpu.memory_space<hbm>>)
    %dma_wait3A_68 = arith.constant 3 : i32
    %dma_wait3A_69 = arith.constant 3 : i32
    %dma_wait3A_70 = arith.constant 0 : i32
    %dma_wait3A_71 = arith.constant 0 : i32
    %dma_wait3A_72 = tpu.memref_slice %arg10[%dma_wait3A_68, %dma_wait3A_70, %dma_wait3A_71] : memref<4x128x128xf32, #tpu.memory_space<vmem>> -> memref<1x128x128xf32, #tpu.memory_space<vmem>>
    %dma_wait3A_73 = tpu.memref_squeeze %dma_wait3A_72 : memref<1x128x128xf32, #tpu.memory_space<vmem>> -> memref<128x128xf32, #tpu.memory_space<vmem>>
    %dma_wait3A_74 = arith.constant 0 : i32
    %dma_wait3A_75 = tpu.memref_slice %arg11[%dma_wait3A_69, %dma_wait3A_74] : memref<4x128xi32, #tpu.memory_space<vmem>> -> memref<1x128xi32, #tpu.memory_space<vmem>>
    %dma_wait3A_76 = tpu.memref_squeeze %dma_wait3A_75 : memref<1x128xi32, #tpu.memory_space<vmem>> -> memref<128xi32, #tpu.memory_space<vmem>>
    %dma_wait3A_77 = arith.constant 0 : i32
    %dma_wait3A_78 = arith.constant 0 : i32
    %dma_wait3A_79 = tpu.memref_slice %arg6[%dma_wait3A_77, %dma_wait3A_78] : memref<819200x128xf32, #tpu.memory_space<hbm>> -> memref<819200x128xf32, #tpu.memory_space<hbm>>
    tpu.wait_indirect_dma semaphore(%arg19 : memref<!tpu.dma_semaphore, #tpu.memory_space<semaphore_mem>>) src(%dma_wait3A_73 : memref<128x128xf32, #tpu.memory_space<vmem>>) dst(%dma_wait3A_79 : memref<819200x128xf32, #tpu.memory_space<hbm>>)
    return
  }
}

</mosaic_0001>

<sc_bundles>
// kernel: _embed.3.cloned.1.call-start
scs
__scs_entry_jumppad:
0x0: {  	(pc) =	sbr.rel $0x88, $3  }
0x1: {  	(tag) =	ssettag $0x0;
	lr =	simm.s32 $0x1  }
0x2: {  	[smem:$0x3F9D] =	sst lr;
	_ =	strace $0xD0000000  }
0x3: {  	_ = 	snop  }
0x4: {  	_ = 	snop  }
0x5: {  	_ = 	snop  }
0x6: {  	_ = 	snop  }
0x7: {  	_ = 	snop  }
__scs_overlays_trampoline_lowered:
0x8: {  	[smem:$0x3FAC] =	sst s0  }
0x9: {  	[smem:$0x3FAD] =	sst s1  }
0xa: {  	[smem:$0x3FAE] =	sst s2  }
0xb: {  	[smem:$0x3FAF] =	sst s3  }
0xc: {  	[smem:$0x3FB0] =	sst s4  }
0xd: {  	[smem:$0x3FB1] =	sst s5  }
0xe: {  	[smem:$0x3FB2] =	sst s6  }
0xf: {  	[smem:$0x3FB3] =	sst s7  }
0x10: {  	[smem:$0x3FB4] =	sst s8  }
0x11: {  	[smem:$0x3FB5] =	sst s9;
	s0 =	simm.s32 @!p0 $0x0  }
0x12: {  	s1 =	sld [smem:$0x3F9B];
	s0 =	simm.s32 @p0 $0x1  }
0x13: {  	[smem:$0x3FB6] =	sst s0;
	s0 =	simm.s32 @!p1 $0x0  }
0x14: {  	s2 =	sld [smem:$0x3F9A];
	s0 =	simm.s32 @p1 $0x1  }
0x15: {  	[smem:$0x3FB7] =	sst s0;
	s0 =	simm.s32 @!p2 $0x0  }
0x16: {  	s3 =	sld [smem:$0x3FDB];
	s0 =	simm.s32 @p2 $0x1  }
0x17: {  	s4 =	simm.s32 $0x1BF5;
	[smem:$0x3FB9] =	sst s0  }
0x18: {  	s0 =	sld [smem:$0x3F9C];
	_ =	swait.ge [sflag:s4], $0x0  }
0x19: {  	s7 =	sld [smem:$0x3F9D]  }
0x1a: {  	s8 =	sadd.s32 $0xFFFFE003, lr  }
0x1b: {  	s9 =	sadd.s32 $0xFFFFFEF7, lr;
	s5 =	simm.s32 $0xFFFFFFFF;
	p2 =	slt.u32 s8, $0xFFFFF086  }
0x1c: {  	p1 =	slt.u32 s9, $0xF7A;
	s5 =	simm.s32 @!p2 $0x0  }
0x1d: {  	s5 =	simm.s32 @p1 $0x1;
	p0 =	seq.s32 s7, s2  }
0x1e: {  	s7 =	smul.u32 @!p0 $0xF7A, s2;
	p2 =	seq.s32 @!p0 s5, $0x0  }
0x1f: {  	s9 =	smul.u32 $0xF7A, s1;
	s8 =	simm.s32 @!p0 $0x1BF5;
	p2 =	por !p2, p0  }
0x20: {  	[sflag:s8] =	ssyncset.s32 @!p0 $0xFFFFF086;
	s6 =	sadd.s32 @!p0 s3, s7;
	s7 =	simm.s32 @!p0 $0x108  }
0x21: {  	s3 =	sadd.s32 s3, s9;
	s6 =	sadd.s32 @!p0 $0x88, s6;
	s7 =	simm.s32 @p2 $0x1082  }
0x22: {  	[simem:s7], [sflag:s8] =	dma.local @!p0 [hbm:s6], $0xF7A  }
0x23: {  	s9 =	sor.u32 $0xD0000000, s2;
	s6 =	simm.s32 $0x108;
	_ =	swait.ge @!p0 [sflag:s8], $0x0  }
0x24: {  	s3 =	sadd.s32 $0x88, s3;
	s6 =	simm.s32 @!p1 $0x1082;
	[sflag:s4] =	ssyncset.s32 $0xFFFFF086  }
0x25: {  	[simem:s6], [sflag:s4] =	dma.local [hbm:s3], $0xF7A  }
0x26: {  	[smem:$0x3F9D] =	sst s1;
	(tag) =	ssettag s2;
	_ =	strace s9  }
0x27: {  	s1 =	sld [smem:$0x3FAD]  }
0x28: {  	s2 =	sld [smem:$0x3FAE]  }
0x29: {  	s4 =	sld [smem:$0x3FB0]  }
0x2a: {  	p0 =	seq.s32 s5, $0x0;
	s5 =	sld [smem:$0x3FB1]  }
0x2b: {  	s6 =	sld [smem:$0x3FB2]  }
0x2c: {  	s7 =	sld [smem:$0x3FB3]  }
0x2d: {  	s3 =	simm.s32 $0x108;
	s8 =	sld [smem:$0x3FB4]  }
0x2e: {  	s3 =	simm.s32 @!p0 $0x1082;
	s9 =	sld [smem:$0x3FB5]  }
0x2f: {  	lr =	sadd.s32 s0, s3;
	s0 =	sld [smem:$0x3FAC]  }
0x30: {  	s3 =	sld [smem:$0x3FAF]  }
0x31: {  	[smem:$0x3FB8] =	sst s10  }
0x32: {  	s10 =	sld [smem:$0x3FB6];
	_ =	sdelay $0x3  }
0x33: {  	p0 =	seq.s32 s10, $0x1;
	s10 =	sld [smem:$0x3FB8];
	_ =	sdelay $0x3  }
0x34: {  	[smem:$0x3FB8] =	sst s10  }
0x35: {  	s10 =	sld [smem:$0x3FB7];
	_ =	sdelay $0x3  }
0x36: {  	p1 =	seq.s32 s10, $0x1;
	s10 =	sld [smem:$0x3FB8];
	_ =	sdelay $0x3  }
0x37: {  	[smem:$0x3FB8] =	sst s10  }
0x38: {  	s10 =	sld [smem:$0x3FB9]  }
0x39: {  	_ = 	snop;
	(pc) =	sbr.ind lr, $3  }
0x3a: {  	_ = 	snop  }
0x3b: {  	_ = 	snop  }
0x3c: {  	p2 =	seq.s32 s10, $0x1;
	s10 =	sld [smem:$0x3FB8]  }
0x3d: {  	_ =	shalt  }
0x3e: {  	_ =	shalt  }
0x3f: {  	_ =	shalt  }
0x40: {  	_ =	shalt  }
0x41: {  	_ =	shalt  }
0x42: {  	_ =	shalt  }
0x43: {  	_ =	shalt  }
0x44: {  	_ =	shalt  }
0x45: {  	_ =	shalt  }
0x46: {  	_ =	shalt  }
0x47: {  	_ =	shalt  }
0x48: {  	_ =	shalt  }
0x49: {  	_ =	shalt  }
0x4a: {  	_ =	shalt  }
0x4b: {  	_ =	shalt  }
0x4c: {  	_ =	shalt  }
0x4d: {  	_ =	shalt  }
0x4e: {  	_ =	shalt  }
0x4f: {  	_ =	shalt  }
0x50: {  	_ =	shalt  }
0x51: {  	_ =	shalt  }
0x52: {  	_ =	shalt  }
0x53: {  	_ =	shalt  }
0x54: {  	_ =	shalt  }
0x55: {  	_ =	shalt  }
0x56: {  	_ =	shalt  }
0x57: {  	_ =	shalt  }
0x58: {  	_ =	shalt  }
0x59: {  	_ =	shalt  }
0x5a: {  	_ =	shalt  }
0x5b: {  	_ =	shalt  }
0x5c: {  	_ =	shalt  }
0x5d: {  	_ =	shalt  }
0x5e: {  	_ =	shalt  }
0x5f: {  	_ =	shalt  }
0x60: {  	_ =	shalt  }
0x61: {  	_ =	shalt  }
0x62: {  	_ =	shalt  }
0x63: {  	_ =	shalt  }
0x64: {  	_ =	shalt  }
0x65: {  	_ =	shalt  }
0x66: {  	_ =	shalt  }
0x67: {  	_ =	shalt  }
0x68: {  	_ =	shalt  }
0x69: {  	_ =	shalt  }
0x6a: {  	_ =	shalt  }
0x6b: {  	_ =	shalt  }
0x6c: {  	_ =	shalt  }
0x6d: {  	_ =	shalt  }
0x6e: {  	_ =	shalt  }
0x6f: {  	_ =	shalt  }
0x70: {  	_ =	shalt  }
0x71: {  	_ =	shalt  }
0x72: {  	_ =	shalt  }
0x73: {  	_ =	shalt  }
0x74: {  	_ =	shalt  }
0x75: {  	_ =	shalt  }
0x76: {  	_ =	shalt  }
0x77: {  	_ =	shalt  }
0x78: {  	_ =	shalt  }
0x79: {  	_ =	shalt  }
0x7a: {  	_ =	shalt  }
0x7b: {  	_ =	shalt  }
0x7c: {  	_ =	shalt  }
0x7d: {  	_ =	shalt  }
0x7e: {  	_ =	shalt  }
0x7f: {  	_ =	shalt  }
0x80: {  	_ =	shalt  }
0x81: {  	_ =	shalt  }
0x82: {  	_ =	shalt  }
0x83: {  	_ =	shalt  }
0x84: {  	_ =	shalt  }
0x85: {  	_ =	shalt  }
0x86: {  	_ =	shalt  }
0x87: {  	_ =	shalt  }
.Lfunc_end0:
.L_simem_size_0:
called_computation_lowered:
.L_overlay_start_0:
0x88: {  	s2 =	sld [smem:$0x3FD9]  }
0x89: {  	s3 =	sld [smem:$0x3FFE];
	_ =	sdelay $0x1  }
0x8a: {  	s1 =	srdreg.scid  }
0x8b: {  	s0 =	sand.u32 $0x1, s1  }
0x8c: {  	s18 =	sshll.u32 s0, $0xA;
	s2 =	sadd.s32 s3, s2  }
0x8d: {  	s2 =	sadd.s32 s2, s18  }
0x8e: {  	[smem:$0x3FC4] =	sst s2  }
0x8f: {  	_ = 	snop  }
0x90: {  	s2 =	sld [smem:$0x3FC9]  }
0x91: {  	s19 =	sld [smem:$0x3FC8]  }
0x92: {  	s4 =	sld [smem:$0x3FC7]  }
0x93: {  	s5 =	sld [smem:$0x3FC6]  }
0x94: {  	s6 =	sld [smem:$0x3FD0];
	(tm) =	ssettm $0x1  }
0x95: {  	s7 =	sld [smem:$0x3FFB];
	_ =	sdelay $0x3  }
0x96: {  	_ =	strace s7  }
0x97: {  	s7 =	sld [smem:$0x3FFC];
	_ =	sdelay $0x3  }
0x98: {  	_ =	strace s7  }
0x99: {  	s7 =	sld [smem:$0x3FFD];
	_ =	sdelay $0x3  }
0x9a: {  	_ =	strace s7  }
0x9b: {  	_ =	strace $0x8FFFFFFF  }
0x9c: {  	s20 =	sld [smem:$0x3FDB];
	_ =	sdelay $0x1  }
0x9d: {  	s8 =	simm.s32 $_scs_section_size  }
0x9e: {  	s9 =	simm.s32 $_size__tile_overlayer_lowered;
	s10 =	simm.s32 $_tile_overlayer_lowered  }
0x9f: {  	s23 =	simm.s32 $0x1BFF;
	s22 =	sshll.u32 s10, $0x1;
	s7 =	sadd.s32 s8, s20  }
0xa0: {  	s11 =	simm.s32 $0x0;
	s21 =	sshll.u32 s9, $0x1;
	s9 =	sadd.s32 s22, s7  }
0xa1: {  	[timem:s11], [sflag:s23] =	dma.local [hbm:s9], s21  }
0xa2: {  	_ =	swait.ge [sflag:s23], s21  }
0xa3: {  	s8 =	ssub.s32 $0x0, s21;
	[sflag:s23] =	ssyncset.done $0x0  }
0xa4: {  	[sflag:s23] =	ssyncadd.s32 s8;
	_ =	sdelay $0x1  }
0xa5: {  	s24 =	simm.s32 $0x1B8B  }
0xa6: {  	_ =	swait.ge [sflag:s24], $0x1  }
0xa7: {  	[sflag:s24] =	ssyncset.done $0x0  }
0xa8: {  	s25 =	simm.s32 $0x1B8E;
	[sflag:s24] =	ssyncadd.s32 $0xFFFFFFFF  }
0xa9: {  	s26 =	simm.s32 $execute0_lowered;
	[smem:$0x3FD2] =	sst s25  }
0xaa: {  	s8 =	sshll.u32 s26, $0x1;
	_ =	strace $0x80000046;
	[dreg:$0x1] =	wrdreg $0xFFFFFFFF  }
0xab: {  	s28 =	simm.s32 $_size_execute0_lowered;
	s7 =	sadd.s32 s7, s8;
	[dreg:$0x0] =	wrdreg $0x0  }
0xac: {  	s8 =	sshll.u32 s28, $0x1;
	[dreg:$0x2] =	wrdreg s7  }
0xad: {  	[dreg:$0x3] =	wrdreg s8  }
0xae: {  	[dreg:$0x4] =	wrdreg $0xC0  }
0xaf: {  	_ =	task [dreg:s11], $0x5FFFF  }
0xb0: {  	[dreg:$0x1] =	wrdreg $0xFFFFFFFF  }
0xb1: {  	[dreg:$0x0] =	wrdreg $0x60  }
0xb2: {  	[dreg:$0x2] =	wrdreg s2  }
0xb3: {  	[dreg:$0x3] =	wrdreg s19  }
0xb4: {  	[dreg:$0x4] =	wrdreg s4  }
0xb5: {  	[dreg:$0x5] =	wrdreg s5  }
0xb6: {  	[dreg:$0x6] =	wrdreg s6  }
0xb7: {  	[dreg:$0x7] =	wrdreg $0x9  }
0xb8: {  	_ =	task.clear_ibuf [dreg:s11], $0x8FFFF;
	_ =	strace $0x90000046  }
0xb9: {  	s29 =	simm.s32 $0x9;
	_ =	strace $0x80000048  }
0xba: {  	_ =	swait.ge [sflag:s29], $0x1  }
0xbb: {  	[sflag:s29] =	ssyncadd.s32 $0xFFFFFFFF  }
0xbc: {  	_ =	strace $0x90000048  }
0xbd: {  	_ =	sfence  }
0xbe: {  	s30 =	sld [smem:$0x0];
	_ =	sdelay $0x2  }
0xbf: {  	s31 =	sshll.u32 s1, $0xD;
	s1 =	sshrl.u32 s1, $0x2  }
0xc0: {  	s3 =	sand.u32 $0x4000, s31;
	s1 =	sadd.s32 s1, s30  }
0xc1: {  	s0 =	sor.u32 s3, s0;
	s1 =	sshll.u32 s1, $0x11  }
0xc2: {  	s0 =	sor.u32 s1, s0  }
0xc3: {  	s0 =	sadd.s32 $0x8F2B, s0  }
0xc4: {  	[sflag:s0] =	ssyncadd.remote.s32 $0x1  }
0xc5: {  	_ =	sfence.sel $0xFFFF  }
0xc6: {  	[dreg:$0x0] =	wrdreg $0xFFFFFFFF;
	(pc) =	sbr.abs _section_cstart, $3  }
0xc7: {  	[dreg:$0x1] =	wrdreg $0xFFFFFFFF  }
0xc8: {  	_ =	task.clear_ibuf [dreg:s11], $0x2FFFF;
	_ =	strace $0x9FFFFFFF  }
0xc9: {  	(tm) =	ssettm $0x7FFFFFFF  }
tec
execute0_lowered:
.L_overlay_start_1:
0x0: {  	(tag) =	ssettag $0x1  }
0x1: {  	s0 =	rddreg [dreg:$0x0]  }
0x2: {  	s1 =	rddreg [dreg:$0x1];
	s2 =	srdreg.scid  }
0x3: {  	s3 =	stileid.u32;
	s5 =	rddreg [dreg:$0x4];
	s7 =	simm.s32 $0x0  }
0x4: {  	s10 =	simm.s32 $0x9;
	s11 =	simm.s32 $0x80;
	s12 =	simm.s32 $0xC880  }
0x5: {  	s13 =	simm.s32 $0x10880;
	s16 =	simm.s32 $0x1;
	s17 =	simm.s32 $0x1C880  }
0x6: {  	s18 =	simm.s32 $0x14880;
	s19 =	simm.s32 $0x2;
	s20 =	simm.s32 $0x1C900  }
0x7: {  	s21 =	simm.s32 $0x18880;
	s2 =	sand.u32 $0x1, s2;
	s3 =	sshll.u32 s3, $0x1  }
0x8: {  	s22 =	simm.s32 $0x3;
	s23 =	simm.s32 $0x1C980;
	s3 =	sor.u32 s2, s3  }
0x9: {  	s28 =	simm.s32 $0x6;
	s2 =	ssub.s32 $0x2, s2;
	s6 =	smul.u32 $0x6400, s3  }
.Ltmp0:
0xa: {  	s29 =	simm.s32 $0x7;
	s24 =	sshrl.u32 s2, $0x1;
	(pc) =	sbr.rel .LBB2_1-.Ltmp0, $4  }
0xb: {  	s30 =	simm.s32 $0x8;
	s31 =	simm.s32 $0x0;
	s2 =	ssub.s32 s2, s24  }
0xc: {  	[smem:$0x7FF] =	sst s7;
	s25 =	sshrl.u32 s6, $0x3;
	s26 =	smax.u32 s2, $0x1  }
0xd: {  	_ =	strace $0x80000047;
	s0 =	sadd.s32 s0, s25;
	[dreg:$0x7] =	wrdreg s26  }
0xe: {  	s24 =	simm.s32 $0x4;
	s25 =	simm.s32 $0x1CA00;
	[dreg:$0x6] =	wrdreg s0  }
.LBB2_12:
0xf: {  	s0 =	simm.s32 $0x5  }
0x10: {  	_ =	swait.ge [sflag:s0], $0x4000  }
0x11: {  	[sflag:s0] =	ssyncset.done $0x0  }
0x12: {  	[sflag:s0] =	ssyncadd.s32 $0xFFFFC000  }
0x13: {  	_ =	swait.ge [sflag:s28], $0x4000  }
0x14: {  	[sflag:s28] =	ssyncset.done $0x0  }
0x15: {  	[sflag:s28] =	ssyncadd.s32 $0xFFFFC000  }
0x16: {  	_ =	swait.ge [sflag:s29], $0x4000  }
0x17: {  	[sflag:s29] =	ssyncset.done $0x0  }
0x18: {  	[sflag:s29] =	ssyncadd.s32 $0xFFFFC000  }
0x19: {  	_ =	swait.ge [sflag:s30], $0x4000  }
0x1a: {  	s31 =	sadd.s32 $0x1, s31;
	s26 =	rddreg [dreg:$0x7]  }
0x1b: {  	p0 =	sne.s32 s31, s26  }
.Ltmp1:
0x1c: {  	_ = 	snop;
	(pc) =	sbr.rel @!p0 .LBB2_13-.Ltmp1, $3  }
0x1d: {  	_ =	sdelay $0x1  }
0x1e: {  	[sflag:s30] =	ssyncset.done $0x0  }
0x1f: {  	[sflag:s30] =	ssyncadd.s32 $0xFFFFC000  }
.LBB2_1:
0x20: {  	s0 =	rddreg [dreg:$0x6]  }
0x21: {  	[tilespmem:s7], [sflag:$0x9] =	stream.linear.gather [hbm4b:s0+s7], $0x6400, $0x38;
	[tilespmem:$0x1CA80] =	vst v63  }
0x22: {  	_ =	swait.ge [sflag:s10], $0x6400  }
0x23: {  	[sflag:s10] =	ssyncset.done $0x0  }
0x24: {  	[sflag:s10] =	ssyncadd.s32 $0xFFFF9C00  }
0x25: {  	[tilespmem:s12], [sflag:$0x1] =	stream.indirect.gather [hbm4b:s1+s11], $0x80, s7, s11, $0xb8;
	[tilespmem:$0x1CA80] =	vst v63  }
0x26: {  	_ = 	snop  }
0x27: {  	[tilespmem:s13], [sflag:$0x2] =	stream.indirect.gather [hbm4b:s1+s11], $0x80, s11, s11, $0xb8;
	[tilespmem:$0x1CA80] =	vst v63  }
0x28: {  	s2 =	simm.s32 $0x6400;
	s14 =	rddreg [dreg:$0x2]  }
0x29: {  	[tilespmem:s2], [sflag:$0x9] =	stream.linear.gather [hbm4b:s14+s7], $0x6400, $0x38;
	[tilespmem:$0x1CA80] =	vst v63  }
0x2a: {  	_ =	swait.ge [sflag:s10], $0x6400  }
0x2b: {  	[sflag:s10] =	ssyncset.done $0x0  }
0x2c: {  	[sflag:s10] =	ssyncadd.s32 $0xFFFF9C00  }
0x2d: {  	s26 =	simm.s32 $0xC800;
	s15 =	rddreg [dreg:$0x3]  }
0x2e: {  	[tilespmem:s26], [sflag:$0x9] =	stream.linear.gather [hbm4b:s15+s7], $0x80, $0x38;
	[tilespmem:$0x1CA80] =	vst v63  }
0x2f: {  	_ =	swait.ge [sflag:s10], $0x80  }
0x30: {  	[sflag:s10] =	ssyncset.done $0x0  }
0x31: {  	s3 =	simm.s32 $0x0;
	[sflag:s10] =	ssyncadd.s32 $0xFFFFFF80  }
.LBB2_2:
0x32: {  	_ =	swait.ge [sflag:s16], $0x4000  }
0x33: {  	[sflag:s16] =	ssyncset.done $0x0  }
0x34: {  	[sflag:s16] =	ssyncadd.s32 $0xFFFFC000  }
0x35: {  	v0 =	vld [tilespmem:$0xC800]  }
0x36: {  	v1 =	vld [tilespmem:$0xC810]  }
0x37: {  	v2 =	vld [tilespmem:$0xC820]  }
0x38: {  	s4 =	sshll.u32 s3, $0x2;
	v3 =	vld [tilespmem:$0xC830]  }
0x39: {  	s0 =	sor.u32 s6, s4;
	v4 =	vld [tilespmem:$0xC840]  }
0x3a: {  	v5 =	vld [tilespmem:$0xC850];
	v0 =	vadd.s32 s0, v0  }
0x3b: {  	[tilespmem:$0x1C880] =	vst v0;
	v0 =	vadd.s32 s0, v1;
	v1 =	vld [tilespmem:$0xC860]  }
0x3c: {  	[tilespmem:$0x1C890] =	vst v0;
	v0 =	vadd.s32 s0, v2;
	v2 =	vld [tilespmem:$0xC870]  }
0x3d: {  	[tilespmem:$0x1C8A0] =	vst v0;
	v0 =	vadd.s32 s0, v3  }
0x3e: {  	[tilespmem:$0x1C8B0] =	vst v0;
	v0 =	vadd.s32 s0, v4  }
0x3f: {  	[tilespmem:$0x1C8C0] =	vst v0;
	v0 =	vadd.s32 s0, v5  }
0x40: {  	[tilespmem:$0x1C8D0] =	vst v0;
	v0 =	vadd.s32 s0, v1  }
0x41: {  	s2 =	sshll.u32 s3, $0xB;
	[tilespmem:$0x1C8E0] =	vst v0;
	v0 =	vadd.s32 s0, v2  }
0x42: {  	s0 =	sshrl.u32 s2, $0x2;
	[tilespmem:$0x1C8F0] =	vst v0  }
0x43: {  	v0 =	vld [tilespmem:s0+$0x6400]  }
0x44: {  	v5 =	vld [tilespmem:s0+$0x6410]  }
0x45: {  	v6 =	vld [tilespmem:s0+$0x6420]  }
0x46: {  	v4 =	vld [tilespmem:s0+$0x6430]  }
0x47: {  	v3 =	vld [tilespmem:s0+$0x6440]  }
0x48: {  	v2 =	vld [tilespmem:s0+$0x6450]  }
0x49: {  	v1 =	vld [tilespmem:s0+$0x6460]  }
0x4a: {  	s8 =	simm.s32 $0xC980;
	v7 =	vld [tilespmem:s0+$0x6470]  }
0x4b: {  	v8 =	vld [tilespmem:s8+$0xF0]  }
0x4c: {  	v9 =	vld [tilespmem:s8+$0xFFFFFF10]  }
0x4d: {  	v10 =	vld [tilespmem:s8+$0xFFFFFF20]  }
0x4e: {  	v11 =	vld [tilespmem:s8+$0xFFFFFF30]  }
0x4f: {  	v14 =	vld [tilespmem:s8+$0xFFFFFF60]  }
0x50: {  	v12 =	vld [tilespmem:s8+$0xFFFFFF40]  }
0x51: {  	v13 =	vld [tilespmem:s8+$0xFFFFFF50];
	v8 =	vadd.f32 v8, v7  }
0x52: {  	v16 =	vld [tilespmem:s8+$0xFFFFFF80];
	v9 =	vadd.f32 v9, v5  }
0x53: {  	v15 =	vld [tilespmem:s8+$0xFFFFFF70];
	v10 =	vadd.f32 v10, v6;
	[tilespmem:s8+$0xF0] =	vst v8  }
0x54: {  	v62 =	vld [tilespmem:s8+$0xFFFFFFD0];
	v14 =	vadd.f32 v14, v1;
	[tilespmem:s8+$0xFFFFFF10] =	vst v9  }
0x55: {  	v8 =	vld [tilespmem:s8+$0xFFFFFF90];
	[tilespmem:s8+$0xFFFFFF20] =	vst v10;
	v10 =	vadd.f32 v12, v3  }
0x56: {  	v9 =	vadd.f32 v11, v4;
	[tilespmem:s8+$0xFFFFFF60] =	vst v14;
	v14 =	vld [tilespmem:s8+$0xFFFFFFF0]  }
0x57: {  	v11 =	vld [tilespmem:s8+$0xFFFFFFA0];
	[tilespmem:s8+$0xFFFFFF40] =	vst v10;
	v10 =	vadd.f32 v16, v0  }
0x58: {  	v12 =	vld [tilespmem:s8+$0xFFFFFFB0];
	[tilespmem:s8+$0xFFFFFF30] =	vst v9;
	v9 =	vadd.f32 v13, v2  }
0x59: {  	v13 =	vld [tilespmem:s8+$0xFFFFFFC0];
	[tilespmem:s8+$0xFFFFFF80] =	vst v10;
	v10 =	vadd.f32 v15, v7  }
0x5a: {  	[tilespmem:s8+$0xFFFFFF50] =	vst v9;
	v9 =	vld [tilespmem:s8+$0xFFFFFFE0];
	v8 =	vadd.f32 v8, v5  }
0x5b: {  	v15 =	vld [tilespmem:s8+$0x30];
	v14 =	vadd.f32 v14, v7;
	[tilespmem:s8+$0xFFFFFF70] =	vst v10  }
0x5c: {  	v10 =	vadd.f32 v11, v6;
	v11 =	vld [tilespmem:s8+$0x0];
	[tilespmem:s8+$0xFFFFFF90] =	vst v8  }
0x5d: {  	v8 =	vadd.f32 v12, v4;
	v12 =	vld [tilespmem:s8+$0x10];
	[tilespmem:s8+$0xFFFFFFF0] =	vst v14  }
0x5e: {  	[tilespmem:s8+$0xFFFFFFA0] =	vst v10;
	v10 =	vadd.f32 v13, v3;
	v13 =	vld [tilespmem:s8+$0x20]  }
0x5f: {  	v14 =	vld [tilespmem:s8+$0x80];
	[tilespmem:s8+$0xFFFFFFB0] =	vst v8;
	v8 =	vadd.f32 v62, v2  }
0x60: {  	v9 =	vadd.f32 v9, v1;
	[tilespmem:s8+$0xFFFFFFC0] =	vst v10;
	v10 =	vld [tilespmem:s8+$0x40]  }
0x61: {  	[tilespmem:s8+$0xFFFFFFD0] =	vst v8;
	v8 =	vadd.f32 v11, v0  }
0x62: {  	v11 =	vld [tilespmem:s8+$0x50];
	[tilespmem:s8+$0xFFFFFFE0] =	vst v9;
	v12 =	vadd.f32 v12, v5  }
0x63: {  	v9 =	vld [tilespmem:s8+$0x60];
	[tilespmem:s8+$0x0] =	vst v8;
	v8 =	vadd.f32 v13, v6  }
0x64: {  	v14 =	vadd.f32 v14, v0;
	v13 =	vld [tilespmem:s8+$0x70];
	[tilespmem:s8+$0x10] =	vst v12  }
0x65: {  	v12 =	vadd.f32 v15, v4;
	v15 =	vld [tilespmem:s8+$0x90];
	[tilespmem:s8+$0x20] =	vst v8;
	v8 =	vadd.f32 v10, v3  }
0x66: {  	v63 =	vld [tilespmem:s8+$0xA0];
	[tilespmem:s8+$0x80] =	vst v14  }
0x67: {  	v10 =	vadd.f32 v11, v2;
	[tilespmem:s8+$0x40] =	vst v8;
	v8 =	vld [tilespmem:s8+$0xB0]  }
0x68: {  	[tilespmem:s8+$0x30] =	vst v12;
	v11 =	vadd.f32 v9, v1;
	v9 =	vld [tilespmem:s8+$0xC0]  }
0x69: {  	[tilespmem:s8+$0x50] =	vst v10;
	v12 =	vadd.f32 v13, v7;
	v10 =	vld [tilespmem:s8+$0xD0]  }
0x6a: {  	[tilespmem:s8+$0x60] =	vst v11;
	v11 =	vld [tilespmem:s8+$0xE0];
	v13 =	vadd.f32 v15, v5  }
0x6b: {  	s14 =	simm.s32 $0x0;
	s9 =	simm.s32 $0xCB80;
	v14 =	vadd.f32 v63, v6;
	[tilespmem:s8+$0x70] =	vst v12;
	v12 =	vld [tilespmem:s8+$0xFFFFFF00]  }
.LBB2_3:
0x6c: {  	v15 =	vld [tilespmem:s9+$0xF0];
	s14 =	sadd.s32 $0x4, s14;
	[tilespmem:s8+$0x90] =	vst v13;
	v8 =	vadd.f32 v8, v4  }
0x6d: {  	v13 =	vld [tilespmem:s9+$0xFFFFFF10];
	p0 =	slt.u32 s14, $0x7C;
	[tilespmem:s8+$0xA0] =	vst v14;
	v9 =	vadd.f32 v9, v3  }
0x6e: {  	v14 =	vld [tilespmem:s9+$0xFFFFFF20];
	[tilespmem:s8+$0xB0] =	vst v8;
	v8 =	vadd.f32 v10, v2  }
0x6f: {  	v10 =	vld [tilespmem:s9+$0xFFFFFF30];
	[tilespmem:s8+$0xC0] =	vst v9;
	v9 =	vadd.f32 v11, v1  }
0x70: {  	v11 =	vld [tilespmem:s9+$0xFFFFFF40];
	v12 =	vadd.f32 v12, v0;
	[tilespmem:s8+$0xD0] =	vst v8  }
0x71: {  	v8 =	vld [tilespmem:s9+$0xFFFFFF50];
	v15 =	vadd.f32 v15, v7;
	[tilespmem:s8+$0xE0] =	vst v9  }
0x72: {  	v9 =	vadd.f32 v13, v5;
	v13 =	vld [tilespmem:s9+$0xFFFFFF60];
	[tilespmem:s8+$0xFFFFFF00] =	vst v12;
	s8 =	smov.u32 s9  }
0x73: {  	v12 =	vadd.f32 v14, v6;
	v14 =	vld [tilespmem:s9+$0xFFFFFF70];
	[tilespmem:s9+$0xF0] =	vst v15  }
0x74: {  	[tilespmem:s9+$0xFFFFFF10] =	vst v9;
	v9 =	vadd.f32 v10, v4;
	v10 =	vld [tilespmem:s9+$0xFFFFFF80]  }
0x75: {  	[tilespmem:s9+$0xFFFFFF20] =	vst v12;
	v11 =	vadd.f32 v11, v3;
	v12 =	vld [tilespmem:s9+$0xFFFFFF90]  }
0x76: {  	[tilespmem:s9+$0xFFFFFF30] =	vst v9;
	v8 =	vadd.f32 v8, v2;
	v9 =	vld [tilespmem:s9+$0xFFFFFFA0]  }
0x77: {  	[tilespmem:s9+$0xFFFFFF40] =	vst v11;
	v11 =	vadd.f32 v13, v1;
	v13 =	vld [tilespmem:s9+$0xFFFFFFB0]  }
0x78: {  	[tilespmem:s9+$0xFFFFFF50] =	vst v8;
	v8 =	vadd.f32 v14, v7;
	v14 =	vld [tilespmem:s9+$0xFFFFFFC0]  }
0x79: {  	[tilespmem:s9+$0xFFFFFF60] =	vst v11;
	v10 =	vadd.f32 v10, v0;
	v11 =	vld [tilespmem:s9+$0xFFFFFFD0]  }
0x7a: {  	[tilespmem:s9+$0xFFFFFF70] =	vst v8;
	v8 =	vadd.f32 v12, v5;
	v12 =	vld [tilespmem:s9+$0xFFFFFFE0]  }
0x7b: {  	[tilespmem:s9+$0xFFFFFF80] =	vst v10;
	v9 =	vadd.f32 v9, v6;
	v10 =	vld [tilespmem:s9+$0xFFFFFFF0]  }
0x7c: {  	[tilespmem:s9+$0xFFFFFF90] =	vst v8;
	v8 =	vadd.f32 v13, v4;
	v13 =	vld [tilespmem:s9+$0x0]  }
0x7d: {  	[tilespmem:s9+$0xFFFFFFA0] =	vst v9;
	v9 =	vadd.f32 v14, v3;
	v14 =	vld [tilespmem:s9+$0x10]  }
0x7e: {  	[tilespmem:s9+$0xFFFFFFB0] =	vst v8;
	v8 =	vadd.f32 v11, v2;
	v11 =	vld [tilespmem:s9+$0x20]  }
0x7f: {  	[tilespmem:s9+$0xFFFFFFC0] =	vst v9;
	v9 =	vadd.f32 v12, v1;
	v12 =	vld [tilespmem:s9+$0x30]  }
0x80: {  	[tilespmem:s9+$0xFFFFFFD0] =	vst v8;
	v8 =	vadd.f32 v10, v7;
	v10 =	vld [tilespmem:s9+$0x40]  }
0x81: {  	[tilespmem:s9+$0xFFFFFFE0] =	vst v9;
	v9 =	vadd.f32 v13, v0;
	v13 =	vld [tilespmem:s9+$0x50]  }
0x82: {  	[tilespmem:s9+$0xFFFFFFF0] =	vst v8;
	v8 =	vadd.f32 v14, v5;
	v14 =	vld [tilespmem:s9+$0x60]  }
0x83: {  	[tilespmem:s9+$0x0] =	vst v9;
	v9 =	vadd.f32 v11, v6;
	v11 =	vld [tilespmem:s9+$0x70]  }
0x84: {  	[tilespmem:s9+$0x10] =	vst v8;
	v8 =	vadd.f32 v12, v4;
	v12 =	vld [tilespmem:s9+$0x80]  }
0x85: {  	[tilespmem:s9+$0x20] =	vst v9;
	v9 =	vadd.f32 v10, v3;
	v15 =	vld [tilespmem:s9+$0x90]  }
0x86: {  	[tilespmem:s9+$0x30] =	vst v8;
	v10 =	vadd.f32 v13, v2;
	v16 =	vld [tilespmem:s9+$0xA0]  }
.Ltmp2:
0x87: {  	[tilespmem:s9+$0x40] =	vst v9;
	v13 =	vadd.f32 v14, v1;
	v8 =	vld [tilespmem:s9+$0xB0];
	(pc) =	sbr.rel @p0 .LBB2_3-.Ltmp2, $4  }
0x88: {  	[tilespmem:s9+$0x50] =	vst v10;
	v11 =	vadd.f32 v11, v7;
	v9 =	vld [tilespmem:s9+$0xC0]  }
0x89: {  	[tilespmem:s9+$0x60] =	vst v13;
	v14 =	vadd.f32 v12, v0;
	v10 =	vld [tilespmem:s9+$0xD0]  }
0x8a: {  	[tilespmem:s9+$0x70] =	vst v11;
	v13 =	vadd.f32 v15, v5;
	v11 =	vld [tilespmem:s9+$0xE0]  }
0x8b: {  	s9 =	sadd.s32 $0x200, s9;
	v12 =	vld [tilespmem:s8+$0xFFFFFF00];
	[tilespmem:s8+$0x80] =	vst v14;
	v14 =	vadd.f32 v16, v6  }
0x8c: {  	[tilespmem:s8+$0x90] =	vst v13;
	v4 =	vadd.f32 v8, v4  }
0x8d: {  	[tilespmem:s8+$0xA0] =	vst v14;
	v3 =	vadd.f32 v9, v3  }
0x8e: {  	[tilespmem:s8+$0xB0] =	vst v4;
	v2 =	vadd.f32 v10, v2  }
0x8f: {  	[tilespmem:s8+$0xC0] =	vst v3;
	v1 =	vadd.f32 v11, v1  }
0x90: {  	v0 =	vadd.f32 v12, v0;
	[tilespmem:s8+$0xD0] =	vst v2  }
0x91: {  	p0 =	seq.s32 s3, $0x0;
	[tilespmem:s8+$0xE0] =	vst v1  }
0x92: {  	[tilespmem:s8+$0xFFFFFF00] =	vst v0;
	s8 =	simm.s32 @!p0 $0x7  }
0x93: {  	[hbm4b:s5+s11] =	stream.indirect.scatter [tilespmem:s12], [sflag:$0x5], $0x80, s17, s11, $0xb8;
	[tilespmem:$0x1CA80] =	vst v63  }
0x94: {  	s15 =	sor.u32 $0x2, s4;
	_ =	swait.ge @!p0 [sflag:s8], $0x4000  }
0x95: {  	s9 =	sshll.u32 s15, $0x9;
	[sflag:s8] =	ssyncset.done @!p0 $0x0  }
0x96: {  	s14 =	sshrl.u32 s9, $0x2;
	[sflag:s8] =	ssyncadd.s32 @!p0 $0xFFFFC000  }
0x97: {  	[tilespmem:s18], [sflag:$0x3] =	stream.indirect.gather [hbm4b:s1+s11], $0x80, s14, s11, $0xb8;
	[tilespmem:$0x1CA80] =	vst v63  }
0x98: {  	_ =	swait.ge [sflag:s19], $0x4000  }
0x99: {  	[sflag:s19] =	ssyncset.done $0x0  }
0x9a: {  	[sflag:s19] =	ssyncadd.s32 $0xFFFFC000  }
0x9b: {  	v0 =	vld [tilespmem:$0xC800]  }
0x9c: {  	v1 =	vld [tilespmem:$0xC810]  }
0x9d: {  	v2 =	vld [tilespmem:$0xC820]  }
0x9e: {  	s8 =	sor.u32 $0x1, s4;
	v3 =	vld [tilespmem:$0xC830]  }
0x9f: {  	s26 =	sor.u32 s6, s8;
	v4 =	vld [tilespmem:$0xC840]  }
0xa0: {  	v5 =	vld [tilespmem:$0xC850];
	v0 =	vadd.s32 s26, v0  }
0xa1: {  	[tilespmem:$0x1C900] =	vst v0;
	v0 =	vadd.s32 s26, v1;
	v1 =	vld [tilespmem:$0xC860]  }
0xa2: {  	[tilespmem:$0x1C910] =	vst v0;
	v0 =	vadd.s32 s26, v2;
	v2 =	vld [tilespmem:$0xC870]  }
0xa3: {  	[tilespmem:$0x1C920] =	vst v0;
	v0 =	vadd.s32 s26, v3  }
0xa4: {  	[tilespmem:$0x1C930] =	vst v0;
	v0 =	vadd.s32 s26, v4  }
0xa5: {  	[tilespmem:$0x1C940] =	vst v0;
	v0 =	vadd.s32 s26, v5  }
0xa6: {  	[tilespmem:$0x1C950] =	vst v0;
	v0 =	vadd.s32 s26, v1  }
0xa7: {  	s8 =	sshll.u32 s8, $0x7;
	[tilespmem:$0x1C960] =	vst v0;
	v0 =	vadd.s32 s26, v2  }
0xa8: {  	s8 =	sand.u32 $0x3FFFFF80, s8;
	[tilespmem:$0x1C970] =	vst v0  }
0xa9: {  	v0 =	vld [tilespmem:s8+$0x6400]  }
0xaa: {  	v5 =	vld [tilespmem:s8+$0x6410]  }
0xab: {  	v6 =	vld [tilespmem:s8+$0x6420]  }
0xac: {  	v4 =	vld [tilespmem:s8+$0x6430]  }
0xad: {  	v3 =	vld [tilespmem:s8+$0x6440]  }
0xae: {  	v2 =	vld [tilespmem:s8+$0x6450]  }
0xaf: {  	v1 =	vld [tilespmem:s8+$0x6460]  }
0xb0: {  	v7 =	vld [tilespmem:s8+$0x6470];
	s8 =	simm.s32 $0x10880  }
0xb1: {  	v8 =	vld [tilespmem:s8+$0x1F0]  }
0xb2: {  	v9 =	vld [tilespmem:s8+$0x10]  }
0xb3: {  	v10 =	vld [tilespmem:s8+$0x20]  }
0xb4: {  	v11 =	vld [tilespmem:s8+$0x30]  }
0xb5: {  	v14 =	vld [tilespmem:s8+$0x60]  }
0xb6: {  	v12 =	vld [tilespmem:s8+$0x40]  }
0xb7: {  	v13 =	vld [tilespmem:s8+$0x50];
	v8 =	vadd.f32 v8, v7  }
0xb8: {  	v16 =	vld [tilespmem:s8+$0x80];
	v9 =	vadd.f32 v9, v5  }
0xb9: {  	v15 =	vld [tilespmem:s8+$0x70];
	v10 =	vadd.f32 v10, v6;
	[tilespmem:s8+$0x1F0] =	vst v8  }
0xba: {  	v62 =	vld [tilespmem:s8+$0xD0];
	v14 =	vadd.f32 v14, v1;
	[tilespmem:s8+$0x10] =	vst v9  }
0xbb: {  	v8 =	vld [tilespmem:s8+$0x90];
	[tilespmem:s8+$0x20] =	vst v10;
	v10 =	vadd.f32 v12, v3  }
0xbc: {  	v9 =	vadd.f32 v11, v4;
	[tilespmem:s8+$0x60] =	vst v14;
	v14 =	vld [tilespmem:s8+$0xF0]  }
0xbd: {  	v11 =	vld [tilespmem:s8+$0xA0];
	[tilespmem:s8+$0x40] =	vst v10;
	v10 =	vadd.f32 v16, v0  }
0xbe: {  	v12 =	vld [tilespmem:s8+$0xB0];
	[tilespmem:s8+$0x30] =	vst v9;
	v9 =	vadd.f32 v13, v2  }
0xbf: {  	v13 =	vld [tilespmem:s8+$0xC0];
	[tilespmem:s8+$0x80] =	vst v10;
	v10 =	vadd.f32 v15, v7  }
0xc0: {  	[tilespmem:s8+$0x50] =	vst v9;
	v9 =	vld [tilespmem:s8+$0xE0];
	v8 =	vadd.f32 v8, v5  }
0xc1: {  	v15 =	vld [tilespmem:s8+$0x130];
	v14 =	vadd.f32 v14, v7;
	[tilespmem:s8+$0x70] =	vst v10  }
0xc2: {  	v10 =	vadd.f32 v11, v6;
	v11 =	vld [tilespmem:s8+$0x100];
	[tilespmem:s8+$0x90] =	vst v8  }
0xc3: {  	v8 =	vadd.f32 v12, v4;
	v12 =	vld [tilespmem:s8+$0x110];
	[tilespmem:s8+$0xF0] =	vst v14  }
0xc4: {  	[tilespmem:s8+$0xA0] =	vst v10;
	v10 =	vadd.f32 v13, v3;
	v13 =	vld [tilespmem:s8+$0x120]  }
0xc5: {  	v14 =	vld [tilespmem:s8+$0x180];
	[tilespmem:s8+$0xB0] =	vst v8;
	v8 =	vadd.f32 v62, v2  }
0xc6: {  	v9 =	vadd.f32 v9, v1;
	[tilespmem:s8+$0xC0] =	vst v10;
	v10 =	vld [tilespmem:s8+$0x140]  }
0xc7: {  	[tilespmem:s8+$0xD0] =	vst v8;
	v8 =	vadd.f32 v11, v0  }
0xc8: {  	v11 =	vld [tilespmem:s8+$0x150];
	[tilespmem:s8+$0xE0] =	vst v9;
	v12 =	vadd.f32 v12, v5  }
0xc9: {  	v9 =	vld [tilespmem:s8+$0x160];
	[tilespmem:s8+$0x100] =	vst v8;
	v8 =	vadd.f32 v13, v6  }
0xca: {  	v14 =	vadd.f32 v14, v0;
	v13 =	vld [tilespmem:s8+$0x170];
	[tilespmem:s8+$0x110] =	vst v12  }
0xcb: {  	v12 =	vadd.f32 v15, v4;
	v15 =	vld [tilespmem:s8+$0x190];
	[tilespmem:s8+$0x120] =	vst v8;
	v8 =	vadd.f32 v10, v3  }
0xcc: {  	v63 =	vld [tilespmem:s8+$0x1A0];
	[tilespmem:s8+$0x180] =	vst v14  }
0xcd: {  	v10 =	vadd.f32 v11, v2;
	[tilespmem:s8+$0x140] =	vst v8;
	v8 =	vld [tilespmem:s8+$0x1B0]  }
0xce: {  	[tilespmem:s8+$0x130] =	vst v12;
	v11 =	vadd.f32 v9, v1;
	v9 =	vld [tilespmem:s8+$0x1C0]  }
0xcf: {  	[tilespmem:s8+$0x150] =	vst v10;
	v12 =	vadd.f32 v13, v7;
	v10 =	vld [tilespmem:s8+$0x1D0]  }
0xd0: {  	[tilespmem:s8+$0x160] =	vst v11;
	v11 =	vld [tilespmem:s8+$0x1E0];
	v13 =	vadd.f32 v15, v5  }
0xd1: {  	s9 =	simm.s32 $0x0;
	s26 =	simm.s32 $0x10A80;
	v14 =	vadd.f32 v63, v6;
	[tilespmem:s8+$0x170] =	vst v12;
	v12 =	vld [tilespmem:s8+$0x0]  }
.LBB2_5:
0xd2: {  	v15 =	vld [tilespmem:s26+$0x1F0];
	s9 =	sadd.s32 $0x4, s9;
	[tilespmem:s8+$0x190] =	vst v13;
	v8 =	vadd.f32 v8, v4  }
0xd3: {  	v13 =	vld [tilespmem:s26+$0x10];
	p1 =	slt.u32 s9, $0x7C;
	[tilespmem:s8+$0x1A0] =	vst v14;
	v9 =	vadd.f32 v9, v3  }
0xd4: {  	v14 =	vld [tilespmem:s26+$0x20];
	[tilespmem:s8+$0x1B0] =	vst v8;
	v8 =	vadd.f32 v10, v2  }
0xd5: {  	v10 =	vld [tilespmem:s26+$0x30];
	[tilespmem:s8+$0x1C0] =	vst v9;
	v9 =	vadd.f32 v11, v1  }
0xd6: {  	v11 =	vld [tilespmem:s26+$0x40];
	v12 =	vadd.f32 v12, v0;
	[tilespmem:s8+$0x1D0] =	vst v8  }
0xd7: {  	v8 =	vld [tilespmem:s26+$0x50];
	v15 =	vadd.f32 v15, v7;
	[tilespmem:s8+$0x1E0] =	vst v9  }
0xd8: {  	v9 =	vadd.f32 v13, v5;
	v13 =	vld [tilespmem:s26+$0x60];
	[tilespmem:s8+$0x0] =	vst v12;
	s8 =	smov.u32 s26  }
0xd9: {  	v12 =	vadd.f32 v14, v6;
	v14 =	vld [tilespmem:s26+$0x70];
	[tilespmem:s26+$0x1F0] =	vst v15  }
0xda: {  	[tilespmem:s26+$0x10] =	vst v9;
	v9 =	vadd.f32 v10, v4;
	v10 =	vld [tilespmem:s26+$0x80]  }
0xdb: {  	[tilespmem:s26+$0x20] =	vst v12;
	v11 =	vadd.f32 v11, v3;
	v12 =	vld [tilespmem:s26+$0x90]  }
0xdc: {  	[tilespmem:s26+$0x30] =	vst v9;
	v8 =	vadd.f32 v8, v2;
	v9 =	vld [tilespmem:s26+$0xA0]  }
0xdd: {  	[tilespmem:s26+$0x40] =	vst v11;
	v11 =	vadd.f32 v13, v1;
	v13 =	vld [tilespmem:s26+$0xB0]  }
0xde: {  	[tilespmem:s26+$0x50] =	vst v8;
	v8 =	vadd.f32 v14, v7;
	v14 =	vld [tilespmem:s26+$0xC0]  }
0xdf: {  	[tilespmem:s26+$0x60] =	vst v11;
	v10 =	vadd.f32 v10, v0;
	v11 =	vld [tilespmem:s26+$0xD0]  }
0xe0: {  	[tilespmem:s26+$0x70] =	vst v8;
	v8 =	vadd.f32 v12, v5;
	v12 =	vld [tilespmem:s26+$0xE0]  }
0xe1: {  	[tilespmem:s26+$0x80] =	vst v10;
	v9 =	vadd.f32 v9, v6;
	v10 =	vld [tilespmem:s26+$0xF0]  }
0xe2: {  	[tilespmem:s26+$0x90] =	vst v8;
	v8 =	vadd.f32 v13, v4;
	v13 =	vld [tilespmem:s26+$0x100]  }
0xe3: {  	[tilespmem:s26+$0xA0] =	vst v9;
	v9 =	vadd.f32 v14, v3;
	v14 =	vld [tilespmem:s26+$0x110]  }
0xe4: {  	[tilespmem:s26+$0xB0] =	vst v8;
	v8 =	vadd.f32 v11, v2;
	v11 =	vld [tilespmem:s26+$0x120]  }
0xe5: {  	[tilespmem:s26+$0xC0] =	vst v9;
	v9 =	vadd.f32 v12, v1;
	v12 =	vld [tilespmem:s26+$0x130]  }
0xe6: {  	[tilespmem:s26+$0xD0] =	vst v8;
	v8 =	vadd.f32 v10, v7;
	v10 =	vld [tilespmem:s26+$0x140]  }
0xe7: {  	[tilespmem:s26+$0xE0] =	vst v9;
	v9 =	vadd.f32 v13, v0;
	v13 =	vld [tilespmem:s26+$0x150]  }
0xe8: {  	[tilespmem:s26+$0xF0] =	vst v8;
	v8 =	vadd.f32 v14, v5;
	v14 =	vld [tilespmem:s26+$0x160]  }
0xe9: {  	[tilespmem:s26+$0x100] =	vst v9;
	v9 =	vadd.f32 v11, v6;
	v11 =	vld [tilespmem:s26+$0x170]  }
0xea: {  	[tilespmem:s26+$0x110] =	vst v8;
	v8 =	vadd.f32 v12, v4;
	v12 =	vld [tilespmem:s26+$0x180]  }
0xeb: {  	[tilespmem:s26+$0x120] =	vst v9;
	v9 =	vadd.f32 v10, v3;
	v15 =	vld [tilespmem:s26+$0x190]  }
0xec: {  	[tilespmem:s26+$0x130] =	vst v8;
	v10 =	vadd.f32 v13, v2;
	v16 =	vld [tilespmem:s26+$0x1A0]  }
.Ltmp3:
0xed: {  	[tilespmem:s26+$0x140] =	vst v9;
	v13 =	vadd.f32 v14, v1;
	v8 =	vld [tilespmem:s26+$0x1B0];
	(pc) =	sbr.rel @p1 .LBB2_5-.Ltmp3, $4  }
0xee: {  	[tilespmem:s26+$0x150] =	vst v10;
	v11 =	vadd.f32 v11, v7;
	v9 =	vld [tilespmem:s26+$0x1C0]  }
0xef: {  	[tilespmem:s26+$0x160] =	vst v13;
	v14 =	vadd.f32 v12, v0;
	v10 =	vld [tilespmem:s26+$0x1D0]  }
0xf0: {  	[tilespmem:s26+$0x170] =	vst v11;
	v13 =	vadd.f32 v15, v5;
	v11 =	vld [tilespmem:s26+$0x1E0]  }
0xf1: {  	s26 =	sadd.s32 $0x200, s26;
	v12 =	vld [tilespmem:s8+$0x0];
	[tilespmem:s8+$0x180] =	vst v14;
	v14 =	vadd.f32 v16, v6  }
0xf2: {  	[tilespmem:s8+$0x190] =	vst v13;
	v4 =	vadd.f32 v8, v4  }
0xf3: {  	[tilespmem:s8+$0x1A0] =	vst v14;
	v3 =	vadd.f32 v9, v3  }
0xf4: {  	[tilespmem:s8+$0x1B0] =	vst v4;
	v2 =	vadd.f32 v10, v2  }
0xf5: {  	[tilespmem:s8+$0x1C0] =	vst v3;
	v1 =	vadd.f32 v11, v1  }
0xf6: {  	v0 =	vadd.f32 v12, v0;
	[tilespmem:s8+$0x1D0] =	vst v2  }
0xf7: {  	[tilespmem:s8+$0x1E0] =	vst v1  }
0xf8: {  	s9 =	simm.s32 @!p0 $0x8;
	[tilespmem:s8+$0x0] =	vst v0  }
0xf9: {  	[hbm4b:s5+s11] =	stream.indirect.scatter [tilespmem:s13], [sflag:$0x6], $0x80, s20, s11, $0xb8;
	[tilespmem:$0x1CA80] =	vst v63  }
0xfa: {  	s8 =	sor.u32 $0x3, s4;
	_ =	swait.ge @!p0 [sflag:s9], $0x4000  }
0xfb: {  	s4 =	sshll.u32 s8, $0x9;
	[sflag:s9] =	ssyncset.done @!p0 $0x0  }
0xfc: {  	s4 =	sshrl.u32 s4, $0x2;
	[sflag:s9] =	ssyncadd.s32 @!p0 $0xFFFFC000  }
0xfd: {  	[tilespmem:s21], [sflag:$0x4] =	stream.indirect.gather [hbm4b:s1+s11], $0x80, s4, s11, $0xb8;
	[tilespmem:$0x1CA80] =	vst v63  }
0xfe: {  	_ =	swait.ge [sflag:s22], $0x4000  }
0xff: {  	[sflag:s22] =	ssyncset.done $0x0  }
0x100: {  	[sflag:s22] =	ssyncadd.s32 $0xFFFFC000  }
0x101: {  	v0 =	vld [tilespmem:$0xC800]  }
0x102: {  	v1 =	vld [tilespmem:$0xC810]  }
0x103: {  	v2 =	vld [tilespmem:$0xC820]  }
0x104: {  	v3 =	vld [tilespmem:$0xC830]  }
0x105: {  	s26 =	sor.u32 s6, s15;
	v4 =	vld [tilespmem:$0xC840]  }
0x106: {  	v5 =	vld [tilespmem:$0xC850];
	v0 =	vadd.s32 s26, v0  }
0x107: {  	[tilespmem:$0x1C980] =	vst v0;
	v0 =	vadd.s32 s26, v1;
	v1 =	vld [tilespmem:$0xC860]  }
0x108: {  	[tilespmem:$0x1C990] =	vst v0;
	v0 =	vadd.s32 s26, v2;
	v2 =	vld [tilespmem:$0xC870]  }
0x109: {  	[tilespmem:$0x1C9A0] =	vst v0;
	v0 =	vadd.s32 s26, v3  }
0x10a: {  	[tilespmem:$0x1C9B0] =	vst v0;
	v0 =	vadd.s32 s26, v4  }
0x10b: {  	[tilespmem:$0x1C9C0] =	vst v0;
	v0 =	vadd.s32 s26, v5  }
0x10c: {  	[tilespmem:$0x1C9D0] =	vst v0;
	v0 =	vadd.s32 s26, v1  }
0x10d: {  	[tilespmem:$0x1C9E0] =	vst v0;
	v0 =	vadd.s32 s26, v2  }
0x10e: {  	[tilespmem:$0x1C9F0] =	vst v0  }
0x10f: {  	v0 =	vld [tilespmem:s14+$0x6400]  }
0x110: {  	v5 =	vld [tilespmem:s14+$0x6410]  }
0x111: {  	v6 =	vld [tilespmem:s14+$0x6420]  }
0x112: {  	v4 =	vld [tilespmem:s14+$0x6430]  }
0x113: {  	v3 =	vld [tilespmem:s14+$0x6440]  }
0x114: {  	v2 =	vld [tilespmem:s14+$0x6450]  }
0x115: {  	v1 =	vld [tilespmem:s14+$0x6460]  }
0x116: {  	v7 =	vld [tilespmem:s14+$0x6470];
	s14 =	simm.s32 $0x14880  }
0x117: {  	v8 =	vld [tilespmem:s14+$0x1F0]  }
0x118: {  	v9 =	vld [tilespmem:s14+$0x10]  }
0x119: {  	v10 =	vld [tilespmem:s14+$0x20]  }
0x11a: {  	v11 =	vld [tilespmem:s14+$0x30]  }
0x11b: {  	v14 =	vld [tilespmem:s14+$0x60]  }
0x11c: {  	v12 =	vld [tilespmem:s14+$0x40]  }
0x11d: {  	v13 =	vld [tilespmem:s14+$0x50];
	v8 =	vadd.f32 v8, v7  }
0x11e: {  	v16 =	vld [tilespmem:s14+$0x80];
	v9 =	vadd.f32 v9, v5  }
0x11f: {  	v15 =	vld [tilespmem:s14+$0x70];
	v10 =	vadd.f32 v10, v6;
	[tilespmem:s14+$0x1F0] =	vst v8  }
0x120: {  	v62 =	vld [tilespmem:s14+$0xD0];
	v14 =	vadd.f32 v14, v1;
	[tilespmem:s14+$0x10] =	vst v9  }
0x121: {  	v8 =	vld [tilespmem:s14+$0x90];
	[tilespmem:s14+$0x20] =	vst v10;
	v10 =	vadd.f32 v12, v3  }
0x122: {  	v9 =	vadd.f32 v11, v4;
	[tilespmem:s14+$0x60] =	vst v14;
	v14 =	vld [tilespmem:s14+$0xF0]  }
0x123: {  	v11 =	vld [tilespmem:s14+$0xA0];
	[tilespmem:s14+$0x40] =	vst v10;
	v10 =	vadd.f32 v16, v0  }
0x124: {  	v12 =	vld [tilespmem:s14+$0xB0];
	[tilespmem:s14+$0x30] =	vst v9;
	v9 =	vadd.f32 v13, v2  }
0x125: {  	v13 =	vld [tilespmem:s14+$0xC0];
	[tilespmem:s14+$0x80] =	vst v10;
	v10 =	vadd.f32 v15, v7  }
0x126: {  	[tilespmem:s14+$0x50] =	vst v9;
	v9 =	vld [tilespmem:s14+$0xE0];
	v8 =	vadd.f32 v8, v5  }
0x127: {  	v15 =	vld [tilespmem:s14+$0x130];
	v14 =	vadd.f32 v14, v7;
	[tilespmem:s14+$0x70] =	vst v10  }
0x128: {  	v10 =	vadd.f32 v11, v6;
	v11 =	vld [tilespmem:s14+$0x100];
	[tilespmem:s14+$0x90] =	vst v8  }
0x129: {  	v8 =	vadd.f32 v12, v4;
	v12 =	vld [tilespmem:s14+$0x110];
	[tilespmem:s14+$0xF0] =	vst v14  }
0x12a: {  	[tilespmem:s14+$0xA0] =	vst v10;
	v10 =	vadd.f32 v13, v3;
	v13 =	vld [tilespmem:s14+$0x120]  }
0x12b: {  	v14 =	vld [tilespmem:s14+$0x180];
	[tilespmem:s14+$0xB0] =	vst v8;
	v8 =	vadd.f32 v62, v2  }
0x12c: {  	v9 =	vadd.f32 v9, v1;
	[tilespmem:s14+$0xC0] =	vst v10;
	v10 =	vld [tilespmem:s14+$0x140]  }
0x12d: {  	[tilespmem:s14+$0xD0] =	vst v8;
	v8 =	vadd.f32 v11, v0  }
0x12e: {  	v11 =	vld [tilespmem:s14+$0x150];
	[tilespmem:s14+$0xE0] =	vst v9;
	v12 =	vadd.f32 v12, v5  }
0x12f: {  	v9 =	vld [tilespmem:s14+$0x160];
	[tilespmem:s14+$0x100] =	vst v8;
	v8 =	vadd.f32 v13, v6  }
0x130: {  	v14 =	vadd.f32 v14, v0;
	v13 =	vld [tilespmem:s14+$0x170];
	[tilespmem:s14+$0x110] =	vst v12  }
0x131: {  	v12 =	vadd.f32 v15, v4;
	v15 =	vld [tilespmem:s14+$0x190];
	[tilespmem:s14+$0x120] =	vst v8;
	v8 =	vadd.f32 v10, v3  }
0x132: {  	v63 =	vld [tilespmem:s14+$0x1A0];
	[tilespmem:s14+$0x180] =	vst v14  }
0x133: {  	v10 =	vadd.f32 v11, v2;
	[tilespmem:s14+$0x140] =	vst v8;
	v8 =	vld [tilespmem:s14+$0x1B0]  }
0x134: {  	[tilespmem:s14+$0x130] =	vst v12;
	v11 =	vadd.f32 v9, v1;
	v9 =	vld [tilespmem:s14+$0x1C0]  }
0x135: {  	[tilespmem:s14+$0x150] =	vst v10;
	v12 =	vadd.f32 v13, v7;
	v10 =	vld [tilespmem:s14+$0x1D0]  }
0x136: {  	[tilespmem:s14+$0x160] =	vst v11;
	v11 =	vld [tilespmem:s14+$0x1E0];
	v13 =	vadd.f32 v15, v5  }
0x137: {  	s15 =	simm.s32 $0x14A80;
	s9 =	simm.s32 $0x0;
	v14 =	vadd.f32 v63, v6;
	[tilespmem:s14+$0x170] =	vst v12;
	v12 =	vld [tilespmem:s14+$0x0]  }
.LBB2_7:
0x138: {  	v15 =	vld [tilespmem:s15+$0x1F0];
	s9 =	sadd.s32 $0x4, s9;
	[tilespmem:s14+$0x190] =	vst v13;
	v8 =	vadd.f32 v8, v4  }
0x139: {  	v13 =	vld [tilespmem:s15+$0x10];
	p0 =	slt.u32 s9, $0x7C;
	[tilespmem:s14+$0x1A0] =	vst v14;
	v9 =	vadd.f32 v9, v3  }
0x13a: {  	v14 =	vld [tilespmem:s15+$0x20];
	[tilespmem:s14+$0x1B0] =	vst v8;
	v8 =	vadd.f32 v10, v2  }
0x13b: {  	v10 =	vld [tilespmem:s15+$0x30];
	[tilespmem:s14+$0x1C0] =	vst v9;
	v9 =	vadd.f32 v11, v1  }
0x13c: {  	v11 =	vld [tilespmem:s15+$0x40];
	v12 =	vadd.f32 v12, v0;
	[tilespmem:s14+$0x1D0] =	vst v8  }
0x13d: {  	v8 =	vld [tilespmem:s15+$0x50];
	v15 =	vadd.f32 v15, v7;
	[tilespmem:s14+$0x1E0] =	vst v9  }
0x13e: {  	v9 =	vadd.f32 v13, v5;
	v13 =	vld [tilespmem:s15+$0x60];
	[tilespmem:s14+$0x0] =	vst v12;
	s14 =	smov.u32 s15  }
0x13f: {  	v12 =	vadd.f32 v14, v6;
	v14 =	vld [tilespmem:s15+$0x70];
	[tilespmem:s15+$0x1F0] =	vst v15  }
0x140: {  	[tilespmem:s15+$0x10] =	vst v9;
	v9 =	vadd.f32 v10, v4;
	v10 =	vld [tilespmem:s15+$0x80]  }
0x141: {  	[tilespmem:s15+$0x20] =	vst v12;
	v11 =	vadd.f32 v11, v3;
	v12 =	vld [tilespmem:s15+$0x90]  }
0x142: {  	[tilespmem:s15+$0x30] =	vst v9;
	v8 =	vadd.f32 v8, v2;
	v9 =	vld [tilespmem:s15+$0xA0]  }
0x143: {  	[tilespmem:s15+$0x40] =	vst v11;
	v11 =	vadd.f32 v13, v1;
	v13 =	vld [tilespmem:s15+$0xB0]  }
0x144: {  	[tilespmem:s15+$0x50] =	vst v8;
	v8 =	vadd.f32 v14, v7;
	v14 =	vld [tilespmem:s15+$0xC0]  }
0x145: {  	[tilespmem:s15+$0x60] =	vst v11;
	v10 =	vadd.f32 v10, v0;
	v11 =	vld [tilespmem:s15+$0xD0]  }
0x146: {  	[tilespmem:s15+$0x70] =	vst v8;
	v8 =	vadd.f32 v12, v5;
	v12 =	vld [tilespmem:s15+$0xE0]  }
0x147: {  	[tilespmem:s15+$0x80] =	vst v10;
	v9 =	vadd.f32 v9, v6;
	v10 =	vld [tilespmem:s15+$0xF0]  }
0x148: {  	[tilespmem:s15+$0x90] =	vst v8;
	v8 =	vadd.f32 v13, v4;
	v13 =	vld [tilespmem:s15+$0x100]  }
0x149: {  	[tilespmem:s15+$0xA0] =	vst v9;
	v9 =	vadd.f32 v14, v3;
	v14 =	vld [tilespmem:s15+$0x110]  }
0x14a: {  	[tilespmem:s15+$0xB0] =	vst v8;
	v8 =	vadd.f32 v11, v2;
	v11 =	vld [tilespmem:s15+$0x120]  }
0x14b: {  	[tilespmem:s15+$0xC0] =	vst v9;
	v9 =	vadd.f32 v12, v1;
	v12 =	vld [tilespmem:s15+$0x130]  }
0x14c: {  	[tilespmem:s15+$0xD0] =	vst v8;
	v8 =	vadd.f32 v10, v7;
	v10 =	vld [tilespmem:s15+$0x140]  }
0x14d: {  	[tilespmem:s15+$0xE0] =	vst v9;
	v9 =	vadd.f32 v13, v0;
	v13 =	vld [tilespmem:s15+$0x150]  }
0x14e: {  	[tilespmem:s15+$0xF0] =	vst v8;
	v8 =	vadd.f32 v14, v5;
	v14 =	vld [tilespmem:s15+$0x160]  }
0x14f: {  	[tilespmem:s15+$0x100] =	vst v9;
	v9 =	vadd.f32 v11, v6;
	v11 =	vld [tilespmem:s15+$0x170]  }
0x150: {  	[tilespmem:s15+$0x110] =	vst v8;
	v8 =	vadd.f32 v12, v4;
	v12 =	vld [tilespmem:s15+$0x180]  }
0x151: {  	[tilespmem:s15+$0x120] =	vst v9;
	v9 =	vadd.f32 v10, v3;
	v15 =	vld [tilespmem:s15+$0x190]  }
0x152: {  	[tilespmem:s15+$0x130] =	vst v8;
	v10 =	vadd.f32 v13, v2;
	v16 =	vld [tilespmem:s15+$0x1A0]  }
.Ltmp4:
0x153: {  	[tilespmem:s15+$0x140] =	vst v9;
	v13 =	vadd.f32 v14, v1;
	v8 =	vld [tilespmem:s15+$0x1B0];
	(pc) =	sbr.rel @p0 .LBB2_7-.Ltmp4, $4  }
0x154: {  	[tilespmem:s15+$0x150] =	vst v10;
	v11 =	vadd.f32 v11, v7;
	v9 =	vld [tilespmem:s15+$0x1C0]  }
0x155: {  	[tilespmem:s15+$0x160] =	vst v13;
	v14 =	vadd.f32 v12, v0;
	v10 =	vld [tilespmem:s15+$0x1D0]  }
0x156: {  	[tilespmem:s15+$0x170] =	vst v11;
	v13 =	vadd.f32 v15, v5;
	v11 =	vld [tilespmem:s15+$0x1E0]  }
0x157: {  	s15 =	sadd.s32 $0x200, s15;
	v12 =	vld [tilespmem:s14+$0x0];
	[tilespmem:s14+$0x180] =	vst v14;
	v14 =	vadd.f32 v16, v6  }
0x158: {  	[tilespmem:s14+$0x190] =	vst v13;
	v4 =	vadd.f32 v8, v4  }
0x159: {  	[tilespmem:s14+$0x1A0] =	vst v14;
	v3 =	vadd.f32 v9, v3  }
0x15a: {  	[tilespmem:s14+$0x1B0] =	vst v4;
	v2 =	vadd.f32 v10, v2  }
0x15b: {  	[tilespmem:s14+$0x1C0] =	vst v3;
	v1 =	vadd.f32 v11, v1  }
0x15c: {  	v0 =	vadd.f32 v12, v0;
	[tilespmem:s14+$0x1D0] =	vst v2  }
0x15d: {  	p0 =	seq.s32 s3, $0x31;
	[tilespmem:s14+$0x1E0] =	vst v1  }
0x15e: {  	s9 =	simm.s32 @!p0 $0x5;
	[tilespmem:s14+$0x0] =	vst v0  }
0x15f: {  	[hbm4b:s5+s11] =	stream.indirect.scatter [tilespmem:s18], [sflag:$0x7], $0x80, s23, s11, $0xb8;
	[tilespmem:$0x1CA80] =	vst v63  }
0x160: {  	s2 =	sshrl.u32 @!p0 s2, $0x2;
	_ =	swait.ge @!p0 [sflag:s9], $0x4000  }
0x161: {  	s2 =	sadd.s32 @!p0 $0x200, s2;
	[sflag:s9] =	ssyncset.done @!p0 $0x0  }
0x162: {  	s14 =	simm.s32 @!p0 $0xC880;
	[sflag:s9] =	ssyncadd.s32 @!p0 $0xFFFFC000;
	s9 =	simm.s32 @!p0 $0x80  }
0x163: {  	[tilespmem:s14], [sflag:$0x1] =	stream.indirect.gather @!p0 [hbm4b:s1+s9], $0x80, s2, s9, $0xb8;
	[tilespmem:$0x1CA80] =	vst v63  }
0x164: {  	_ =	swait.ge [sflag:s24], $0x4000  }
0x165: {  	[sflag:s24] =	ssyncset.done $0x0  }
0x166: {  	[sflag:s24] =	ssyncadd.s32 $0xFFFFC000  }
0x167: {  	v0 =	vld [tilespmem:$0xC800]  }
0x168: {  	v1 =	vld [tilespmem:$0xC810]  }
0x169: {  	v2 =	vld [tilespmem:$0xC820]  }
0x16a: {  	v3 =	vld [tilespmem:$0xC830]  }
0x16b: {  	s26 =	sor.u32 s6, s8;
	v4 =	vld [tilespmem:$0xC840]  }
0x16c: {  	v5 =	vld [tilespmem:$0xC850];
	v0 =	vadd.s32 s26, v0  }
0x16d: {  	[tilespmem:$0x1CA00] =	vst v0;
	v0 =	vadd.s32 s26, v1;
	v1 =	vld [tilespmem:$0xC860]  }
0x16e: {  	[tilespmem:$0x1CA10] =	vst v0;
	v0 =	vadd.s32 s26, v2;
	v2 =	vld [tilespmem:$0xC870]  }
0x16f: {  	[tilespmem:$0x1CA20] =	vst v0;
	v0 =	vadd.s32 s26, v3  }
0x170: {  	[tilespmem:$0x1CA30] =	vst v0;
	v0 =	vadd.s32 s26, v4  }
0x171: {  	[tilespmem:$0x1CA40] =	vst v0;
	v0 =	vadd.s32 s26, v5  }
0x172: {  	[tilespmem:$0x1CA50] =	vst v0;
	v0 =	vadd.s32 s26, v1  }
0x173: {  	[tilespmem:$0x1CA60] =	vst v0;
	v0 =	vadd.s32 s26, v2  }
0x174: {  	[tilespmem:$0x1CA70] =	vst v0  }
0x175: {  	v0 =	vld [tilespmem:s4+$0x6400]  }
0x176: {  	v5 =	vld [tilespmem:s4+$0x6410]  }
0x177: {  	v6 =	vld [tilespmem:s4+$0x6420]  }
0x178: {  	v4 =	vld [tilespmem:s4+$0x6430]  }
0x179: {  	v3 =	vld [tilespmem:s4+$0x6440]  }
0x17a: {  	v2 =	vld [tilespmem:s4+$0x6450]  }
0x17b: {  	v1 =	vld [tilespmem:s4+$0x6460]  }
0x17c: {  	s2 =	simm.s32 $0x18880;
	v7 =	vld [tilespmem:s4+$0x6470]  }
0x17d: {  	v8 =	vld [tilespmem:s2+$0x1F0]  }
0x17e: {  	v9 =	vld [tilespmem:s2+$0x10]  }
0x17f: {  	v10 =	vld [tilespmem:s2+$0x20]  }
0x180: {  	v11 =	vld [tilespmem:s2+$0x30]  }
0x181: {  	v14 =	vld [tilespmem:s2+$0x60]  }
0x182: {  	v12 =	vld [tilespmem:s2+$0x40]  }
0x183: {  	v13 =	vld [tilespmem:s2+$0x50];
	v8 =	vadd.f32 v8, v7  }
0x184: {  	v16 =	vld [tilespmem:s2+$0x80];
	v9 =	vadd.f32 v9, v5  }
0x185: {  	v15 =	vld [tilespmem:s2+$0x70];
	v10 =	vadd.f32 v10, v6;
	[tilespmem:s2+$0x1F0] =	vst v8  }
0x186: {  	v62 =	vld [tilespmem:s2+$0xD0];
	v14 =	vadd.f32 v14, v1;
	[tilespmem:s2+$0x10] =	vst v9  }
0x187: {  	v8 =	vld [tilespmem:s2+$0x90];
	[tilespmem:s2+$0x20] =	vst v10;
	v10 =	vadd.f32 v12, v3  }
0x188: {  	v9 =	vadd.f32 v11, v4;
	[tilespmem:s2+$0x60] =	vst v14;
	v14 =	vld [tilespmem:s2+$0xF0]  }
0x189: {  	v11 =	vld [tilespmem:s2+$0xA0];
	[tilespmem:s2+$0x40] =	vst v10;
	v10 =	vadd.f32 v16, v0  }
0x18a: {  	v12 =	vld [tilespmem:s2+$0xB0];
	[tilespmem:s2+$0x30] =	vst v9;
	v9 =	vadd.f32 v13, v2  }
0x18b: {  	v13 =	vld [tilespmem:s2+$0xC0];
	[tilespmem:s2+$0x80] =	vst v10;
	v10 =	vadd.f32 v15, v7  }
0x18c: {  	[tilespmem:s2+$0x50] =	vst v9;
	v9 =	vld [tilespmem:s2+$0xE0];
	v8 =	vadd.f32 v8, v5  }
0x18d: {  	v15 =	vld [tilespmem:s2+$0x130];
	v14 =	vadd.f32 v14, v7;
	[tilespmem:s2+$0x70] =	vst v10  }
0x18e: {  	v10 =	vadd.f32 v11, v6;
	v11 =	vld [tilespmem:s2+$0x100];
	[tilespmem:s2+$0x90] =	vst v8  }
0x18f: {  	v8 =	vadd.f32 v12, v4;
	v12 =	vld [tilespmem:s2+$0x110];
	[tilespmem:s2+$0xF0] =	vst v14  }
0x190: {  	[tilespmem:s2+$0xA0] =	vst v10;
	v10 =	vadd.f32 v13, v3;
	v13 =	vld [tilespmem:s2+$0x120]  }
0x191: {  	v14 =	vld [tilespmem:s2+$0x180];
	[tilespmem:s2+$0xB0] =	vst v8;
	v8 =	vadd.f32 v62, v2  }
0x192: {  	v9 =	vadd.f32 v9, v1;
	[tilespmem:s2+$0xC0] =	vst v10;
	v10 =	vld [tilespmem:s2+$0x140]  }
0x193: {  	[tilespmem:s2+$0xD0] =	vst v8;
	v8 =	vadd.f32 v11, v0  }
0x194: {  	v11 =	vld [tilespmem:s2+$0x150];
	[tilespmem:s2+$0xE0] =	vst v9;
	v12 =	vadd.f32 v12, v5  }
0x195: {  	v9 =	vld [tilespmem:s2+$0x160];
	[tilespmem:s2+$0x100] =	vst v8;
	v8 =	vadd.f32 v13, v6  }
0x196: {  	v14 =	vadd.f32 v14, v0;
	v13 =	vld [tilespmem:s2+$0x170];
	[tilespmem:s2+$0x110] =	vst v12  }
0x197: {  	v12 =	vadd.f32 v15, v4;
	v15 =	vld [tilespmem:s2+$0x190];
	[tilespmem:s2+$0x120] =	vst v8;
	v8 =	vadd.f32 v10, v3  }
0x198: {  	v63 =	vld [tilespmem:s2+$0x1A0];
	[tilespmem:s2+$0x180] =	vst v14  }
0x199: {  	v10 =	vadd.f32 v11, v2;
	[tilespmem:s2+$0x140] =	vst v8;
	v8 =	vld [tilespmem:s2+$0x1B0]  }
0x19a: {  	[tilespmem:s2+$0x130] =	vst v12;
	v11 =	vadd.f32 v9, v1;
	v9 =	vld [tilespmem:s2+$0x1C0]  }
0x19b: {  	[tilespmem:s2+$0x150] =	vst v10;
	v12 =	vadd.f32 v13, v7;
	v10 =	vld [tilespmem:s2+$0x1D0]  }
0x19c: {  	[tilespmem:s2+$0x160] =	vst v11;
	v11 =	vld [tilespmem:s2+$0x1E0];
	v13 =	vadd.f32 v15, v5  }
0x19d: {  	s8 =	simm.s32 $0x18A80;
	s4 =	simm.s32 $0x0;
	v14 =	vadd.f32 v63, v6;
	[tilespmem:s2+$0x170] =	vst v12;
	v12 =	vld [tilespmem:s2+$0x0]  }
.LBB2_9:
0x19e: {  	v15 =	vld [tilespmem:s8+$0x1F0];
	s4 =	sadd.s32 $0x4, s4;
	[tilespmem:s2+$0x190] =	vst v13;
	v8 =	vadd.f32 v8, v4  }
0x19f: {  	v13 =	vld [tilespmem:s8+$0x10];
	p1 =	slt.u32 s4, $0x7C;
	[tilespmem:s2+$0x1A0] =	vst v14;
	v9 =	vadd.f32 v9, v3  }
0x1a0: {  	v14 =	vld [tilespmem:s8+$0x20];
	[tilespmem:s2+$0x1B0] =	vst v8;
	v8 =	vadd.f32 v10, v2  }
0x1a1: {  	v10 =	vld [tilespmem:s8+$0x30];
	[tilespmem:s2+$0x1C0] =	vst v9;
	v9 =	vadd.f32 v11, v1  }
0x1a2: {  	v11 =	vld [tilespmem:s8+$0x40];
	v12 =	vadd.f32 v12, v0;
	[tilespmem:s2+$0x1D0] =	vst v8  }
0x1a3: {  	v8 =	vld [tilespmem:s8+$0x50];
	v15 =	vadd.f32 v15, v7;
	[tilespmem:s2+$0x1E0] =	vst v9  }
0x1a4: {  	v9 =	vadd.f32 v13, v5;
	v13 =	vld [tilespmem:s8+$0x60];
	[tilespmem:s2+$0x0] =	vst v12;
	s2 =	smov.u32 s8  }
0x1a5: {  	v12 =	vadd.f32 v14, v6;
	v14 =	vld [tilespmem:s8+$0x70];
	[tilespmem:s8+$0x1F0] =	vst v15  }
0x1a6: {  	[tilespmem:s8+$0x10] =	vst v9;
	v9 =	vadd.f32 v10, v4;
	v10 =	vld [tilespmem:s8+$0x80]  }
0x1a7: {  	[tilespmem:s8+$0x20] =	vst v12;
	v11 =	vadd.f32 v11, v3;
	v12 =	vld [tilespmem:s8+$0x90]  }
0x1a8: {  	[tilespmem:s8+$0x30] =	vst v9;
	v8 =	vadd.f32 v8, v2;
	v9 =	vld [tilespmem:s8+$0xA0]  }
0x1a9: {  	[tilespmem:s8+$0x40] =	vst v11;
	v11 =	vadd.f32 v13, v1;
	v13 =	vld [tilespmem:s8+$0xB0]  }
0x1aa: {  	[tilespmem:s8+$0x50] =	vst v8;
	v8 =	vadd.f32 v14, v7;
	v14 =	vld [tilespmem:s8+$0xC0]  }
0x1ab: {  	[tilespmem:s8+$0x60] =	vst v11;
	v10 =	vadd.f32 v10, v0;
	v11 =	vld [tilespmem:s8+$0xD0]  }
0x1ac: {  	[tilespmem:s8+$0x70] =	vst v8;
	v8 =	vadd.f32 v12, v5;
	v12 =	vld [tilespmem:s8+$0xE0]  }
0x1ad: {  	[tilespmem:s8+$0x80] =	vst v10;
	v9 =	vadd.f32 v9, v6;
	v10 =	vld [tilespmem:s8+$0xF0]  }
0x1ae: {  	[tilespmem:s8+$0x90] =	vst v8;
	v8 =	vadd.f32 v13, v4;
	v13 =	vld [tilespmem:s8+$0x100]  }
0x1af: {  	[tilespmem:s8+$0xA0] =	vst v9;
	v9 =	vadd.f32 v14, v3;
	v14 =	vld [tilespmem:s8+$0x110]  }
0x1b0: {  	[tilespmem:s8+$0xB0] =	vst v8;
	v8 =	vadd.f32 v11, v2;
	v11 =	vld [tilespmem:s8+$0x120]  }
0x1b1: {  	[tilespmem:s8+$0xC0] =	vst v9;
	v9 =	vadd.f32 v12, v1;
	v12 =	vld [tilespmem:s8+$0x130]  }
0x1b2: {  	[tilespmem:s8+$0xD0] =	vst v8;
	v8 =	vadd.f32 v10, v7;
	v10 =	vld [tilespmem:s8+$0x140]  }
0x1b3: {  	[tilespmem:s8+$0xE0] =	vst v9;
	v9 =	vadd.f32 v13, v0;
	v13 =	vld [tilespmem:s8+$0x150]  }
0x1b4: {  	[tilespmem:s8+$0xF0] =	vst v8;
	v8 =	vadd.f32 v14, v5;
	v14 =	vld [tilespmem:s8+$0x160]  }
0x1b5: {  	[tilespmem:s8+$0x100] =	vst v9;
	v9 =	vadd.f32 v11, v6;
	v11 =	vld [tilespmem:s8+$0x170]  }
0x1b6: {  	[tilespmem:s8+$0x110] =	vst v8;
	v8 =	vadd.f32 v12, v4;
	v12 =	vld [tilespmem:s8+$0x180]  }
0x1b7: {  	[tilespmem:s8+$0x120] =	vst v9;
	v9 =	vadd.f32 v10, v3;
	v15 =	vld [tilespmem:s8+$0x190]  }
0x1b8: {  	[tilespmem:s8+$0x130] =	vst v8;
	v10 =	vadd.f32 v13, v2;
	v16 =	vld [tilespmem:s8+$0x1A0]  }
.Ltmp5:
0x1b9: {  	[tilespmem:s8+$0x140] =	vst v9;
	v13 =	vadd.f32 v14, v1;
	v8 =	vld [tilespmem:s8+$0x1B0];
	(pc) =	sbr.rel @p1 .LBB2_9-.Ltmp5, $4  }
0x1ba: {  	[tilespmem:s8+$0x150] =	vst v10;
	v11 =	vadd.f32 v11, v7;
	v9 =	vld [tilespmem:s8+$0x1C0]  }
0x1bb: {  	[tilespmem:s8+$0x160] =	vst v13;
	v14 =	vadd.f32 v12, v0;
	v10 =	vld [tilespmem:s8+$0x1D0]  }
0x1bc: {  	[tilespmem:s8+$0x170] =	vst v11;
	v13 =	vadd.f32 v15, v5;
	v11 =	vld [tilespmem:s8+$0x1E0]  }
0x1bd: {  	s8 =	sadd.s32 $0x200, s8;
	v12 =	vld [tilespmem:s2+$0x0];
	[tilespmem:s2+$0x180] =	vst v14;
	v14 =	vadd.f32 v16, v6  }
0x1be: {  	[tilespmem:s2+$0x190] =	vst v13;
	v4 =	vadd.f32 v8, v4  }
0x1bf: {  	[tilespmem:s2+$0x1A0] =	vst v14;
	v3 =	vadd.f32 v9, v3  }
0x1c0: {  	[tilespmem:s2+$0x1B0] =	vst v4;
	v2 =	vadd.f32 v10, v2  }
.Ltmp6:
0x1c1: {  	[tilespmem:s2+$0x1C0] =	vst v3;
	v1 =	vadd.f32 v11, v1;
	(pc) =	sbr.rel @p0 .LBB2_12-.Ltmp6, $4  }
0x1c2: {  	v0 =	vadd.f32 v12, v0;
	[tilespmem:s2+$0x1D0] =	vst v2  }
0x1c3: {  	[tilespmem:s2+$0x1E0] =	vst v1  }
0x1c4: {  	[tilespmem:s2+$0x0] =	vst v0  }
0x1c5: {  	[hbm4b:s5+s11] =	stream.indirect.scatter [tilespmem:s21], [sflag:$0x8], $0x80, s25, s11, $0xb8;
	[tilespmem:$0x1CA80] =	vst v63  }
.Ltmp7:
0x1c6: {  	(pc) =	sbr.rel .LBB2_2-.Ltmp7, $4  }
0x1c7: {  	_ =	swait.ge [sflag:s28], $0x4000  }
0x1c8: {  	[sflag:s28] =	ssyncset.done $0x0  }
0x1c9: {  	s0 =	sadd.s32 $0x280, s0;
	s3 =	sadd.s32 $0x1, s3;
	[sflag:s28] =	ssyncadd.s32 $0xFFFFC000  }
0x1ca: {  	[tilespmem:s13], [sflag:$0x2] =	stream.indirect.gather [hbm4b:s1+s11], $0x80, s0, s11, $0xb8;
	[tilespmem:$0x1CA80] =	vst v63  }
.LBB2_13:
0x1cb: {  	_ =	sfence.sel $0x180000  }
0x1cc: {  	[bflag:$0x0] =	sbarrier.arrive $0xFFFF  }
0x1cd: {  	_ =	strace $0x90000047  }
0x1ce: {  	s0 =	stileid.u32;
	[bflag:$0x2] =	sbarrier.arrive $0xFFFF  }
0x1cf: {  	p0 =	sne.s32 s0, $0x0;
	s0 =	rddreg [dreg:$0x5]  }
0x1d0: {  	s0 =	sadd.s32 @!p0 $0x100000, s0  }
0x1d1: {  	[sflag:s0] =	ssyncadd.tile.s32 @!p0 $0x1;
	_ =	shalt  }
.Lfunc_end2:
_tile_overlayer_lowered:
.L_overlay_start_2:
0x1d2: {  	(tag) =	ssettag $0x2  }
0x1d3: {  	s0 =	rddreg [dreg:$0x0];
	s2 =	stileid.u32  }
0x1d4: {  	s1 =	rddreg [dreg:$0x1];
	p0 =	sne.s32 s2, $0x0  }
0x1d5: {  	s3 =	rddreg [dreg:$0x2];
	[bflag:$0x3] =	sbarrier.arrive $0xFFFF;
	s2 =	simm.s32 @!p0 $0x1C09  }
0x1d6: {  	[timem:s3], [sflag:s2] =	dma.local @!p0 [hbm:s0], s1  }
0x1d7: {  	s0 =	simm.s32 @!p0 $0x9  }
0x1d8: {  	_ =	swait.ge @!p0 [sflag:s0], s1  }
0x1d9: {  	s1 =	ssub.s32 @!p0 $0x0, s1;
	[sflag:s0] =	ssyncset.done @!p0 $0x0  }
0x1da: {  	[sflag:s0] =	ssyncadd.s32 @!p0 s1  }
0x1db: {  	[bflag:$0x3] =	sbarrier.arrive $0xFFFF  }
0x1dc: {  	_ =	shalt  }

</sc_bundles>
